<compile_context>
chip_gen: v7x
topology: tpu7x:2x2x1
jax: 0.10.2.dev20260603
libtpu: 0.0.44.dev20260713+nightly
codegen_flags: <defaults>
</compile_context>

<pallas_src>
import dataclasses
import functools

import jax
import jax.numpy as jnp
from jax import lax
from jax.experimental import pallas as pl
from jax.experimental.pallas import tpu as pltpu
from jax.experimental.pallas import tpu_sc as plsc

_N1 = 10000
_E1 = 320000
_D = 128
_G1 = 512
_N2 = 10000
_E2 = 320000
_G2 = 16

_NC = 2
_NS = 16
_NW = _NC * _NS

_C = 128
_SINK = 16

_NBUF = 2

_EP = ((_E1 + _NW * _C * _NBUF - 1) // (_NW * _C * _NBUF)) * (_NW * _C * _NBUF)
_RE = _EP // _C
_CPT_E = _RE // _NW

_BP = ((_N1 + _NW * 16 - 1) // (_NW * 16)) * (_NW * 16)
_NPD = 10240
_BLK = 2048
_PC1 = _G1 + _SINK
_PC2 = _G2 + _SINK


def _sc_mesh():
    return plsc.VectorSubcoreMesh(core_axis_name="c", subcore_axis_name="s")


def _sc_params():
    cp = pltpu.CompilerParams()
    if "needs_layout_passes" in pltpu.CompilerParams.__dataclass_fields__:
        cp = dataclasses.replace(cp, needs_layout_passes=False)
    return cp


def _sc_stats(dst1, dst2, b1p, b2p):
    ept = _E1 // _NW
    npt = _BP // _NW
    f32 = jnp.float32

    @functools.partial(
        pl.kernel,
        mesh=_sc_mesh(),
        compiler_params=_sc_params(),
        out_type=[
            jax.ShapeDtypeStruct((_NW, _NPD), f32),
            jax.ShapeDtypeStruct((_NW, _NPD), f32),
            jax.ShapeDtypeStruct((_NW, _PC1), f32),
            jax.ShapeDtypeStruct((_NW, _PC2), f32),
        ],
        scratch_types=[
            pltpu.VMEM((ept,), jnp.int32),
            pltpu.VMEM((ept,), jnp.int32),
            pltpu.VMEM((npt,), jnp.int32),
            pltpu.VMEM((npt,), jnp.int32),
            pltpu.VMEM((_NPD,), f32),
            pltpu.VMEM((_NPD,), f32),
            pltpu.VMEM((_PC1,), f32),
            pltpu.VMEM((_PC2,), f32),
        ],
    )
    def k(d1_hbm, d2_hbm, b1_hbm, b2_hbm, o1, o2, o3, o4,
          d1v, d2v, b1v, b2v, p1v, p2v, c1v, c2v):
        cid = lax.axis_index("c")
        sid = lax.axis_index("s")
        tid = cid * _NS + sid
        pltpu.sync_copy(d1_hbm.at[pl.ds(tid * ept, ept)], d1v)
        pltpu.sync_copy(d2_hbm.at[pl.ds(tid * ept, ept)], d2v)
        pltpu.sync_copy(b1_hbm.at[pl.ds(tid * npt, npt)], b1v)
        pltpu.sync_copy(b2_hbm.at[pl.ds(tid * npt, npt)], b2v)
        z = jnp.zeros((16,), f32)
        one = jnp.full((16,), 1.0, f32)

        @pl.loop(0, _NPD // 16)
        def _(i):
            p1v[pl.ds(i * 16, 16)] = z
            p2v[pl.ds(i * 16, 16)] = z

        @pl.loop(0, _PC1 // 16)
        def _(i):
            c1v[pl.ds(i * 16, 16)] = z

        @pl.loop(0, _PC2 // 16)
        def _(i):
            c2v[pl.ds(i * 16, 16)] = z

        @pl.loop(0, ept // 16)
        def _(i):
            plsc.addupdate_scatter(p1v, [d1v[pl.ds(i * 16, 16)]], one)
            plsc.addupdate_scatter(p2v, [d2v[pl.ds(i * 16, 16)]], one)

        @pl.loop(0, npt // 16)
        def _(i):
            plsc.addupdate_scatter(c1v, [b1v[pl.ds(i * 16, 16)]], one)
            plsc.addupdate_scatter(c2v, [b2v[pl.ds(i * 16, 16)]], one)

        pltpu.sync_copy(p1v, o1.at[tid])
        pltpu.sync_copy(p2v, o2.at[tid])
        pltpu.sync_copy(c1v, o3.at[tid])
        pltpu.sync_copy(c2v, o4.at[tid])

    return k(dst1, dst2, b1p, b2p)


def _sc_scatter_rows(streams, n_out, init):
    f32 = jnp.float32
    acc_rows = n_out + _SINK
    rps = n_out // _NS
    ns = len(streams)
    cpts = [st[3] for st in streams]
    staged = [st[4] for st in streams]
    stage_shapes = [st[0].shape for st in streams]
    hcpts = [c // 2 for c in cpts]
    scratch = [
        pltpu.VMEM((max(hcpts), _C), jnp.int32),
        pltpu.VMEM((max(hcpts), _C), jnp.int32),
        pltpu.VMEM_SHARED((acc_rows, _D), f32),
    ]
    for b in range(_NBUF):
        scratch.append(pltpu.VMEM((_C, _D), f32))
    for b in range(_NBUF):
        scratch.append(pltpu.SemaphoreType.DMA)
    for si in range(ns):
        if staged[si]:
            scratch.append(pltpu.VMEM_SHARED(stage_shapes[si], f32))

    @functools.partial(
        pl.kernel,
        mesh=_sc_mesh(),
        compiler_params=_sc_params(),
        out_type=jax.ShapeDtypeStruct((_NC, n_out, _D), f32),
        scratch_types=scratch,
    )
    def k(*refs):
        tabs = refs[0:ns]
        srcs = refs[ns:2 * ns]
        dsts = refs[2 * ns:3 * ns]
        init_hbm = refs[3 * ns]
        out_hbm = refs[3 * ns + 1]
        sc = list(refs[3 * ns + 2:])
        idxs_all, idxd_all, acc = sc[0], sc[1], sc[2]
        rows = sc[3:3 + _NBUF]
        sems = sc[3 + _NBUF:3 + 2 * _NBUF]
        stage_refs = {}
        p = 3 + 2 * _NBUF
        for si in range(ns):
            if staged[si]:
                stage_refs[si] = sc[p]
                p += 1

        cid = lax.axis_index("c")
        sid = lax.axis_index("s")
        tid = cid * _NS + sid

        pltpu.sync_copy(init_hbm.at[pl.ds(sid * rps, rps)],
                        acc.at[pl.ds(sid * rps, rps)])
        for si in range(ns):
            if staged[si]:
                t_rows = stage_shapes[si][0]
                srps = t_rows // _NS
                pltpu.sync_copy(tabs[si].at[pl.ds(sid * srps, srps)],
                                stage_refs[si].at[pl.ds(sid * srps, srps)])
        plsc.subcore_barrier()

        for si in range(ns):
            cpt = cpts[si]
            hcpt = hcpts[si]
            tab = stage_refs[si] if staged[si] else tabs[si]
            for half in range(2):
                base = tid * cpt + half * hcpt
                pltpu.sync_copy(srcs[si].at[pl.ds(base, hcpt)],
                                idxs_all.at[pl.ds(0, hcpt)])
                pltpu.sync_copy(dsts[si].at[pl.ds(base, hcpt)],
                                idxd_all.at[pl.ds(0, hcpt)])
                for b in range(_NBUF):
                    pltpu.make_async_copy(tab.at[idxs_all.at[b]], rows[b],
                                          sems[b]).start()

                @pl.loop(0, hcpt // _NBUF)
                def _(t, tab=tab, hcpt=hcpt):
                    for b in range(_NBUF):
                        j = t * _NBUF + b
                        pltpu.make_async_copy(tab.at[idxs_all.at[j]], rows[b],
                                              sems[b]).wait()
                        pltpu.sync_copy(rows[b], acc.at[idxd_all.at[j]],
                                        add=True)

                        @pl.when(j + _NBUF < hcpt)
                        def _(j=j, b=b, tab=tab):
                            pltpu.make_async_copy(
                                tab.at[idxs_all.at[j + _NBUF]],
                                rows[b], sems[b]).start()

        plsc.subcore_barrier()
        pltpu.sync_copy(acc.at[pl.ds(sid * rps, rps)],
                        out_hbm.at[cid, pl.ds(sid * rps, rps)])

    tabs = [st[0] for st in streams]
    srcs = [st[1] for st in streams]
    dsts = [st[2] for st in streams]
    return k(*tabs, *srcs, *dsts, init)


def _tc_tables(x1p, W1, degp, x2p, Wg, blk):
    n = x1p.shape[0]

    def body(x1_ref, w1_ref, dp_ref, x2_ref, wg_ref, o1_ref, o2_ref):
        deg = jnp.sum(dp_ref[...], axis=0) + 1.0
        sc = 1.0 / jnp.sqrt(deg)
        h = jnp.dot(x1_ref[...], w1_ref[...], preferred_element_type=jnp.float32)
        o1_ref[...] = h * sc[:, None]
        o2_ref[...] = jnp.dot(x2_ref[...], wg_ref[...],
                              preferred_element_type=jnp.float32)

    return pl.pallas_call(
        body,
        grid=(n // blk,),
        in_specs=[
            pl.BlockSpec((blk, _D), lambda i: (i, 0)),
            pl.BlockSpec((_D, _D), lambda i: (0, 0)),
            pl.BlockSpec((_NW, blk), lambda i: (0, i)),
            pl.BlockSpec((blk, _D), lambda i: (i, 0)),
            pl.BlockSpec((_D, _D), lambda i: (0, 0)),
        ],
        out_specs=[
            pl.BlockSpec((blk, _D), lambda i: (i, 0)),
            pl.BlockSpec((blk, _D), lambda i: (i, 0)),
        ],
        out_shape=[
            jax.ShapeDtypeStruct((n, _D), jnp.float32),
            jax.ShapeDtypeStruct((n, _D), jnp.float32),
        ],
    )(x1p, W1, degp, x2p, Wg)


def _tc_stage1_tail(accp, hs, degp, b, b1seg, cntp, wl1, bl1, wg):
    n = accp.shape[1]

    def body(a_ref, h_ref, dp_ref, b_ref, seg_ref, cp_ref, w1_ref, bl_ref,
             wg_ref, o_ref):
        a = a_ref[0] + a_ref[1] + h_ref[...]
        deg = jnp.sum(dp_ref[...], axis=0) + 1.0
        sc = 1.0 / jnp.sqrt(deg)
        h1 = jnp.tanh(a * sc[:, None] + b_ref[...])
        seg = seg_ref[...]
        m = (jax.lax.broadcasted_iota(jnp.int32, (_G1, n), 0)
             == seg).astype(jnp.float32)
        s1 = jnp.dot(m, h1, preferred_element_type=jnp.float32)
        cnt = jnp.maximum(jnp.sum(cp_ref[...], axis=0), 1.0)
        ge = s1 / cnt[:, None]
        ge = jnp.tanh(jnp.dot(ge, w1_ref[...],
                              preferred_element_type=jnp.float32) + bl_ref[...])
        o_ref[...] = jnp.dot(ge, wg_ref[...], preferred_element_type=jnp.float32)

    return pl.pallas_call(
        body,
        grid=(1,),
        in_specs=[
            pl.BlockSpec((_NC, n, _D), lambda i: (0, 0, 0)),
            pl.BlockSpec((n, _D), lambda i: (0, 0)),
            pl.BlockSpec((_NW, n), lambda i: (0, 0)),
            pl.BlockSpec((1, _D), lambda i: (0, 0)),
            pl.BlockSpec((1, n), lambda i: (0, 0)),
            pl.BlockSpec((_NW, _G1), lambda i: (0, 0)),
            pl.BlockSpec((_D, _D), lambda i: (0, 0)),
            pl.BlockSpec((1, _D), lambda i: (0, 0)),
            pl.BlockSpec((_D, _D), lambda i: (0, 0)),
        ],
        out_specs=pl.BlockSpec((_G1, _D), lambda i: (0, 0)),
        out_shape=jax.ShapeDtypeStruct((_G1, _D), jnp.float32),
    )(accp, hs, degp, b, b1seg, cntp, wl1, bl1, wg)


def _tc_stage2_tail(accp, degp, b, b2seg, cntp, wl2, bl2):
    n = accp.shape[1]

    def body(a_ref, dp_ref, b_ref, seg_ref, cp_ref, w2_ref, bl_ref, o_ref):
        a = a_ref[0] + a_ref[1]
        deg = jnp.maximum(jnp.sum(dp_ref[...], axis=0), 1.0)
        h2 = jnp.tanh(a / deg[:, None] + b_ref[...])
        seg = seg_ref[...]
        m = (jax.lax.broadcasted_iota(jnp.int32, (_G2, n), 0)
             == seg).astype(jnp.float32)
        s2 = jnp.dot(m, h2, preferred_element_type=jnp.float32)
        cnt = jnp.maximum(jnp.sum(cp_ref[...], axis=0), 1.0)
        ge = s2 / cnt[:, None]
        o_ref[...] = jnp.tanh(jnp.dot(ge, w2_ref[...],
                                      preferred_element_type=jnp.float32)
                              + bl_ref[...])

    return pl.pallas_call(
        body,
        grid=(1,),
        in_specs=[
            pl.BlockSpec((_NC, n, _D), lambda i: (0, 0, 0)),
            pl.BlockSpec((_NW, n), lambda i: (0, 0)),
            pl.BlockSpec((1, _D), lambda i: (0, 0)),
            pl.BlockSpec((1, n), lambda i: (0, 0)),
            pl.BlockSpec((_NW, _G2), lambda i: (0, 0)),
            pl.BlockSpec((_D, _D), lambda i: (0, 0)),
            pl.BlockSpec((1, _D), lambda i: (0, 0)),
        ],
        out_specs=pl.BlockSpec((_G2, _D), lambda i: (0, 0)),
        out_shape=jax.ShapeDtypeStruct((_G2, _D), jnp.float32),
    )(accp, degp, b, b2seg, cntp, wl2, bl2)


def kernel(x1, edge_index1, batch1, x2, edge_index2, edge_type, batch2,
           W1, b1, Wl1, bl1, Wg, bg, Wl2, bl2):
    i32 = jnp.int32
    f32 = jnp.float32
    x1 = x1.astype(f32)
    x2 = x2.astype(f32)
    src1 = edge_index1[0].astype(i32)
    dst1 = edge_index1[1].astype(i32)
    src2 = edge_index2[0].astype(i32)
    dst2 = edge_index2[1].astype(i32)
    et = edge_type.astype(i32)
    b1i = batch1.astype(i32)
    b2i = batch2.astype(i32)

    padE = _EP - _E1
    arE = jnp.arange(padE, dtype=i32)
    src1p = jnp.concatenate([src1, arE % _N1]).reshape(_RE, _C)
    dst1p = jnp.concatenate([dst1, _NPD + (arE % _SINK)]).reshape(_RE, _C)
    src2p = jnp.concatenate([src2, arE % _N2]).reshape(_RE, _C)
    dst2p = jnp.concatenate([dst2, _NPD + (arE % _SINK)]).reshape(_RE, _C)
    etp = jnp.concatenate([et, arE % _G1]).reshape(_RE, _C)

    zrows = jnp.zeros((_NPD - _N1, _D), f32)
    x1p = jnp.concatenate([x1, zrows])
    x2p = jnp.concatenate([x2, zrows])

    padB = _BP - _N1
    arB = jnp.arange(padB, dtype=i32)
    b1pad = jnp.concatenate([b1i, _G1 + (arB % _SINK)])
    b2pad = jnp.concatenate([b2i, _G2 + (arB % _SINK)])
    b1seg = b1pad.reshape(1, _NPD)
    b2seg = b2pad.reshape(1, _NPD)

    deg1p, deg2p, cnt1p, cnt2p = _sc_stats(dst1, dst2, b1pad, b2pad)

    hs1, xw2 = _tc_tables(x1p, W1, deg1p, x2p, Wg, _BLK)

    zN = jnp.zeros((_NPD, _D), f32)
    acc1p = _sc_scatter_rows([(hs1, src1p, dst1p, _CPT_E, False)], _NPD, zN)

    gw = _tc_stage1_tail(acc1p, hs1, deg1p, b1.reshape(1, _D), b1seg,
                         cnt1p[:, :_G1], Wl1, bl1.reshape(1, _D), Wg)

    acc2p = _sc_scatter_rows([(xw2, src2p, dst2p, _CPT_E, False),
                              (gw, etp, dst2p, _CPT_E, False)], _NPD, zN)

    out = _tc_stage2_tail(acc2p, deg2p, bg.reshape(1, _D), b2seg,
                          cnt2p[:, :_G2], Wl2, bl2.reshape(1, _D))
    return out

# --- scband reference (transcript-rebuilt; emitter-appended) ---
"""Pipeline reference for scband-multi-stage-graph-encoder-3298534883880 (READ-ONLY COPY).

The authoritative reference and input builder live on the scoring server;
editing this copy changes nothing except your own understanding.
"""

import jax, jax.numpy as jnp
import numpy as np

N1 = 10000; E1 = 320000; D = 128; G1 = 512
N2 = 10000; E2 = 320000; G2 = 16


def _segment_mean(data, seg_ids, num_segments):
    s = jax.ops.segment_sum(data, seg_ids, num_segments=num_segments)
    cnt = jax.ops.segment_sum(jnp.ones((data.shape[0],), dtype=data.dtype), seg_ids, num_segments=num_segments)
    return s / jnp.clip(cnt, 1.0)[:, None]


def _gcn_conv(x, edge_index, W, b, n):
    # standard GCNConv: add self loops, symmetric deg^-1/2 normalization, scatter-add
    loop = jnp.arange(n, dtype=edge_index.dtype)
    src = jnp.concatenate([edge_index[0], loop])
    dst = jnp.concatenate([edge_index[1], loop])
    deg = jnp.zeros((n,), dtype=x.dtype).at[dst].add(1.0)
    dinv = 1.0 / jnp.sqrt(jnp.clip(deg, 1.0))
    h = x @ W
    norm = (dinv[src] * dinv[dst])[:, None]
    msg = jnp.take(h, src, axis=0) * norm
    out = jnp.zeros((n, W.shape[1]), dtype=x.dtype).at[dst].add(msg)
    return out + b


def _gcn_edge(x, edge_index, edge_feat, W, b, n):
    # edge-featured gcn: mean-aggregate (x_src + e_ij) @ W over incoming edges
    src = edge_index[0]
    dst = edge_index[1]
    msg = (jnp.take(x, src, axis=0) + edge_feat) @ W
    agg = jnp.zeros((n, W.shape[1]), dtype=x.dtype).at[dst].add(msg)
    deg = jnp.zeros((n,), dtype=x.dtype).at[dst].add(1.0)
    return agg / jnp.clip(deg, 1.0)[:, None] + b


def setup_inputs(seed: int = 0) -> dict:
    key = jax.random.key(seed)
    ks = jax.random.split(key, 12)
    x1 = jax.random.normal(ks[0], (N1, D), dtype=jnp.float32)
    edge_index1 = jax.random.randint(ks[1], (2, E1), 0, N1)
    batch1 = jnp.sort(jax.random.randint(ks[2], (N1,), 0, G1))
    x2 = jax.random.normal(ks[3], (N2, D), dtype=jnp.float32)
    edge_index2 = jax.random.randint(ks[4], (2, E2), 0, N2)
    edge_type = jax.random.randint(ks[5], (E2,), 0, G1)
    batch2 = jnp.sort(jax.random.randint(ks[6], (N2,), 0, G2))
    W1 = jax.random.normal(ks[7], (D, D), dtype=jnp.float32) * 0.05
    b1 = jnp.zeros((D,), dtype=jnp.float32)
    Wl1 = jax.random.normal(ks[8], (D, D), dtype=jnp.float32) * 0.05
    bl1 = jnp.zeros((D,), dtype=jnp.float32)
    Wg = jax.random.normal(ks[9], (D, D), dtype=jnp.float32) * 0.05
    bg = jnp.zeros((D,), dtype=jnp.float32)
    Wl2 = jax.random.normal(ks[10], (D, D), dtype=jnp.float32) * 0.05
    bl2 = jnp.zeros((D,), dtype=jnp.float32)
    return {"x1": x1, "edge_index1": edge_index1, "batch1": batch1,
            "x2": x2, "edge_index2": edge_index2, "edge_type": edge_type, "batch2": batch2,
            "W1": W1, "b1": b1, "Wl1": Wl1, "bl1": bl1,
            "Wg": Wg, "bg": bg, "Wl2": Wl2, "bl2": bl2}


def reference(x1, edge_index1, batch1, x2, edge_index2, edge_type, batch2,
              W1, b1, Wl1, bl1, Wg, bg, Wl2, bl2):
    # stage1_gcn_encoder
    h1 = _gcn_conv(x1, edge_index1, W1, b1, N1)
    h1 = jnp.tanh(h1)
    ge1 = _segment_mean(h1, batch1, G1)            # global_mean_pool
    ge1 = jnp.tanh(ge1 @ Wl1 + bl1)                # linear1 + tanh -> [G1, D]
    # create_edge_features: gather per-edge graph embedding by edge_type
    edge_features = jnp.take(ge1, edge_type, axis=0)  # [E2, D]
    # stage2_gcn_encoder (dropout is identity in eval mode)
    h2 = _gcn_edge(x2, edge_index2, edge_features, Wg, bg, N2)
    h2 = jnp.tanh(h2)
    ge2 = _segment_mean(h2, batch2, G2)
    out = jnp.tanh(ge2 @ Wl2 + bl2)                # hierarchical_embeddings [G2, D]
    return out

if __name__ == "__main__":
    import jax
    _d = setup_inputs()
    print(jax.jit(kernel)(*tuple(_d.values())))

</pallas_src>

<mosaic_0001>
#map = affine_map<(d0, d1) -> (0)>
#map1 = affine_map<(d0, d1) -> (0, 0)>
module attributes {stable_mosaic.version = 14 : i64} {
  func.func @k(%arg0: i32, %arg1: i32, %arg2: memref<320000xi32, #tpu.memory_space<hbm>>, %arg3: memref<320000xi32, #tpu.memory_space<hbm>>, %arg4: memref<10240xi32, #tpu.memory_space<hbm>>, %arg5: memref<10240xi32, #tpu.memory_space<hbm>>, %arg6: memref<32x10240xf32, #tpu.memory_space<hbm>>, %arg7: memref<32x10240xf32, #tpu.memory_space<hbm>>, %arg8: memref<32x528xf32, #tpu.memory_space<hbm>>, %arg9: memref<32x32xf32, #tpu.memory_space<hbm>>, %arg10: memref<10000xi32, #tpu.memory_space<vmem>>, %arg11: memref<10000xi32, #tpu.memory_space<vmem>>, %arg12: memref<320xi32, #tpu.memory_space<vmem>>, %arg13: memref<320xi32, #tpu.memory_space<vmem>>, %arg14: memref<10240xf32, #tpu.memory_space<vmem>>, %arg15: memref<10240xf32, #tpu.memory_space<vmem>>, %arg16: memref<528xf32, #tpu.memory_space<vmem>>, %arg17: memref<32xf32, #tpu.memory_space<vmem>>) attributes {dimension_semantics = [#tpu.dimension_semantics<core_parallel>, #tpu.dimension_semantics<subcore_parallel>], iteration_bounds = array<i64: 2, 16>, scalar_prefetch = 0 : i64, scratch_operands = 8 : i64, tpu.core_type = #tpu.core_type<sc_vector_subcore>, window_params = [{transform_indices = #map}, {transform_indices = #map}, {transform_indices = #map}, {transform_indices = #map}, {transform_indices = #map1}, {transform_indices = #map1}, {transform_indices = #map1}, {transform_indices = #map1}]} {
    %mul3A = arith.constant 16 : i32
    %mul3A_0 = arith.muli %arg0, %mul3A : i32
    %add3A = arith.addi %mul3A_0, %arg1 : i32
    %mul3A_1 = arith.constant 10000 : i32
    %mul3A_2 = arith.muli %add3A, %mul3A_1 : i32
    "tpu.region"() ({
      %run_scoped3A = tpu.sem_alloc : memref<!tpu.dma_semaphore, #tpu.memory_space<semaphore_mem>>
      %dma_start3A = tpu.memref_slice %arg2[%mul3A_2] : memref<320000xi32, #tpu.memory_space<hbm>> -> memref<10000xi32, #tpu.memory_space<hbm>>
      %dma_start3A_36 = tpu.memref_slice %arg2[%mul3A_2] : memref<320000xi32, #tpu.memory_space<hbm>> -> memref<10000xi32, #tpu.memory_space<hbm>>
      tpu.enqueue_dma source(%dma_start3A_36 : memref<10000xi32, #tpu.memory_space<hbm>>) target(%arg10 : memref<10000xi32, #tpu.memory_space<vmem>>) target_semaphore(%run_scoped3A : memref<!tpu.dma_semaphore, #tpu.memory_space<semaphore_mem>>)
      %dma_wait3A = tpu.memref_slice %arg2[%mul3A_2] : memref<320000xi32, #tpu.memory_space<hbm>> -> memref<10000xi32, #tpu.memory_space<hbm>>
      %dma_wait3A_37 = tpu.memref_slice %arg2[%mul3A_2] : memref<320000xi32, #tpu.memory_space<hbm>> -> memref<10000xi32, #tpu.memory_space<hbm>>
      tpu.wait_dma2 semaphore(%run_scoped3A : memref<!tpu.dma_semaphore, #tpu.memory_space<semaphore_mem>>) src(%dma_wait3A_37 : memref<10000xi32, #tpu.memory_space<hbm>>) dst(%arg10 : memref<10000xi32, #tpu.memory_space<vmem>>)
      tpu.yield
    }) : () -> ()
    %mul3A_3 = arith.constant 10000 : i32
    %mul3A_4 = arith.muli %add3A, %mul3A_3 : i32
    "tpu.region"() ({
      %run_scoped3A = tpu.sem_alloc : memref<!tpu.dma_semaphore, #tpu.memory_space<semaphore_mem>>
      %dma_start3A = tpu.memref_slice %arg3[%mul3A_4] : memref<320000xi32, #tpu.memory_space<hbm>> -> memref<10000xi32, #tpu.memory_space<hbm>>
      %dma_start3A_36 = tpu.memref_slice %arg3[%mul3A_4] : memref<320000xi32, #tpu.memory_space<hbm>> -> memref<10000xi32, #tpu.memory_space<hbm>>
      tpu.enqueue_dma source(%dma_start3A_36 : memref<10000xi32, #tpu.memory_space<hbm>>) target(%arg11 : memref<10000xi32, #tpu.memory_space<vmem>>) target_semaphore(%run_scoped3A : memref<!tpu.dma_semaphore, #tpu.memory_space<semaphore_mem>>)
      %dma_wait3A = tpu.memref_slice %arg3[%mul3A_4] : memref<320000xi32, #tpu.memory_space<hbm>> -> memref<10000xi32, #tpu.memory_space<hbm>>
      %dma_wait3A_37 = tpu.memref_slice %arg3[%mul3A_4] : memref<320000xi32, #tpu.memory_space<hbm>> -> memref<10000xi32, #tpu.memory_space<hbm>>
      tpu.wait_dma2 semaphore(%run_scoped3A : memref<!tpu.dma_semaphore, #tpu.memory_space<semaphore_mem>>) src(%dma_wait3A_37 : memref<10000xi32, #tpu.memory_space<hbm>>) dst(%arg11 : memref<10000xi32, #tpu.memory_space<vmem>>)
      tpu.yield
    }) : () -> ()
    %mul3A_5 = arith.constant 320 : i32
    %mul3A_6 = arith.muli %add3A, %mul3A_5 : i32
    "tpu.region"() ({
      %run_scoped3A = tpu.sem_alloc : memref<!tpu.dma_semaphore, #tpu.memory_space<semaphore_mem>>
      %dma_start3A = tpu.memref_slice %arg4[%mul3A_6] : memref<10240xi32, #tpu.memory_space<hbm>> -> memref<320xi32, #tpu.memory_space<hbm>>
      %dma_start3A_36 = tpu.memref_slice %arg4[%mul3A_6] : memref<10240xi32, #tpu.memory_space<hbm>> -> memref<320xi32, #tpu.memory_space<hbm>>
      tpu.enqueue_dma source(%dma_start3A_36 : memref<320xi32, #tpu.memory_space<hbm>>) target(%arg12 : memref<320xi32, #tpu.memory_space<vmem>>) target_semaphore(%run_scoped3A : memref<!tpu.dma_semaphore, #tpu.memory_space<semaphore_mem>>)
      %dma_wait3A = tpu.memref_slice %arg4[%mul3A_6] : memref<10240xi32, #tpu.memory_space<hbm>> -> memref<320xi32, #tpu.memory_space<hbm>>
      %dma_wait3A_37 = tpu.memref_slice %arg4[%mul3A_6] : memref<10240xi32, #tpu.memory_space<hbm>> -> memref<320xi32, #tpu.memory_space<hbm>>
      tpu.wait_dma2 semaphore(%run_scoped3A : memref<!tpu.dma_semaphore, #tpu.memory_space<semaphore_mem>>) src(%dma_wait3A_37 : memref<320xi32, #tpu.memory_space<hbm>>) dst(%arg12 : memref<320xi32, #tpu.memory_space<vmem>>)
      tpu.yield
    }) : () -> ()
    %mul3A_7 = arith.constant 320 : i32
    %mul3A_8 = arith.muli %add3A, %mul3A_7 : i32
    "tpu.region"() ({
      %run_scoped3A = tpu.sem_alloc : memref<!tpu.dma_semaphore, #tpu.memory_space<semaphore_mem>>
      %dma_start3A = tpu.memref_slice %arg5[%mul3A_8] : memref<10240xi32, #tpu.memory_space<hbm>> -> memref<320xi32, #tpu.memory_space<hbm>>
      %dma_start3A_36 = tpu.memref_slice %arg5[%mul3A_8] : memref<10240xi32, #tpu.memory_space<hbm>> -> memref<320xi32, #tpu.memory_space<hbm>>
      tpu.enqueue_dma source(%dma_start3A_36 : memref<320xi32, #tpu.memory_space<hbm>>) target(%arg13 : memref<320xi32, #tpu.memory_space<vmem>>) target_semaphore(%run_scoped3A : memref<!tpu.dma_semaphore, #tpu.memory_space<semaphore_mem>>)
      %dma_wait3A = tpu.memref_slice %arg5[%mul3A_8] : memref<10240xi32, #tpu.memory_space<hbm>> -> memref<320xi32, #tpu.memory_space<hbm>>
      %dma_wait3A_37 = tpu.memref_slice %arg5[%mul3A_8] : memref<10240xi32, #tpu.memory_space<hbm>> -> memref<320xi32, #tpu.memory_space<hbm>>
      tpu.wait_dma2 semaphore(%run_scoped3A : memref<!tpu.dma_semaphore, #tpu.memory_space<semaphore_mem>>) src(%dma_wait3A_37 : memref<320xi32, #tpu.memory_space<hbm>>) dst(%arg13 : memref<320xi32, #tpu.memory_space<vmem>>)
      tpu.yield
    }) : () -> ()
    %broadcast_in_dim3A = arith.constant 0.000000e+00 : f32
    %broadcast_in_dim3A_9 = vector.broadcast %broadcast_in_dim3A : f32 to vector<16xf32>
    %broadcast_in_dim3A_10 = arith.constant 1.000000e+00 : f32
    %broadcast_in_dim3A_11 = vector.broadcast %broadcast_in_dim3A_10 : f32 to vector<16xf32>
    %scan3A = arith.constant 0 : i32
    %scan3A_12 = arith.constant 640 : i32
    %scan3A_13 = arith.addi %scan3A, %scan3A_12 : i32
    %scan3A_14 = arith.constant 1 : i32
    scf.for %scan3A_36 = %scan3A to %scan3A_13 step %scan3A_14  : i32 {
      %mul3A_37 = arith.constant 1 : i32
      %mul3A_38 = arith.muli %scan3A_36, %mul3A_37 : i32
      %add3A_39 = arith.constant 0 : i32
      %add3A_40 = arith.addi %add3A_39, %mul3A_38 : i32
      %mul3A_41 = arith.constant 16 : i32
      %mul3A_42 = arith.muli %add3A_40, %mul3A_41 : i32
      %swap3A = arith.index_cast %mul3A_42 : i32 to index
      %swap3A_43 = tpu.vector_load %arg14[%swap3A] {strides = array<i32>} : memref<10240xf32, #tpu.memory_space<vmem>>, vector<16xf32>,
      tpu.vector_store %arg14[%swap3A], %broadcast_in_dim3A_9 {strides = array<i32>} : memref<10240xf32, #tpu.memory_space<vmem>>, vector<16xf32>,
      %mul3A_44 = arith.constant 16 : i32
      %mul3A_45 = arith.muli %add3A_40, %mul3A_44 : i32
      %swap3A_46 = arith.index_cast %mul3A_45 : i32 to index
      %swap3A_47 = tpu.vector_load %arg15[%swap3A_46] {strides = array<i32>} : memref<10240xf32, #tpu.memory_space<vmem>>, vector<16xf32>,
      tpu.vector_store %arg15[%swap3A_46], %broadcast_in_dim3A_9 {strides = array<i32>} : memref<10240xf32, #tpu.memory_space<vmem>>, vector<16xf32>,
    }
    %scan3A_15 = arith.constant 640 : i32
    %scan3A_16 = arith.constant 0 : i32
    %scan3A_17 = arith.constant 33 : i32
    %scan3A_18 = arith.addi %scan3A_16, %scan3A_17 : i32
    %scan3A_19 = arith.constant 1 : i32
    scf.for %scan3A_36 = %scan3A_16 to %scan3A_18 step %scan3A_19  : i32 {
      %mul3A_37 = arith.constant 1 : i32
      %mul3A_38 = arith.muli %scan3A_36, %mul3A_37 : i32
      %add3A_39 = arith.constant 0 : i32
      %add3A_40 = arith.addi %add3A_39, %mul3A_38 : i32
      %mul3A_41 = arith.constant 16 : i32
      %mul3A_42 = arith.muli %add3A_40, %mul3A_41 : i32
      %swap3A = arith.index_cast %mul3A_42 : i32 to index
      %swap3A_43 = tpu.vector_load %arg16[%swap3A] {strides = array<i32>} : memref<528xf32, #tpu.memory_space<vmem>>, vector<16xf32>,
      tpu.vector_store %arg16[%swap3A], %broadcast_in_dim3A_9 {strides = array<i32>} : memref<528xf32, #tpu.memory_space<vmem>>, vector<16xf32>,
    }
    %scan3A_20 = arith.constant 33 : i32
    %scan3A_21 = arith.constant 0 : i32
    %scan3A_22 = arith.constant 2 : i32
    %scan3A_23 = arith.addi %scan3A_21, %scan3A_22 : i32
    %scan3A_24 = arith.constant 1 : i32
    scf.for %scan3A_36 = %scan3A_21 to %scan3A_23 step %scan3A_24  : i32 {
      %mul3A_37 = arith.constant 1 : i32
      %mul3A_38 = arith.muli %scan3A_36, %mul3A_37 : i32
      %add3A_39 = arith.constant 0 : i32
      %add3A_40 = arith.addi %add3A_39, %mul3A_38 : i32
      %mul3A_41 = arith.constant 16 : i32
      %mul3A_42 = arith.muli %add3A_40, %mul3A_41 : i32
      %swap3A = arith.index_cast %mul3A_42 : i32 to index
      %swap3A_43 = tpu.vector_load %arg17[%swap3A] {strides = array<i32>} : memref<32xf32, #tpu.memory_space<vmem>>, vector<16xf32>,
      tpu.vector_store %arg17[%swap3A], %broadcast_in_dim3A_9 {strides = array<i32>} : memref<32xf32, #tpu.memory_space<vmem>>, vector<16xf32>,
    }
    %scan3A_25 = arith.constant 2 : i32
    %scan3A_26 = arith.constant 0 : i32
    %scan3A_27 = arith.constant 625 : i32
    %scan3A_28 = arith.addi %scan3A_26, %scan3A_27 : i32
    %scan3A_29 = arith.constant 1 : i32
    scf.for %scan3A_36 = %scan3A_26 to %scan3A_28 step %scan3A_29  : i32 {
      %mul3A_37 = arith.constant 1 : i32
      %mul3A_38 = arith.muli %scan3A_36, %mul3A_37 : i32
      %add3A_39 = arith.constant 0 : i32
      %add3A_40 = arith.addi %add3A_39, %mul3A_38 : i32
      %mul3A_41 = arith.constant 16 : i32
      %mul3A_42 = arith.muli %add3A_40, %mul3A_41 : i32
      %get3A = arith.index_cast %mul3A_42 : i32 to index
      %get3A_43 = tpu.vector_load %arg10[%get3A] {strides = array<i32>} : memref<10000xi32, #tpu.memory_space<vmem>>, vector<16xi32>,
      tpu.vector_store_idx %arg14[%get3A_43], %broadcast_in_dim3A_11 {add = true} : memref<10240xf32, #tpu.memory_space<vmem>>[vector<16xi32>], vector<16xf32>,
      %mul3A_44 = arith.constant 16 : i32
      %mul3A_45 = arith.muli %add3A_40, %mul3A_44 : i32
      %get3A_46 = arith.index_cast %mul3A_45 : i32 to index
      %get3A_47 = tpu.vector_load %arg11[%get3A_46] {strides = array<i32>} : memref<10000xi32, #tpu.memory_space<vmem>>, vector<16xi32>,
      tpu.vector_store_idx %arg15[%get3A_47], %broadcast_in_dim3A_11 {add = true} : memref<10240xf32, #tpu.memory_space<vmem>>[vector<16xi32>], vector<16xf32>,
    }
    %scan3A_30 = arith.constant 625 : i32
    %scan3A_31 = arith.constant 0 : i32
    %scan3A_32 = arith.constant 20 : i32
    %scan3A_33 = arith.addi %scan3A_31, %scan3A_32 : i32
    %scan3A_34 = arith.constant 1 : i32
    scf.for %scan3A_36 = %scan3A_31 to %scan3A_33 step %scan3A_34  : i32 {
      %mul3A_37 = arith.constant 1 : i32
      %mul3A_38 = arith.muli %scan3A_36, %mul3A_37 : i32
      %add3A_39 = arith.constant 0 : i32
      %add3A_40 = arith.addi %add3A_39, %mul3A_38 : i32
      %mul3A_41 = arith.constant 16 : i32
      %mul3A_42 = arith.muli %add3A_40, %mul3A_41 : i32
      %get3A = arith.index_cast %mul3A_42 : i32 to index
      %get3A_43 = tpu.vector_load %arg12[%get3A] {strides = array<i32>} : memref<320xi32, #tpu.memory_space<vmem>>, vector<16xi32>,
      tpu.vector_store_idx %arg16[%get3A_43], %broadcast_in_dim3A_11 {add = true} : memref<528xf32, #tpu.memory_space<vmem>>[vector<16xi32>], vector<16xf32>,
      %mul3A_44 = arith.constant 16 : i32
      %mul3A_45 = arith.muli %add3A_40, %mul3A_44 : i32
      %get3A_46 = arith.index_cast %mul3A_45 : i32 to index
      %get3A_47 = tpu.vector_load %arg13[%get3A_46] {strides = array<i32>} : memref<320xi32, #tpu.memory_space<vmem>>, vector<16xi32>,
      tpu.vector_store_idx %arg17[%get3A_47], %broadcast_in_dim3A_11 {add = true} : memref<32xf32, #tpu.memory_space<vmem>>[vector<16xi32>], vector<16xf32>,
    }
    %scan3A_35 = arith.constant 20 : i32
    "tpu.region"() ({
      %run_scoped3A = tpu.sem_alloc : memref<!tpu.dma_semaphore, #tpu.memory_space<semaphore_mem>>
      %dma_start3A = arith.constant 0 : i32
      %dma_start3A_36 = tpu.memref_slice %arg6[%add3A, %dma_start3A] : memref<32x10240xf32, #tpu.memory_space<hbm>> -> memref<1x10240xf32, #tpu.memory_space<hbm>>
      %dma_start3A_37 = tpu.memref_squeeze %dma_start3A_36 : memref<1x10240xf32, #tpu.memory_space<hbm>> -> memref<10240xf32, #tpu.memory_space<hbm>>
      %dma_start3A_38 = arith.constant 0 : i32
      %dma_start3A_39 = tpu.memref_slice %arg6[%add3A, %dma_start3A_38] : memref<32x10240xf32, #tpu.memory_space<hbm>> -> memref<1x10240xf32, #tpu.memory_space<hbm>>
      %dma_start3A_40 = tpu.memref_squeeze %dma_start3A_39 : memref<1x10240xf32, #tpu.memory_space<hbm>> -> memref<10240xf32, #tpu.memory_space<hbm>>
      tpu.enqueue_dma source(%arg14 : memref<10240xf32, #tpu.memory_space<vmem>>) target(%dma_start3A_40 : memref<10240xf32, #tpu.memory_space<hbm>>) target_semaphore(%run_scoped3A : memref<!tpu.dma_semaphore, #tpu.memory_space<semaphore_mem>>)
      %dma_wait3A = arith.constant 0 : i32
      %dma_wait3A_41 = tpu.memref_slice %arg6[%add3A, %dma_wait3A] : memref<32x10240xf32, #tpu.memory_space<hbm>> -> memref<1x10240xf32, #tpu.memory_space<hbm>>
      %dma_wait3A_42 = tpu.memref_squeeze %dma_wait3A_41 : memref<1x10240xf32, #tpu.memory_space<hbm>> -> memref<10240xf32, #tpu.memory_space<hbm>>
      %dma_wait3A_43 = arith.constant 0 : i32
      %dma_wait3A_44 = tpu.memref_slice %arg6[%add3A, %dma_wait3A_43] : memref<32x10240xf32, #tpu.memory_space<hbm>> -> memref<1x10240xf32, #tpu.memory_space<hbm>>
      %dma_wait3A_45 = tpu.memref_squeeze %dma_wait3A_44 : memref<1x10240xf32, #tpu.memory_space<hbm>> -> memref<10240xf32, #tpu.memory_space<hbm>>
      tpu.wait_dma2 semaphore(%run_scoped3A : memref<!tpu.dma_semaphore, #tpu.memory_space<semaphore_mem>>) src(%arg14 : memref<10240xf32, #tpu.memory_space<vmem>>) dst(%dma_wait3A_45 : memref<10240xf32, #tpu.memory_space<hbm>>)
      tpu.yield
    }) : () -> ()
    "tpu.region"() ({
      %run_scoped3A = tpu.sem_alloc : memref<!tpu.dma_semaphore, #tpu.memory_space<semaphore_mem>>
      %dma_start3A = arith.constant 0 : i32
      %dma_start3A_36 = tpu.memref_slice %arg7[%add3A, %dma_start3A] : memref<32x10240xf32, #tpu.memory_space<hbm>> -> memref<1x10240xf32, #tpu.memory_space<hbm>>
      %dma_start3A_37 = tpu.memref_squeeze %dma_start3A_36 : memref<1x10240xf32, #tpu.memory_space<hbm>> -> memref<10240xf32, #tpu.memory_space<hbm>>
      %dma_start3A_38 = arith.constant 0 : i32
      %dma_start3A_39 = tpu.memref_slice %arg7[%add3A, %dma_start3A_38] : memref<32x10240xf32, #tpu.memory_space<hbm>> -> memref<1x10240xf32, #tpu.memory_space<hbm>>
      %dma_start3A_40 = tpu.memref_squeeze %dma_start3A_39 : memref<1x10240xf32, #tpu.memory_space<hbm>> -> memref<10240xf32, #tpu.memory_space<hbm>>
      tpu.enqueue_dma source(%arg15 : memref<10240xf32, #tpu.memory_space<vmem>>) target(%dma_start3A_40 : memref<10240xf32, #tpu.memory_space<hbm>>) target_semaphore(%run_scoped3A : memref<!tpu.dma_semaphore, #tpu.memory_space<semaphore_mem>>)
      %dma_wait3A = arith.constant 0 : i32
      %dma_wait3A_41 = tpu.memref_slice %arg7[%add3A, %dma_wait3A] : memref<32x10240xf32, #tpu.memory_space<hbm>> -> memref<1x10240xf32, #tpu.memory_space<hbm>>
      %dma_wait3A_42 = tpu.memref_squeeze %dma_wait3A_41 : memref<1x10240xf32, #tpu.memory_space<hbm>> -> memref<10240xf32, #tpu.memory_space<hbm>>
      %dma_wait3A_43 = arith.constant 0 : i32
      %dma_wait3A_44 = tpu.memref_slice %arg7[%add3A, %dma_wait3A_43] : memref<32x10240xf32, #tpu.memory_space<hbm>> -> memref<1x10240xf32, #tpu.memory_space<hbm>>
      %dma_wait3A_45 = tpu.memref_squeeze %dma_wait3A_44 : memref<1x10240xf32, #tpu.memory_space<hbm>> -> memref<10240xf32, #tpu.memory_space<hbm>>
      tpu.wait_dma2 semaphore(%run_scoped3A : memref<!tpu.dma_semaphore, #tpu.memory_space<semaphore_mem>>) src(%arg15 : memref<10240xf32, #tpu.memory_space<vmem>>) dst(%dma_wait3A_45 : memref<10240xf32, #tpu.memory_space<hbm>>)
      tpu.yield
    }) : () -> ()
    "tpu.region"() ({
      %run_scoped3A = tpu.sem_alloc : memref<!tpu.dma_semaphore, #tpu.memory_space<semaphore_mem>>
      %dma_start3A = arith.constant 0 : i32
      %dma_start3A_36 = tpu.memref_slice %arg8[%add3A, %dma_start3A] : memref<32x528xf32, #tpu.memory_space<hbm>> -> memref<1x528xf32, #tpu.memory_space<hbm>>
      %dma_start3A_37 = tpu.memref_squeeze %dma_start3A_36 : memref<1x528xf32, #tpu.memory_space<hbm>> -> memref<528xf32, #tpu.memory_space<hbm>>
      %dma_start3A_38 = arith.constant 0 : i32
      %dma_start3A_39 = tpu.memref_slice %arg8[%add3A, %dma_start3A_38] : memref<32x528xf32, #tpu.memory_space<hbm>> -> memref<1x528xf32, #tpu.memory_space<hbm>>
      %dma_start3A_40 = tpu.memref_squeeze %dma_start3A_39 : memref<1x528xf32, #tpu.memory_space<hbm>> -> memref<528xf32, #tpu.memory_space<hbm>>
      tpu.enqueue_dma source(%arg16 : memref<528xf32, #tpu.memory_space<vmem>>) target(%dma_start3A_40 : memref<528xf32, #tpu.memory_space<hbm>>) target_semaphore(%run_scoped3A : memref<!tpu.dma_semaphore, #tpu.memory_space<semaphore_mem>>)
      %dma_wait3A = arith.constant 0 : i32
      %dma_wait3A_41 = tpu.memref_slice %arg8[%add3A, %dma_wait3A] : memref<32x528xf32, #tpu.memory_space<hbm>> -> memref<1x528xf32, #tpu.memory_space<hbm>>
      %dma_wait3A_42 = tpu.memref_squeeze %dma_wait3A_41 : memref<1x528xf32, #tpu.memory_space<hbm>> -> memref<528xf32, #tpu.memory_space<hbm>>
      %dma_wait3A_43 = arith.constant 0 : i32
      %dma_wait3A_44 = tpu.memref_slice %arg8[%add3A, %dma_wait3A_43] : memref<32x528xf32, #tpu.memory_space<hbm>> -> memref<1x528xf32, #tpu.memory_space<hbm>>
      %dma_wait3A_45 = tpu.memref_squeeze %dma_wait3A_44 : memref<1x528xf32, #tpu.memory_space<hbm>> -> memref<528xf32, #tpu.memory_space<hbm>>
      tpu.wait_dma2 semaphore(%run_scoped3A : memref<!tpu.dma_semaphore, #tpu.memory_space<semaphore_mem>>) src(%arg16 : memref<528xf32, #tpu.memory_space<vmem>>) dst(%dma_wait3A_45 : memref<528xf32, #tpu.memory_space<hbm>>)
      tpu.yield
    }) : () -> ()
    "tpu.region"() ({
      %run_scoped3A = tpu.sem_alloc : memref<!tpu.dma_semaphore, #tpu.memory_space<semaphore_mem>>
      %dma_start3A = arith.constant 0 : i32
      %dma_start3A_36 = tpu.memref_slice %arg9[%add3A, %dma_start3A] : memref<32x32xf32, #tpu.memory_space<hbm>> -> memref<1x32xf32, #tpu.memory_space<hbm>>
      %dma_start3A_37 = tpu.memref_squeeze %dma_start3A_36 : memref<1x32xf32, #tpu.memory_space<hbm>> -> memref<32xf32, #tpu.memory_space<hbm>>
      %dma_start3A_38 = arith.constant 0 : i32
      %dma_start3A_39 = tpu.memref_slice %arg9[%add3A, %dma_start3A_38] : memref<32x32xf32, #tpu.memory_space<hbm>> -> memref<1x32xf32, #tpu.memory_space<hbm>>
      %dma_start3A_40 = tpu.memref_squeeze %dma_start3A_39 : memref<1x32xf32, #tpu.memory_space<hbm>> -> memref<32xf32, #tpu.memory_space<hbm>>
      tpu.enqueue_dma source(%arg17 : memref<32xf32, #tpu.memory_space<vmem>>) target(%dma_start3A_40 : memref<32xf32, #tpu.memory_space<hbm>>) target_semaphore(%run_scoped3A : memref<!tpu.dma_semaphore, #tpu.memory_space<semaphore_mem>>)
      %dma_wait3A = arith.constant 0 : i32
      %dma_wait3A_41 = tpu.memref_slice %arg9[%add3A, %dma_wait3A] : memref<32x32xf32, #tpu.memory_space<hbm>> -> memref<1x32xf32, #tpu.memory_space<hbm>>
      %dma_wait3A_42 = tpu.memref_squeeze %dma_wait3A_41 : memref<1x32xf32, #tpu.memory_space<hbm>> -> memref<32xf32, #tpu.memory_space<hbm>>
      %dma_wait3A_43 = arith.constant 0 : i32
      %dma_wait3A_44 = tpu.memref_slice %arg9[%add3A, %dma_wait3A_43] : memref<32x32xf32, #tpu.memory_space<hbm>> -> memref<1x32xf32, #tpu.memory_space<hbm>>
      %dma_wait3A_45 = tpu.memref_squeeze %dma_wait3A_44 : memref<1x32xf32, #tpu.memory_space<hbm>> -> memref<32xf32, #tpu.memory_space<hbm>>
      tpu.wait_dma2 semaphore(%run_scoped3A : memref<!tpu.dma_semaphore, #tpu.memory_space<semaphore_mem>>) src(%arg17 : memref<32xf32, #tpu.memory_space<vmem>>) dst(%dma_wait3A_45 : memref<32xf32, #tpu.memory_space<hbm>>)
      tpu.yield
    }) : () -> ()
    return
  }
}

#map = affine_map<(d0, d1) -> (0, 0)>
#map1 = affine_map<(d0, d1) -> (0, 0, 0)>
module attributes {stable_mosaic.version = 14 : i64} {
  func.func @k(%arg0: i32, %arg1: i32, %arg2: memref<10240x128xf32, #tpu.memory_space<hbm>>, %arg3: memref<512x128xf32, #tpu.memory_space<hbm>>, %arg4: memref<2560x128xi32, #tpu.memory_space<hbm>>, %arg5: memref<2560x128xi32, #tpu.memory_space<hbm>>, %arg6: memref<2560x128xi32, #tpu.memory_space<hbm>>, %arg7: memref<2560x128xi32, #tpu.memory_space<hbm>>, %arg8: memref<10240x128xf32, #tpu.memory_space<hbm>>, %arg9: memref<2x10240x128xf32, #tpu.memory_space<hbm>>, %arg10: memref<40x128xi32, #tpu.memory_space<vmem>>, %arg11: memref<40x128xi32, #tpu.memory_space<vmem>>, %arg12: memref<10256x128xf32, #tpu.memory_space<vmem_shared>>, %arg13: memref<128x128xf32, #tpu.memory_space<vmem>>, %arg14: memref<128x128xf32, #tpu.memory_space<vmem>>, %arg15: memref<!tpu.dma_semaphore, #tpu.memory_space<semaphore_mem>>, %arg16: memref<!tpu.dma_semaphore, #tpu.memory_space<semaphore_mem>>) attributes {dimension_semantics = [#tpu.dimension_semantics<core_parallel>, #tpu.dimension_semantics<subcore_parallel>], iteration_bounds = array<i64: 2, 16>, scalar_prefetch = 0 : i64, scratch_operands = 7 : i64, tpu.core_type = #tpu.core_type<sc_vector_subcore>, window_params = [{transform_indices = #map}, {transform_indices = #map}, {transform_indices = #map}, {transform_indices = #map}, {transform_indices = #map}, {transform_indices = #map}, {transform_indices = #map}, {transform_indices = #map1}]} {
    %mul3A = arith.constant 16 : i32
    %mul3A_0 = arith.muli %arg0, %mul3A : i32
    %add3A = arith.addi %mul3A_0, %arg1 : i32
    %mul3A_1 = arith.constant 640 : i32
    %mul3A_2 = arith.muli %arg1, %mul3A_1 : i32
    %mul3A_3 = arith.constant 640 : i32
    %mul3A_4 = arith.muli %arg1, %mul3A_3 : i32
    "tpu.region"() ({
      %run_scoped3A = tpu.sem_alloc : memref<!tpu.dma_semaphore, #tpu.memory_space<semaphore_mem>>
      %dma_start3A_100 = arith.constant 0 : i32
      %dma_start3A_101 = tpu.memref_slice %arg12[%mul3A_4, %dma_start3A_100] : memref<10256x128xf32, #tpu.memory_space<vmem_shared>> -> memref<640x128xf32, #tpu.memory_space<vmem_shared>>
      %dma_start3A_102 = arith.constant 0 : i32
      %dma_start3A_103 = tpu.memref_slice %arg8[%mul3A_2, %dma_start3A_102] : memref<10240x128xf32, #tpu.memory_space<hbm>> -> memref<640x128xf32, #tpu.memory_space<hbm>>
      tpu.enqueue_dma source(%dma_start3A_103 : memref<640x128xf32, #tpu.memory_space<hbm>>) target(%dma_start3A_101 : memref<640x128xf32, #tpu.memory_space<vmem_shared>>) target_semaphore(%run_scoped3A : memref<!tpu.dma_semaphore, #tpu.memory_space<semaphore_mem>>)
      %dma_wait3A = arith.constant 0 : i32
      %dma_wait3A_104 = tpu.memref_slice %arg12[%mul3A_4, %dma_wait3A] : memref<10256x128xf32, #tpu.memory_space<vmem_shared>> -> memref<640x128xf32, #tpu.memory_space<vmem_shared>>
      %dma_wait3A_105 = arith.constant 0 : i32
      %dma_wait3A_106 = tpu.memref_slice %arg8[%mul3A_2, %dma_wait3A_105] : memref<10240x128xf32, #tpu.memory_space<hbm>> -> memref<640x128xf32, #tpu.memory_space<hbm>>
      tpu.wait_dma2 semaphore(%run_scoped3A : memref<!tpu.dma_semaphore, #tpu.memory_space<semaphore_mem>>) src(%dma_wait3A_106 : memref<640x128xf32, #tpu.memory_space<hbm>>) dst(%dma_wait3A_104 : memref<640x128xf32, #tpu.memory_space<vmem_shared>>)
      tpu.yield
    }) : () -> ()
    %barrier3A = arith.constant 0 : index
    tpu.barrier barrier_id(%barrier3A)
    %mul3A_5 = arith.constant 80 : i32
    %mul3A_6 = arith.muli %add3A, %mul3A_5 : i32
    %add3A_7 = arith.constant 0 : i32
    %add3A_8 = arith.addi %mul3A_6, %add3A_7 : i32
    "tpu.region"() ({
      %run_scoped3A = tpu.sem_alloc : memref<!tpu.dma_semaphore, #tpu.memory_space<semaphore_mem>>
      %dma_start3A_100 = arith.constant 0 : i32
      %dma_start3A_101 = arith.constant 0 : i32
      %dma_start3A_102 = tpu.memref_slice %arg10[%dma_start3A_100, %dma_start3A_101] : memref<40x128xi32, #tpu.memory_space<vmem>> -> memref<40x128xi32, #tpu.memory_space<vmem>>
      %dma_start3A_103 = arith.constant 0 : i32
      %dma_start3A_104 = tpu.memref_slice %arg4[%add3A_8, %dma_start3A_103] : memref<2560x128xi32, #tpu.memory_space<hbm>> -> memref<40x128xi32, #tpu.memory_space<hbm>>
      %dma_start3A_105 = arith.constant 0 : i32
      %dma_start3A_106 = arith.constant 0 : i32
      %dma_start3A_107 = tpu.memref_slice %arg10[%dma_start3A_105, %dma_start3A_106] : memref<40x128xi32, #tpu.memory_space<vmem>> -> memref<40x128xi32, #tpu.memory_space<vmem>>
      %dma_start3A_108 = arith.constant 0 : i32
      %dma_start3A_109 = tpu.memref_slice %arg4[%add3A_8, %dma_start3A_108] : memref<2560x128xi32, #tpu.memory_space<hbm>> -> memref<40x128xi32, #tpu.memory_space<hbm>>
      tpu.enqueue_dma source(%dma_start3A_109 : memref<40x128xi32, #tpu.memory_space<hbm>>) target(%dma_start3A_107 : memref<40x128xi32, #tpu.memory_space<vmem>>) target_semaphore(%run_scoped3A : memref<!tpu.dma_semaphore, #tpu.memory_space<semaphore_mem>>)
      %dma_wait3A = arith.constant 0 : i32
      %dma_wait3A_110 = arith.constant 0 : i32
      %dma_wait3A_111 = tpu.memref_slice %arg10[%dma_wait3A, %dma_wait3A_110] : memref<40x128xi32, #tpu.memory_space<vmem>> -> memref<40x128xi32, #tpu.memory_space<vmem>>
      %dma_wait3A_112 = arith.constant 0 : i32
      %dma_wait3A_113 = tpu.memref_slice %arg4[%add3A_8, %dma_wait3A_112] : memref<2560x128xi32, #tpu.memory_space<hbm>> -> memref<40x128xi32, #tpu.memory_space<hbm>>
      %dma_wait3A_114 = arith.constant 0 : i32
      %dma_wait3A_115 = arith.constant 0 : i32
      %dma_wait3A_116 = tpu.memref_slice %arg10[%dma_wait3A_114, %dma_wait3A_115] : memref<40x128xi32, #tpu.memory_space<vmem>> -> memref<40x128xi32, #tpu.memory_space<vmem>>
      %dma_wait3A_117 = arith.constant 0 : i32
      %dma_wait3A_118 = tpu.memref_slice %arg4[%add3A_8, %dma_wait3A_117] : memref<2560x128xi32, #tpu.memory_space<hbm>> -> memref<40x128xi32, #tpu.memory_space<hbm>>
      tpu.wait_dma2 semaphore(%run_scoped3A : memref<!tpu.dma_semaphore, #tpu.memory_space<semaphore_mem>>) src(%dma_wait3A_118 : memref<40x128xi32, #tpu.memory_space<hbm>>) dst(%dma_wait3A_116 : memref<40x128xi32, #tpu.memory_space<vmem>>)
      tpu.yield
    }) : () -> ()
    "tpu.region"() ({
      %run_scoped3A = tpu.sem_alloc : memref<!tpu.dma_semaphore, #tpu.memory_space<semaphore_mem>>
      %dma_start3A_100 = arith.constant 0 : i32
      %dma_start3A_101 = arith.constant 0 : i32
      %dma_start3A_102 = tpu.memref_slice %arg11[%dma_start3A_100, %dma_start3A_101] : memref<40x128xi32, #tpu.memory_space<vmem>> -> memref<40x128xi32, #tpu.memory_space<vmem>>
      %dma_start3A_103 = arith.constant 0 : i32
      %dma_start3A_104 = tpu.memref_slice %arg6[%add3A_8, %dma_start3A_103] : memref<2560x128xi32, #tpu.memory_space<hbm>> -> memref<40x128xi32, #tpu.memory_space<hbm>>
      %dma_start3A_105 = arith.constant 0 : i32
      %dma_start3A_106 = arith.constant 0 : i32
      %dma_start3A_107 = tpu.memref_slice %arg11[%dma_start3A_105, %dma_start3A_106] : memref<40x128xi32, #tpu.memory_space<vmem>> -> memref<40x128xi32, #tpu.memory_space<vmem>>
      %dma_start3A_108 = arith.constant 0 : i32
      %dma_start3A_109 = tpu.memref_slice %arg6[%add3A_8, %dma_start3A_108] : memref<2560x128xi32, #tpu.memory_space<hbm>> -> memref<40x128xi32, #tpu.memory_space<hbm>>
      tpu.enqueue_dma source(%dma_start3A_109 : memref<40x128xi32, #tpu.memory_space<hbm>>) target(%dma_start3A_107 : memref<40x128xi32, #tpu.memory_space<vmem>>) target_semaphore(%run_scoped3A : memref<!tpu.dma_semaphore, #tpu.memory_space<semaphore_mem>>)
      %dma_wait3A = arith.constant 0 : i32
      %dma_wait3A_110 = arith.constant 0 : i32
      %dma_wait3A_111 = tpu.memref_slice %arg11[%dma_wait3A, %dma_wait3A_110] : memref<40x128xi32, #tpu.memory_space<vmem>> -> memref<40x128xi32, #tpu.memory_space<vmem>>
      %dma_wait3A_112 = arith.constant 0 : i32
      %dma_wait3A_113 = tpu.memref_slice %arg6[%add3A_8, %dma_wait3A_112] : memref<2560x128xi32, #tpu.memory_space<hbm>> -> memref<40x128xi32, #tpu.memory_space<hbm>>
      %dma_wait3A_114 = arith.constant 0 : i32
      %dma_wait3A_115 = arith.constant 0 : i32
      %dma_wait3A_116 = tpu.memref_slice %arg11[%dma_wait3A_114, %dma_wait3A_115] : memref<40x128xi32, #tpu.memory_space<vmem>> -> memref<40x128xi32, #tpu.memory_space<vmem>>
      %dma_wait3A_117 = arith.constant 0 : i32
      %dma_wait3A_118 = tpu.memref_slice %arg6[%add3A_8, %dma_wait3A_117] : memref<2560x128xi32, #tpu.memory_space<hbm>> -> memref<40x128xi32, #tpu.memory_space<hbm>>
      tpu.wait_dma2 semaphore(%run_scoped3A : memref<!tpu.dma_semaphore, #tpu.memory_space<semaphore_mem>>) src(%dma_wait3A_118 : memref<40x128xi32, #tpu.memory_space<hbm>>) dst(%dma_wait3A_116 : memref<40x128xi32, #tpu.memory_space<vmem>>)
      tpu.yield
    }) : () -> ()
    %dma_start3A = arith.constant 0 : i32
    %dma_start3A_9 = arith.constant 0 : i32
    %dma_start3A_10 = tpu.memref_slice %arg10[%dma_start3A, %dma_start3A_9] : memref<40x128xi32, #tpu.memory_space<vmem>> -> memref<1x128xi32, #tpu.memory_space<vmem>>
    %dma_start3A_11 = tpu.memref_squeeze %dma_start3A_10 : memref<1x128xi32, #tpu.memory_space<vmem>> -> memref<128xi32, #tpu.memory_space<vmem>>
    %dma_start3A_12 = arith.constant 0 : i32
    %dma_start3A_13 = arith.constant 0 : i32
    %dma_start3A_14 = tpu.memref_slice %arg2[%dma_start3A_12, %dma_start3A_13] : memref<10240x128xf32, #tpu.memory_space<hbm>> -> memref<10240x128xf32, #tpu.memory_space<hbm>>
    tpu.enqueue_indirect_dma source(%dma_start3A_14 : memref<10240x128xf32, #tpu.memory_space<hbm>>) target(%arg13 : memref<128x128xf32, #tpu.memory_space<vmem>>) offsets(%dma_start3A_11 : memref<128xi32, #tpu.memory_space<vmem>>) semaphore(%arg15 : memref<!tpu.dma_semaphore, #tpu.memory_space<semaphore_mem>>)
    %dma_start3A_15 = arith.constant 1 : i32
    %dma_start3A_16 = arith.constant 0 : i32
    %dma_start3A_17 = tpu.memref_slice %arg10[%dma_start3A_15, %dma_start3A_16] : memref<40x128xi32, #tpu.memory_space<vmem>> -> memref<1x128xi32, #tpu.memory_space<vmem>>
    %dma_start3A_18 = tpu.memref_squeeze %dma_start3A_17 : memref<1x128xi32, #tpu.memory_space<vmem>> -> memref<128xi32, #tpu.memory_space<vmem>>
    %dma_start3A_19 = arith.constant 0 : i32
    %dma_start3A_20 = arith.constant 0 : i32
    %dma_start3A_21 = tpu.memref_slice %arg2[%dma_start3A_19, %dma_start3A_20] : memref<10240x128xf32, #tpu.memory_space<hbm>> -> memref<10240x128xf32, #tpu.memory_space<hbm>>
    tpu.enqueue_indirect_dma source(%dma_start3A_21 : memref<10240x128xf32, #tpu.memory_space<hbm>>) target(%arg14 : memref<128x128xf32, #tpu.memory_space<vmem>>) offsets(%dma_start3A_18 : memref<128xi32, #tpu.memory_space<vmem>>) semaphore(%arg16 : memref<!tpu.dma_semaphore, #tpu.memory_space<semaphore_mem>>)
    %scan3A = arith.constant 0 : i32
    %scan3A_22 = arith.constant 20 : i32
    %scan3A_23 = arith.addi %scan3A, %scan3A_22 : i32
    %scan3A_24 = arith.constant 1 : i32
    scf.for %scan3A_100 = %scan3A to %scan3A_23 step %scan3A_24  : i32 {
      %mul3A_101 = arith.constant 1 : i32
      %mul3A_102 = arith.muli %scan3A_100, %mul3A_101 : i32
      %add3A_103 = arith.constant 0 : i32
      %add3A_104 = arith.addi %add3A_103, %mul3A_102 : i32
      %mul3A_105 = arith.constant 2 : i32
      %mul3A_106 = arith.muli %add3A_104, %mul3A_105 : i32
      %add3A_107 = arith.constant 0 : i32
      %add3A_108 = arith.addi %mul3A_106, %add3A_107 : i32
      %dma_wait3A = arith.constant 0 : i32
      %dma_wait3A_109 = tpu.memref_slice %arg10[%add3A_108, %dma_wait3A] : memref<40x128xi32, #tpu.memory_space<vmem>> -> memref<1x128xi32, #tpu.memory_space<vmem>>
      %dma_wait3A_110 = tpu.memref_squeeze %dma_wait3A_109 : memref<1x128xi32, #tpu.memory_space<vmem>> -> memref<128xi32, #tpu.memory_space<vmem>>
      %dma_wait3A_111 = arith.constant 0 : i32
      %dma_wait3A_112 = arith.constant 0 : i32
      %dma_wait3A_113 = tpu.memref_slice %arg2[%dma_wait3A_111, %dma_wait3A_112] : memref<10240x128xf32, #tpu.memory_space<hbm>> -> memref<10240x128xf32, #tpu.memory_space<hbm>>
      tpu.wait_indirect_dma semaphore(%arg15 : memref<!tpu.dma_semaphore, #tpu.memory_space<semaphore_mem>>) src(%dma_wait3A_113 : memref<10240x128xf32, #tpu.memory_space<hbm>>) dst(%arg13 : memref<128x128xf32, #tpu.memory_space<vmem>>)
      "tpu.region"() ({
        %run_scoped3A = tpu.sem_alloc : memref<!tpu.dma_semaphore, #tpu.memory_space<semaphore_mem>>
        %dma_start3A_135 = arith.constant 0 : i32
        %dma_start3A_136 = tpu.memref_slice %arg11[%add3A_108, %dma_start3A_135] : memref<40x128xi32, #tpu.memory_space<vmem>> -> memref<1x128xi32, #tpu.memory_space<vmem>>
        %dma_start3A_137 = tpu.memref_squeeze %dma_start3A_136 : memref<1x128xi32, #tpu.memory_space<vmem>> -> memref<128xi32, #tpu.memory_space<vmem>>
        %dma_start3A_138 = arith.constant 0 : i32
        %dma_start3A_139 = arith.constant 0 : i32
        %dma_start3A_140 = tpu.memref_slice %arg12[%dma_start3A_138, %dma_start3A_139] : memref<10256x128xf32, #tpu.memory_space<vmem_shared>> -> memref<10256x128xf32, #tpu.memory_space<vmem_shared>>
        tpu.enqueue_indirect_dma source(%arg13 : memref<128x128xf32, #tpu.memory_space<vmem>>) target(%dma_start3A_140 : memref<10256x128xf32, #tpu.memory_space<vmem_shared>>) offsets(%dma_start3A_137 : memref<128xi32, #tpu.memory_space<vmem>>) semaphore(%run_scoped3A : memref<!tpu.dma_semaphore, #tpu.memory_space<semaphore_mem>>) {add = true}
        %dma_wait3A_141 = arith.constant 0 : i32
        %dma_wait3A_142 = tpu.memref_slice %arg11[%add3A_108, %dma_wait3A_141] : memref<40x128xi32, #tpu.memory_space<vmem>> -> memref<1x128xi32, #tpu.memory_space<vmem>>
        %dma_wait3A_143 = tpu.memref_squeeze %dma_wait3A_142 : memref<1x128xi32, #tpu.memory_space<vmem>> -> memref<128xi32, #tpu.memory_space<vmem>>
        %dma_wait3A_144 = arith.constant 0 : i32
        %dma_wait3A_145 = arith.constant 0 : i32
        %dma_wait3A_146 = tpu.memref_slice %arg12[%dma_wait3A_144, %dma_wait3A_145] : memref<10256x128xf32, #tpu.memory_space<vmem_shared>> -> memref<10256x128xf32, #tpu.memory_space<vmem_shared>>
        tpu.wait_indirect_dma semaphore(%run_scoped3A : memref<!tpu.dma_semaphore, #tpu.memory_space<semaphore_mem>>) src(%arg13 : memref<128x128xf32, #tpu.memory_space<vmem>>) dst(%dma_wait3A_146 : memref<10256x128xf32, #tpu.memory_space<vmem_shared>>)
        tpu.yield
      }) : () -> ()
      %add3A_114 = arith.constant 2 : i32
      %add3A_115 = arith.addi %add3A_108, %add3A_114 : i32
      %lt3A = arith.constant 40 : i32
      %lt3A_116 = arith.cmpi slt, %add3A_115, %lt3A : i32
      %convert_element_type3A = arith.extui %lt3A_116 : i1 to i32
      %cond3A = arith.constant 0 : i32
      %cond3A_117 = arith.cmpi ne, %convert_element_type3A, %cond3A : i32
      scf.if %cond3A_117 {
        %add3A_135 = arith.constant 2 : i32
        %add3A_136 = arith.addi %add3A_108, %add3A_135 : i32
        %dma_start3A_137 = arith.constant 0 : i32
        %dma_start3A_138 = tpu.memref_slice %arg10[%add3A_136, %dma_start3A_137] : memref<40x128xi32, #tpu.memory_space<vmem>> -> memref<1x128xi32, #tpu.memory_space<vmem>>
        %dma_start3A_139 = tpu.memref_squeeze %dma_start3A_138 : memref<1x128xi32, #tpu.memory_space<vmem>> -> memref<128xi32, #tpu.memory_space<vmem>>
        %dma_start3A_140 = arith.constant 0 : i32
        %dma_start3A_141 = arith.constant 0 : i32
        %dma_start3A_142 = tpu.memref_slice %arg2[%dma_start3A_140, %dma_start3A_141] : memref<10240x128xf32, #tpu.memory_space<hbm>> -> memref<10240x128xf32, #tpu.memory_space<hbm>>
        tpu.enqueue_indirect_dma source(%dma_start3A_142 : memref<10240x128xf32, #tpu.memory_space<hbm>>) target(%arg13 : memref<128x128xf32, #tpu.memory_space<vmem>>) offsets(%dma_start3A_139 : memref<128xi32, #tpu.memory_space<vmem>>) semaphore(%arg15 : memref<!tpu.dma_semaphore, #tpu.memory_space<semaphore_mem>>)
      } else {
      }
      %mul3A_118 = arith.constant 2 : i32
      %mul3A_119 = arith.muli %add3A_104, %mul3A_118 : i32
      %add3A_120 = arith.constant 1 : i32
      %add3A_121 = arith.addi %mul3A_119, %add3A_120 : i32
      %dma_wait3A_122 = arith.constant 0 : i32
      %dma_wait3A_123 = tpu.memref_slice %arg10[%add3A_121, %dma_wait3A_122] : memref<40x128xi32, #tpu.memory_space<vmem>> -> memref<1x128xi32, #tpu.memory_space<vmem>>
      %dma_wait3A_124 = tpu.memref_squeeze %dma_wait3A_123 : memref<1x128xi32, #tpu.memory_space<vmem>> -> memref<128xi32, #tpu.memory_space<vmem>>
      %dma_wait3A_125 = arith.constant 0 : i32
      %dma_wait3A_126 = arith.constant 0 : i32
      %dma_wait3A_127 = tpu.memref_slice %arg2[%dma_wait3A_125, %dma_wait3A_126] : memref<10240x128xf32, #tpu.memory_space<hbm>> -> memref<10240x128xf32, #tpu.memory_space<hbm>>
      tpu.wait_indirect_dma semaphore(%arg16 : memref<!tpu.dma_semaphore, #tpu.memory_space<semaphore_mem>>) src(%dma_wait3A_127 : memref<10240x128xf32, #tpu.memory_space<hbm>>) dst(%arg14 : memref<128x128xf32, #tpu.memory_space<vmem>>)
      "tpu.region"() ({
        %run_scoped3A = tpu.sem_alloc : memref<!tpu.dma_semaphore, #tpu.memory_space<semaphore_mem>>
        %dma_start3A_135 = arith.constant 0 : i32
        %dma_start3A_136 = tpu.memref_slice %arg11[%add3A_121, %dma_start3A_135] : memref<40x128xi32, #tpu.memory_space<vmem>> -> memref<1x128xi32, #tpu.memory_space<vmem>>
        %dma_start3A_137 = tpu.memref_squeeze %dma_start3A_136 : memref<1x128xi32, #tpu.memory_space<vmem>> -> memref<128xi32, #tpu.memory_space<vmem>>
        %dma_start3A_138 = arith.constant 0 : i32
        %dma_start3A_139 = arith.constant 0 : i32
        %dma_start3A_140 = tpu.memref_slice %arg12[%dma_start3A_138, %dma_start3A_139] : memref<10256x128xf32, #tpu.memory_space<vmem_shared>> -> memref<10256x128xf32, #tpu.memory_space<vmem_shared>>
        tpu.enqueue_indirect_dma source(%arg14 : memref<128x128xf32, #tpu.memory_space<vmem>>) target(%dma_start3A_140 : memref<10256x128xf32, #tpu.memory_space<vmem_shared>>) offsets(%dma_start3A_137 : memref<128xi32, #tpu.memory_space<vmem>>) semaphore(%run_scoped3A : memref<!tpu.dma_semaphore, #tpu.memory_space<semaphore_mem>>) {add = true}
        %dma_wait3A_141 = arith.constant 0 : i32
        %dma_wait3A_142 = tpu.memref_slice %arg11[%add3A_121, %dma_wait3A_141] : memref<40x128xi32, #tpu.memory_space<vmem>> -> memref<1x128xi32, #tpu.memory_space<vmem>>
        %dma_wait3A_143 = tpu.memref_squeeze %dma_wait3A_142 : memref<1x128xi32, #tpu.memory_space<vmem>> -> memref<128xi32, #tpu.memory_space<vmem>>
        %dma_wait3A_144 = arith.constant 0 : i32
        %dma_wait3A_145 = arith.constant 0 : i32
        %dma_wait3A_146 = tpu.memref_slice %arg12[%dma_wait3A_144, %dma_wait3A_145] : memref<10256x128xf32, #tpu.memory_space<vmem_shared>> -> memref<10256x128xf32, #tpu.memory_space<vmem_shared>>
        tpu.wait_indirect_dma semaphore(%run_scoped3A : memref<!tpu.dma_semaphore, #tpu.memory_space<semaphore_mem>>) src(%arg14 : memref<128x128xf32, #tpu.memory_space<vmem>>) dst(%dma_wait3A_146 : memref<10256x128xf32, #tpu.memory_space<vmem_shared>>)
        tpu.yield
      }) : () -> ()
      %add3A_128 = arith.constant 2 : i32
      %add3A_129 = arith.addi %add3A_121, %add3A_128 : i32
      %lt3A_130 = arith.constant 40 : i32
      %lt3A_131 = arith.cmpi slt, %add3A_129, %lt3A_130 : i32
      %convert_element_type3A_132 = arith.extui %lt3A_131 : i1 to i32
      %cond3A_133 = arith.constant 0 : i32
      %cond3A_134 = arith.cmpi ne, %convert_element_type3A_132, %cond3A_133 : i32
      scf.if %cond3A_134 {
        %add3A_135 = arith.constant 2 : i32
        %add3A_136 = arith.addi %add3A_121, %add3A_135 : i32
        %dma_start3A_137 = arith.constant 0 : i32
        %dma_start3A_138 = tpu.memref_slice %arg10[%add3A_136, %dma_start3A_137] : memref<40x128xi32, #tpu.memory_space<vmem>> -> memref<1x128xi32, #tpu.memory_space<vmem>>
        %dma_start3A_139 = tpu.memref_squeeze %dma_start3A_138 : memref<1x128xi32, #tpu.memory_space<vmem>> -> memref<128xi32, #tpu.memory_space<vmem>>
        %dma_start3A_140 = arith.constant 0 : i32
        %dma_start3A_141 = arith.constant 0 : i32
        %dma_start3A_142 = tpu.memref_slice %arg2[%dma_start3A_140, %dma_start3A_141] : memref<10240x128xf32, #tpu.memory_space<hbm>> -> memref<10240x128xf32, #tpu.memory_space<hbm>>
        tpu.enqueue_indirect_dma source(%dma_start3A_142 : memref<10240x128xf32, #tpu.memory_space<hbm>>) target(%arg14 : memref<128x128xf32, #tpu.memory_space<vmem>>) offsets(%dma_start3A_139 : memref<128xi32, #tpu.memory_space<vmem>>) semaphore(%arg16 : memref<!tpu.dma_semaphore, #tpu.memory_space<semaphore_mem>>)
      } else {
      }
    }
    %scan3A_25 = arith.constant 20 : i32
    %mul3A_26 = arith.constant 80 : i32
    %mul3A_27 = arith.muli %add3A, %mul3A_26 : i32
    %add3A_28 = arith.constant 40 : i32
    %add3A_29 = arith.addi %mul3A_27, %add3A_28 : i32
    "tpu.region"() ({
      %run_scoped3A = tpu.sem_alloc : memref<!tpu.dma_semaphore, #tpu.memory_space<semaphore_mem>>
      %dma_start3A_100 = arith.constant 0 : i32
      %dma_start3A_101 = arith.constant 0 : i32
      %dma_start3A_102 = tpu.memref_slice %arg10[%dma_start3A_100, %dma_start3A_101] : memref<40x128xi32, #tpu.memory_space<vmem>> -> memref<40x128xi32, #tpu.memory_space<vmem>>
      %dma_start3A_103 = arith.constant 0 : i32
      %dma_start3A_104 = tpu.memref_slice %arg4[%add3A_29, %dma_start3A_103] : memref<2560x128xi32, #tpu.memory_space<hbm>> -> memref<40x128xi32, #tpu.memory_space<hbm>>
      %dma_start3A_105 = arith.constant 0 : i32
      %dma_start3A_106 = arith.constant 0 : i32
      %dma_start3A_107 = tpu.memref_slice %arg10[%dma_start3A_105, %dma_start3A_106] : memref<40x128xi32, #tpu.memory_space<vmem>> -> memref<40x128xi32, #tpu.memory_space<vmem>>
      %dma_start3A_108 = arith.constant 0 : i32
      %dma_start3A_109 = tpu.memref_slice %arg4[%add3A_29, %dma_start3A_108] : memref<2560x128xi32, #tpu.memory_space<hbm>> -> memref<40x128xi32, #tpu.memory_space<hbm>>
      tpu.enqueue_dma source(%dma_start3A_109 : memref<40x128xi32, #tpu.memory_space<hbm>>) target(%dma_start3A_107 : memref<40x128xi32, #tpu.memory_space<vmem>>) target_semaphore(%run_scoped3A : memref<!tpu.dma_semaphore, #tpu.memory_space<semaphore_mem>>)
      %dma_wait3A = arith.constant 0 : i32
      %dma_wait3A_110 = arith.constant 0 : i32
      %dma_wait3A_111 = tpu.memref_slice %arg10[%dma_wait3A, %dma_wait3A_110] : memref<40x128xi32, #tpu.memory_space<vmem>> -> memref<40x128xi32, #tpu.memory_space<vmem>>
      %dma_wait3A_112 = arith.constant 0 : i32
      %dma_wait3A_113 = tpu.memref_slice %arg4[%add3A_29, %dma_wait3A_112] : memref<2560x128xi32, #tpu.memory_space<hbm>> -> memref<40x128xi32, #tpu.memory_space<hbm>>
      %dma_wait3A_114 = arith.constant 0 : i32
      %dma_wait3A_115 = arith.constant 0 : i32
      %dma_wait3A_116 = tpu.memref_slice %arg10[%dma_wait3A_114, %dma_wait3A_115] : memref<40x128xi32, #tpu.memory_space<vmem>> -> memref<40x128xi32, #tpu.memory_space<vmem>>
      %dma_wait3A_117 = arith.constant 0 : i32
      %dma_wait3A_118 = tpu.memref_slice %arg4[%add3A_29, %dma_wait3A_117] : memref<2560x128xi32, #tpu.memory_space<hbm>> -> memref<40x128xi32, #tpu.memory_space<hbm>>
      tpu.wait_dma2 semaphore(%run_scoped3A : memref<!tpu.dma_semaphore, #tpu.memory_space<semaphore_mem>>) src(%dma_wait3A_118 : memref<40x128xi32, #tpu.memory_space<hbm>>) dst(%dma_wait3A_116 : memref<40x128xi32, #tpu.memory_space<vmem>>)
      tpu.yield
    }) : () -> ()
    "tpu.region"() ({
      %run_scoped3A = tpu.sem_alloc : memref<!tpu.dma_semaphore, #tpu.memory_space<semaphore_mem>>
      %dma_start3A_100 = arith.constant 0 : i32
      %dma_start3A_101 = arith.constant 0 : i32
      %dma_start3A_102 = tpu.memref_slice %arg11[%dma_start3A_100, %dma_start3A_101] : memref<40x128xi32, #tpu.memory_space<vmem>> -> memref<40x128xi32, #tpu.memory_space<vmem>>
      %dma_start3A_103 = arith.constant 0 : i32
      %dma_start3A_104 = tpu.memref_slice %arg6[%add3A_29, %dma_start3A_103] : memref<2560x128xi32, #tpu.memory_space<hbm>> -> memref<40x128xi32, #tpu.memory_space<hbm>>
      %dma_start3A_105 = arith.constant 0 : i32
      %dma_start3A_106 = arith.constant 0 : i32
      %dma_start3A_107 = tpu.memref_slice %arg11[%dma_start3A_105, %dma_start3A_106] : memref<40x128xi32, #tpu.memory_space<vmem>> -> memref<40x128xi32, #tpu.memory_space<vmem>>
      %dma_start3A_108 = arith.constant 0 : i32
      %dma_start3A_109 = tpu.memref_slice %arg6[%add3A_29, %dma_start3A_108] : memref<2560x128xi32, #tpu.memory_space<hbm>> -> memref<40x128xi32, #tpu.memory_space<hbm>>
      tpu.enqueue_dma source(%dma_start3A_109 : memref<40x128xi32, #tpu.memory_space<hbm>>) target(%dma_start3A_107 : memref<40x128xi32, #tpu.memory_space<vmem>>) target_semaphore(%run_scoped3A : memref<!tpu.dma_semaphore, #tpu.memory_space<semaphore_mem>>)
      %dma_wait3A = arith.constant 0 : i32
      %dma_wait3A_110 = arith.constant 0 : i32
      %dma_wait3A_111 = tpu.memref_slice %arg11[%dma_wait3A, %dma_wait3A_110] : memref<40x128xi32, #tpu.memory_space<vmem>> -> memref<40x128xi32, #tpu.memory_space<vmem>>
      %dma_wait3A_112 = arith.constant 0 : i32
      %dma_wait3A_113 = tpu.memref_slice %arg6[%add3A_29, %dma_wait3A_112] : memref<2560x128xi32, #tpu.memory_space<hbm>> -> memref<40x128xi32, #tpu.memory_space<hbm>>
      %dma_wait3A_114 = arith.constant 0 : i32
      %dma_wait3A_115 = arith.constant 0 : i32
      %dma_wait3A_116 = tpu.memref_slice %arg11[%dma_wait3A_114, %dma_wait3A_115] : memref<40x128xi32, #tpu.memory_space<vmem>> -> memref<40x128xi32, #tpu.memory_space<vmem>>
      %dma_wait3A_117 = arith.constant 0 : i32
      %dma_wait3A_118 = tpu.memref_slice %arg6[%add3A_29, %dma_wait3A_117] : memref<2560x128xi32, #tpu.memory_space<hbm>> -> memref<40x128xi32, #tpu.memory_space<hbm>>
      tpu.wait_dma2 semaphore(%run_scoped3A : memref<!tpu.dma_semaphore, #tpu.memory_space<semaphore_mem>>) src(%dma_wait3A_118 : memref<40x128xi32, #tpu.memory_space<hbm>>) dst(%dma_wait3A_116 : memref<40x128xi32, #tpu.memory_space<vmem>>)
      tpu.yield
    }) : () -> ()
    %dma_start3A_30 = arith.constant 0 : i32
    %dma_start3A_31 = arith.constant 0 : i32
    %dma_start3A_32 = tpu.memref_slice %arg10[%dma_start3A_30, %dma_start3A_31] : memref<40x128xi32, #tpu.memory_space<vmem>> -> memref<1x128xi32, #tpu.memory_space<vmem>>
    %dma_start3A_33 = tpu.memref_squeeze %dma_start3A_32 : memref<1x128xi32, #tpu.memory_space<vmem>> -> memref<128xi32, #tpu.memory_space<vmem>>
    %dma_start3A_34 = arith.constant 0 : i32
    %dma_start3A_35 = arith.constant 0 : i32
    %dma_start3A_36 = tpu.memref_slice %arg2[%dma_start3A_34, %dma_start3A_35] : memref<10240x128xf32, #tpu.memory_space<hbm>> -> memref<10240x128xf32, #tpu.memory_space<hbm>>
    tpu.enqueue_indirect_dma source(%dma_start3A_36 : memref<10240x128xf32, #tpu.memory_space<hbm>>) target(%arg13 : memref<128x128xf32, #tpu.memory_space<vmem>>) offsets(%dma_start3A_33 : memref<128xi32, #tpu.memory_space<vmem>>) semaphore(%arg15 : memref<!tpu.dma_semaphore, #tpu.memory_space<semaphore_mem>>)
    %dma_start3A_37 = arith.constant 1 : i32
    %dma_start3A_38 = arith.constant 0 : i32
    %dma_start3A_39 = tpu.memref_slice %arg10[%dma_start3A_37, %dma_start3A_38] : memref<40x128xi32, #tpu.memory_space<vmem>> -> memref<1x128xi32, #tpu.memory_space<vmem>>
    %dma_start3A_40 = tpu.memref_squeeze %dma_start3A_39 : memref<1x128xi32, #tpu.memory_space<vmem>> -> memref<128xi32, #tpu.memory_space<vmem>>
    %dma_start3A_41 = arith.constant 0 : i32
    %dma_start3A_42 = arith.constant 0 : i32
    %dma_start3A_43 = tpu.memref_slice %arg2[%dma_start3A_41, %dma_start3A_42] : memref<10240x128xf32, #tpu.memory_space<hbm>> -> memref<10240x128xf32, #tpu.memory_space<hbm>>
    tpu.enqueue_indirect_dma source(%dma_start3A_43 : memref<10240x128xf32, #tpu.memory_space<hbm>>) target(%arg14 : memref<128x128xf32, #tpu.memory_space<vmem>>) offsets(%dma_start3A_40 : memref<128xi32, #tpu.memory_space<vmem>>) semaphore(%arg16 : memref<!tpu.dma_semaphore, #tpu.memory_space<semaphore_mem>>)
    %scan3A_44 = arith.constant 0 : i32
    %scan3A_45 = arith.constant 20 : i32
    %scan3A_46 = arith.addi %scan3A_44, %scan3A_45 : i32
    %scan3A_47 = arith.constant 1 : i32
    scf.for %scan3A_100 = %scan3A_44 to %scan3A_46 step %scan3A_47  : i32 {
      %mul3A_101 = arith.constant 1 : i32
      %mul3A_102 = arith.muli %scan3A_100, %mul3A_101 : i32
      %add3A_103 = arith.constant 0 : i32
      %add3A_104 = arith.addi %add3A_103, %mul3A_102 : i32
      %mul3A_105 = arith.constant 2 : i32
      %mul3A_106 = arith.muli %add3A_104, %mul3A_105 : i32
      %add3A_107 = arith.constant 0 : i32
      %add3A_108 = arith.addi %mul3A_106, %add3A_107 : i32
      %dma_wait3A = arith.constant 0 : i32
      %dma_wait3A_109 = tpu.memref_slice %arg10[%add3A_108, %dma_wait3A] : memref<40x128xi32, #tpu.memory_space<vmem>> -> memref<1x128xi32, #tpu.memory_space<vmem>>
      %dma_wait3A_110 = tpu.memref_squeeze %dma_wait3A_109 : memref<1x128xi32, #tpu.memory_space<vmem>> -> memref<128xi32, #tpu.memory_space<vmem>>
      %dma_wait3A_111 = arith.constant 0 : i32
      %dma_wait3A_112 = arith.constant 0 : i32
      %dma_wait3A_113 = tpu.memref_slice %arg2[%dma_wait3A_111, %dma_wait3A_112] : memref<10240x128xf32, #tpu.memory_space<hbm>> -> memref<10240x128xf32, #tpu.memory_space<hbm>>
      tpu.wait_indirect_dma semaphore(%arg15 : memref<!tpu.dma_semaphore, #tpu.memory_space<semaphore_mem>>) src(%dma_wait3A_113 : memref<10240x128xf32, #tpu.memory_space<hbm>>) dst(%arg13 : memref<128x128xf32, #tpu.memory_space<vmem>>)
      "tpu.region"() ({
        %run_scoped3A = tpu.sem_alloc : memref<!tpu.dma_semaphore, #tpu.memory_space<semaphore_mem>>
        %dma_start3A_135 = arith.constant 0 : i32
        %dma_start3A_136 = tpu.memref_slice %arg11[%add3A_108, %dma_start3A_135] : memref<40x128xi32, #tpu.memory_space<vmem>> -> memref<1x128xi32, #tpu.memory_space<vmem>>
        %dma_start3A_137 = tpu.memref_squeeze %dma_start3A_136 : memref<1x128xi32, #tpu.memory_space<vmem>> -> memref<128xi32, #tpu.memory_space<vmem>>
        %dma_start3A_138 = arith.constant 0 : i32
        %dma_start3A_139 = arith.constant 0 : i32
        %dma_start3A_140 = tpu.memref_slice %arg12[%dma_start3A_138, %dma_start3A_139] : memref<10256x128xf32, #tpu.memory_space<vmem_shared>> -> memref<10256x128xf32, #tpu.memory_space<vmem_shared>>
        tpu.enqueue_indirect_dma source(%arg13 : memref<128x128xf32, #tpu.memory_space<vmem>>) target(%dma_start3A_140 : memref<10256x128xf32, #tpu.memory_space<vmem_shared>>) offsets(%dma_start3A_137 : memref<128xi32, #tpu.memory_space<vmem>>) semaphore(%run_scoped3A : memref<!tpu.dma_semaphore, #tpu.memory_space<semaphore_mem>>) {add = true}
        %dma_wait3A_141 = arith.constant 0 : i32
        %dma_wait3A_142 = tpu.memref_slice %arg11[%add3A_108, %dma_wait3A_141] : memref<40x128xi32, #tpu.memory_space<vmem>> -> memref<1x128xi32, #tpu.memory_space<vmem>>
        %dma_wait3A_143 = tpu.memref_squeeze %dma_wait3A_142 : memref<1x128xi32, #tpu.memory_space<vmem>> -> memref<128xi32, #tpu.memory_space<vmem>>
        %dma_wait3A_144 = arith.constant 0 : i32
        %dma_wait3A_145 = arith.constant 0 : i32
        %dma_wait3A_146 = tpu.memref_slice %arg12[%dma_wait3A_144, %dma_wait3A_145] : memref<10256x128xf32, #tpu.memory_space<vmem_shared>> -> memref<10256x128xf32, #tpu.memory_space<vmem_shared>>
        tpu.wait_indirect_dma semaphore(%run_scoped3A : memref<!tpu.dma_semaphore, #tpu.memory_space<semaphore_mem>>) src(%arg13 : memref<128x128xf32, #tpu.memory_space<vmem>>) dst(%dma_wait3A_146 : memref<10256x128xf32, #tpu.memory_space<vmem_shared>>)
        tpu.yield
      }) : () -> ()
      %add3A_114 = arith.constant 2 : i32
      %add3A_115 = arith.addi %add3A_108, %add3A_114 : i32
      %lt3A = arith.constant 40 : i32
      %lt3A_116 = arith.cmpi slt, %add3A_115, %lt3A : i32
      %convert_element_type3A = arith.extui %lt3A_116 : i1 to i32
      %cond3A = arith.constant 0 : i32
      %cond3A_117 = arith.cmpi ne, %convert_element_type3A, %cond3A : i32
      scf.if %cond3A_117 {
        %add3A_135 = arith.constant 2 : i32
        %add3A_136 = arith.addi %add3A_108, %add3A_135 : i32
        %dma_start3A_137 = arith.constant 0 : i32
        %dma_start3A_138 = tpu.memref_slice %arg10[%add3A_136, %dma_start3A_137] : memref<40x128xi32, #tpu.memory_space<vmem>> -> memref<1x128xi32, #tpu.memory_space<vmem>>
        %dma_start3A_139 = tpu.memref_squeeze %dma_start3A_138 : memref<1x128xi32, #tpu.memory_space<vmem>> -> memref<128xi32, #tpu.memory_space<vmem>>
        %dma_start3A_140 = arith.constant 0 : i32
        %dma_start3A_141 = arith.constant 0 : i32
        %dma_start3A_142 = tpu.memref_slice %arg2[%dma_start3A_140, %dma_start3A_141] : memref<10240x128xf32, #tpu.memory_space<hbm>> -> memref<10240x128xf32, #tpu.memory_space<hbm>>
        tpu.enqueue_indirect_dma source(%dma_start3A_142 : memref<10240x128xf32, #tpu.memory_space<hbm>>) target(%arg13 : memref<128x128xf32, #tpu.memory_space<vmem>>) offsets(%dma_start3A_139 : memref<128xi32, #tpu.memory_space<vmem>>) semaphore(%arg15 : memref<!tpu.dma_semaphore, #tpu.memory_space<semaphore_mem>>)
      } else {
      }
      %mul3A_118 = arith.constant 2 : i32
      %mul3A_119 = arith.muli %add3A_104, %mul3A_118 : i32
      %add3A_120 = arith.constant 1 : i32
      %add3A_121 = arith.addi %mul3A_119, %add3A_120 : i32
      %dma_wait3A_122 = arith.constant 0 : i32
      %dma_wait3A_123 = tpu.memref_slice %arg10[%add3A_121, %dma_wait3A_122] : memref<40x128xi32, #tpu.memory_space<vmem>> -> memref<1x128xi32, #tpu.memory_space<vmem>>
      %dma_wait3A_124 = tpu.memref_squeeze %dma_wait3A_123 : memref<1x128xi32, #tpu.memory_space<vmem>> -> memref<128xi32, #tpu.memory_space<vmem>>
      %dma_wait3A_125 = arith.constant 0 : i32
      %dma_wait3A_126 = arith.constant 0 : i32
      %dma_wait3A_127 = tpu.memref_slice %arg2[%dma_wait3A_125, %dma_wait3A_126] : memref<10240x128xf32, #tpu.memory_space<hbm>> -> memref<10240x128xf32, #tpu.memory_space<hbm>>
      tpu.wait_indirect_dma semaphore(%arg16 : memref<!tpu.dma_semaphore, #tpu.memory_space<semaphore_mem>>) src(%dma_wait3A_127 : memref<10240x128xf32, #tpu.memory_space<hbm>>) dst(%arg14 : memref<128x128xf32, #tpu.memory_space<vmem>>)
      "tpu.region"() ({
        %run_scoped3A = tpu.sem_alloc : memref<!tpu.dma_semaphore, #tpu.memory_space<semaphore_mem>>
        %dma_start3A_135 = arith.constant 0 : i32
        %dma_start3A_136 = tpu.memref_slice %arg11[%add3A_121, %dma_start3A_135] : memref<40x128xi32, #tpu.memory_space<vmem>> -> memref<1x128xi32, #tpu.memory_space<vmem>>
        %dma_start3A_137 = tpu.memref_squeeze %dma_start3A_136 : memref<1x128xi32, #tpu.memory_space<vmem>> -> memref<128xi32, #tpu.memory_space<vmem>>
        %dma_start3A_138 = arith.constant 0 : i32
        %dma_start3A_139 = arith.constant 0 : i32
        %dma_start3A_140 = tpu.memref_slice %arg12[%dma_start3A_138, %dma_start3A_139] : memref<10256x128xf32, #tpu.memory_space<vmem_shared>> -> memref<10256x128xf32, #tpu.memory_space<vmem_shared>>
        tpu.enqueue_indirect_dma source(%arg14 : memref<128x128xf32, #tpu.memory_space<vmem>>) target(%dma_start3A_140 : memref<10256x128xf32, #tpu.memory_space<vmem_shared>>) offsets(%dma_start3A_137 : memref<128xi32, #tpu.memory_space<vmem>>) semaphore(%run_scoped3A : memref<!tpu.dma_semaphore, #tpu.memory_space<semaphore_mem>>) {add = true}
        %dma_wait3A_141 = arith.constant 0 : i32
        %dma_wait3A_142 = tpu.memref_slice %arg11[%add3A_121, %dma_wait3A_141] : memref<40x128xi32, #tpu.memory_space<vmem>> -> memref<1x128xi32, #tpu.memory_space<vmem>>
        %dma_wait3A_143 = tpu.memref_squeeze %dma_wait3A_142 : memref<1x128xi32, #tpu.memory_space<vmem>> -> memref<128xi32, #tpu.memory_space<vmem>>
        %dma_wait3A_144 = arith.constant 0 : i32
        %dma_wait3A_145 = arith.constant 0 : i32
        %dma_wait3A_146 = tpu.memref_slice %arg12[%dma_wait3A_144, %dma_wait3A_145] : memref<10256x128xf32, #tpu.memory_space<vmem_shared>> -> memref<10256x128xf32, #tpu.memory_space<vmem_shared>>
        tpu.wait_indirect_dma semaphore(%run_scoped3A : memref<!tpu.dma_semaphore, #tpu.memory_space<semaphore_mem>>) src(%arg14 : memref<128x128xf32, #tpu.memory_space<vmem>>) dst(%dma_wait3A_146 : memref<10256x128xf32, #tpu.memory_space<vmem_shared>>)
        tpu.yield
      }) : () -> ()
      %add3A_128 = arith.constant 2 : i32
      %add3A_129 = arith.addi %add3A_121, %add3A_128 : i32
      %lt3A_130 = arith.constant 40 : i32
      %lt3A_131 = arith.cmpi slt, %add3A_129, %lt3A_130 : i32
      %convert_element_type3A_132 = arith.extui %lt3A_131 : i1 to i32
      %cond3A_133 = arith.constant 0 : i32
      %cond3A_134 = arith.cmpi ne, %convert_element_type3A_132, %cond3A_133 : i32
      scf.if %cond3A_134 {
        %add3A_135 = arith.constant 2 : i32
        %add3A_136 = arith.addi %add3A_121, %add3A_135 : i32
        %dma_start3A_137 = arith.constant 0 : i32
        %dma_start3A_138 = tpu.memref_slice %arg10[%add3A_136, %dma_start3A_137] : memref<40x128xi32, #tpu.memory_space<vmem>> -> memref<1x128xi32, #tpu.memory_space<vmem>>
        %dma_start3A_139 = tpu.memref_squeeze %dma_start3A_138 : memref<1x128xi32, #tpu.memory_space<vmem>> -> memref<128xi32, #tpu.memory_space<vmem>>
        %dma_start3A_140 = arith.constant 0 : i32
        %dma_start3A_141 = arith.constant 0 : i32
        %dma_start3A_142 = tpu.memref_slice %arg2[%dma_start3A_140, %dma_start3A_141] : memref<10240x128xf32, #tpu.memory_space<hbm>> -> memref<10240x128xf32, #tpu.memory_space<hbm>>
        tpu.enqueue_indirect_dma source(%dma_start3A_142 : memref<10240x128xf32, #tpu.memory_space<hbm>>) target(%arg14 : memref<128x128xf32, #tpu.memory_space<vmem>>) offsets(%dma_start3A_139 : memref<128xi32, #tpu.memory_space<vmem>>) semaphore(%arg16 : memref<!tpu.dma_semaphore, #tpu.memory_space<semaphore_mem>>)
      } else {
      }
    }
    %scan3A_48 = arith.constant 20 : i32
    %mul3A_49 = arith.constant 80 : i32
    %mul3A_50 = arith.muli %add3A, %mul3A_49 : i32
    %add3A_51 = arith.constant 0 : i32
    %add3A_52 = arith.addi %mul3A_50, %add3A_51 : i32
    "tpu.region"() ({
      %run_scoped3A = tpu.sem_alloc : memref<!tpu.dma_semaphore, #tpu.memory_space<semaphore_mem>>
      %dma_start3A_100 = arith.constant 0 : i32
      %dma_start3A_101 = arith.constant 0 : i32
      %dma_start3A_102 = tpu.memref_slice %arg10[%dma_start3A_100, %dma_start3A_101] : memref<40x128xi32, #tpu.memory_space<vmem>> -> memref<40x128xi32, #tpu.memory_space<vmem>>
      %dma_start3A_103 = arith.constant 0 : i32
      %dma_start3A_104 = tpu.memref_slice %arg5[%add3A_52, %dma_start3A_103] : memref<2560x128xi32, #tpu.memory_space<hbm>> -> memref<40x128xi32, #tpu.memory_space<hbm>>
      %dma_start3A_105 = arith.constant 0 : i32
      %dma_start3A_106 = arith.constant 0 : i32
      %dma_start3A_107 = tpu.memref_slice %arg10[%dma_start3A_105, %dma_start3A_106] : memref<40x128xi32, #tpu.memory_space<vmem>> -> memref<40x128xi32, #tpu.memory_space<vmem>>
      %dma_start3A_108 = arith.constant 0 : i32
      %dma_start3A_109 = tpu.memref_slice %arg5[%add3A_52, %dma_start3A_108] : memref<2560x128xi32, #tpu.memory_space<hbm>> -> memref<40x128xi32, #tpu.memory_space<hbm>>
      tpu.enqueue_dma source(%dma_start3A_109 : memref<40x128xi32, #tpu.memory_space<hbm>>) target(%dma_start3A_107 : memref<40x128xi32, #tpu.memory_space<vmem>>) target_semaphore(%run_scoped3A : memref<!tpu.dma_semaphore, #tpu.memory_space<semaphore_mem>>)
      %dma_wait3A = arith.constant 0 : i32
      %dma_wait3A_110 = arith.constant 0 : i32
      %dma_wait3A_111 = tpu.memref_slice %arg10[%dma_wait3A, %dma_wait3A_110] : memref<40x128xi32, #tpu.memory_space<vmem>> -> memref<40x128xi32, #tpu.memory_space<vmem>>
      %dma_wait3A_112 = arith.constant 0 : i32
      %dma_wait3A_113 = tpu.memref_slice %arg5[%add3A_52, %dma_wait3A_112] : memref<2560x128xi32, #tpu.memory_space<hbm>> -> memref<40x128xi32, #tpu.memory_space<hbm>>
      %dma_wait3A_114 = arith.constant 0 : i32
      %dma_wait3A_115 = arith.constant 0 : i32
      %dma_wait3A_116 = tpu.memref_slice %arg10[%dma_wait3A_114, %dma_wait3A_115] : memref<40x128xi32, #tpu.memory_space<vmem>> -> memref<40x128xi32, #tpu.memory_space<vmem>>
      %dma_wait3A_117 = arith.constant 0 : i32
      %dma_wait3A_118 = tpu.memref_slice %arg5[%add3A_52, %dma_wait3A_117] : memref<2560x128xi32, #tpu.memory_space<hbm>> -> memref<40x128xi32, #tpu.memory_space<hbm>>
      tpu.wait_dma2 semaphore(%run_scoped3A : memref<!tpu.dma_semaphore, #tpu.memory_space<semaphore_mem>>) src(%dma_wait3A_118 : memref<40x128xi32, #tpu.memory_space<hbm>>) dst(%dma_wait3A_116 : memref<40x128xi32, #tpu.memory_space<vmem>>)
      tpu.yield
    }) : () -> ()
    "tpu.region"() ({
      %run_scoped3A = tpu.sem_alloc : memref<!tpu.dma_semaphore, #tpu.memory_space<semaphore_mem>>
      %dma_start3A_100 = arith.constant 0 : i32
      %dma_start3A_101 = arith.constant 0 : i32
      %dma_start3A_102 = tpu.memref_slice %arg11[%dma_start3A_100, %dma_start3A_101] : memref<40x128xi32, #tpu.memory_space<vmem>> -> memref<40x128xi32, #tpu.memory_space<vmem>>
      %dma_start3A_103 = arith.constant 0 : i32
      %dma_start3A_104 = tpu.memref_slice %arg7[%add3A_52, %dma_start3A_103] : memref<2560x128xi32, #tpu.memory_space<hbm>> -> memref<40x128xi32, #tpu.memory_space<hbm>>
      %dma_start3A_105 = arith.constant 0 : i32
      %dma_start3A_106 = arith.constant 0 : i32
      %dma_start3A_107 = tpu.memref_slice %arg11[%dma_start3A_105, %dma_start3A_106] : memref<40x128xi32, #tpu.memory_space<vmem>> -> memref<40x128xi32, #tpu.memory_space<vmem>>
      %dma_start3A_108 = arith.constant 0 : i32
      %dma_start3A_109 = tpu.memref_slice %arg7[%add3A_52, %dma_start3A_108] : memref<2560x128xi32, #tpu.memory_space<hbm>> -> memref<40x128xi32, #tpu.memory_space<hbm>>
      tpu.enqueue_dma source(%dma_start3A_109 : memref<40x128xi32, #tpu.memory_space<hbm>>) target(%dma_start3A_107 : memref<40x128xi32, #tpu.memory_space<vmem>>) target_semaphore(%run_scoped3A : memref<!tpu.dma_semaphore, #tpu.memory_space<semaphore_mem>>)
      %dma_wait3A = arith.constant 0 : i32
      %dma_wait3A_110 = arith.constant 0 : i32
      %dma_wait3A_111 = tpu.memref_slice %arg11[%dma_wait3A, %dma_wait3A_110] : memref<40x128xi32, #tpu.memory_space<vmem>> -> memref<40x128xi32, #tpu.memory_space<vmem>>
      %dma_wait3A_112 = arith.constant 0 : i32
      %dma_wait3A_113 = tpu.memref_slice %arg7[%add3A_52, %dma_wait3A_112] : memref<2560x128xi32, #tpu.memory_space<hbm>> -> memref<40x128xi32, #tpu.memory_space<hbm>>
      %dma_wait3A_114 = arith.constant 0 : i32
      %dma_wait3A_115 = arith.constant 0 : i32
      %dma_wait3A_116 = tpu.memref_slice %arg11[%dma_wait3A_114, %dma_wait3A_115] : memref<40x128xi32, #tpu.memory_space<vmem>> -> memref<40x128xi32, #tpu.memory_space<vmem>>
      %dma_wait3A_117 = arith.constant 0 : i32
      %dma_wait3A_118 = tpu.memref_slice %arg7[%add3A_52, %dma_wait3A_117] : memref<2560x128xi32, #tpu.memory_space<hbm>> -> memref<40x128xi32, #tpu.memory_space<hbm>>
      tpu.wait_dma2 semaphore(%run_scoped3A : memref<!tpu.dma_semaphore, #tpu.memory_space<semaphore_mem>>) src(%dma_wait3A_118 : memref<40x128xi32, #tpu.memory_space<hbm>>) dst(%dma_wait3A_116 : memref<40x128xi32, #tpu.memory_space<vmem>>)
      tpu.yield
    }) : () -> ()
    %dma_start3A_53 = arith.constant 0 : i32
    %dma_start3A_54 = arith.constant 0 : i32
    %dma_start3A_55 = tpu.memref_slice %arg10[%dma_start3A_53, %dma_start3A_54] : memref<40x128xi32, #tpu.memory_space<vmem>> -> memref<1x128xi32, #tpu.memory_space<vmem>>
    %dma_start3A_56 = tpu.memref_squeeze %dma_start3A_55 : memref<1x128xi32, #tpu.memory_space<vmem>> -> memref<128xi32, #tpu.memory_space<vmem>>
    %dma_start3A_57 = arith.constant 0 : i32
    %dma_start3A_58 = arith.constant 0 : i32
    %dma_start3A_59 = tpu.memref_slice %arg3[%dma_start3A_57, %dma_start3A_58] : memref<512x128xf32, #tpu.memory_space<hbm>> -> memref<512x128xf32, #tpu.memory_space<hbm>>
    tpu.enqueue_indirect_dma source(%dma_start3A_59 : memref<512x128xf32, #tpu.memory_space<hbm>>) target(%arg13 : memref<128x128xf32, #tpu.memory_space<vmem>>) offsets(%dma_start3A_56 : memref<128xi32, #tpu.memory_space<vmem>>) semaphore(%arg15 : memref<!tpu.dma_semaphore, #tpu.memory_space<semaphore_mem>>)
    %dma_start3A_60 = arith.constant 1 : i32
    %dma_start3A_61 = arith.constant 0 : i32
    %dma_start3A_62 = tpu.memref_slice %arg10[%dma_start3A_60, %dma_start3A_61] : memref<40x128xi32, #tpu.memory_space<vmem>> -> memref<1x128xi32, #tpu.memory_space<vmem>>
    %dma_start3A_63 = tpu.memref_squeeze %dma_start3A_62 : memref<1x128xi32, #tpu.memory_space<vmem>> -> memref<128xi32, #tpu.memory_space<vmem>>
    %dma_start3A_64 = arith.constant 0 : i32
    %dma_start3A_65 = arith.constant 0 : i32
    %dma_start3A_66 = tpu.memref_slice %arg3[%dma_start3A_64, %dma_start3A_65] : memref<512x128xf32, #tpu.memory_space<hbm>> -> memref<512x128xf32, #tpu.memory_space<hbm>>
    tpu.enqueue_indirect_dma source(%dma_start3A_66 : memref<512x128xf32, #tpu.memory_space<hbm>>) target(%arg14 : memref<128x128xf32, #tpu.memory_space<vmem>>) offsets(%dma_start3A_63 : memref<128xi32, #tpu.memory_space<vmem>>) semaphore(%arg16 : memref<!tpu.dma_semaphore, #tpu.memory_space<semaphore_mem>>)
    %scan3A_67 = arith.constant 0 : i32
    %scan3A_68 = arith.constant 20 : i32
    %scan3A_69 = arith.addi %scan3A_67, %scan3A_68 : i32
    %scan3A_70 = arith.constant 1 : i32
    scf.for %scan3A_100 = %scan3A_67 to %scan3A_69 step %scan3A_70  : i32 {
      %mul3A_101 = arith.constant 1 : i32
      %mul3A_102 = arith.muli %scan3A_100, %mul3A_101 : i32
      %add3A_103 = arith.constant 0 : i32
      %add3A_104 = arith.addi %add3A_103, %mul3A_102 : i32
      %mul3A_105 = arith.constant 2 : i32
      %mul3A_106 = arith.muli %add3A_104, %mul3A_105 : i32
      %add3A_107 = arith.constant 0 : i32
      %add3A_108 = arith.addi %mul3A_106, %add3A_107 : i32
      %dma_wait3A = arith.constant 0 : i32
      %dma_wait3A_109 = tpu.memref_slice %arg10[%add3A_108, %dma_wait3A] : memref<40x128xi32, #tpu.memory_space<vmem>> -> memref<1x128xi32, #tpu.memory_space<vmem>>
      %dma_wait3A_110 = tpu.memref_squeeze %dma_wait3A_109 : memref<1x128xi32, #tpu.memory_space<vmem>> -> memref<128xi32, #tpu.memory_space<vmem>>
      %dma_wait3A_111 = arith.constant 0 : i32
      %dma_wait3A_112 = arith.constant 0 : i32
      %dma_wait3A_113 = tpu.memref_slice %arg3[%dma_wait3A_111, %dma_wait3A_112] : memref<512x128xf32, #tpu.memory_space<hbm>> -> memref<512x128xf32, #tpu.memory_space<hbm>>
      tpu.wait_indirect_dma semaphore(%arg15 : memref<!tpu.dma_semaphore, #tpu.memory_space<semaphore_mem>>) src(%dma_wait3A_113 : memref<512x128xf32, #tpu.memory_space<hbm>>) dst(%arg13 : memref<128x128xf32, #tpu.memory_space<vmem>>)
      "tpu.region"() ({
        %run_scoped3A = tpu.sem_alloc : memref<!tpu.dma_semaphore, #tpu.memory_space<semaphore_mem>>
        %dma_start3A_135 = arith.constant 0 : i32
        %dma_start3A_136 = tpu.memref_slice %arg11[%add3A_108, %dma_start3A_135] : memref<40x128xi32, #tpu.memory_space<vmem>> -> memref<1x128xi32, #tpu.memory_space<vmem>>
        %dma_start3A_137 = tpu.memref_squeeze %dma_start3A_136 : memref<1x128xi32, #tpu.memory_space<vmem>> -> memref<128xi32, #tpu.memory_space<vmem>>
        %dma_start3A_138 = arith.constant 0 : i32
        %dma_start3A_139 = arith.constant 0 : i32
        %dma_start3A_140 = tpu.memref_slice %arg12[%dma_start3A_138, %dma_start3A_139] : memref<10256x128xf32, #tpu.memory_space<vmem_shared>> -> memref<10256x128xf32, #tpu.memory_space<vmem_shared>>
        tpu.enqueue_indirect_dma source(%arg13 : memref<128x128xf32, #tpu.memory_space<vmem>>) target(%dma_start3A_140 : memref<10256x128xf32, #tpu.memory_space<vmem_shared>>) offsets(%dma_start3A_137 : memref<128xi32, #tpu.memory_space<vmem>>) semaphore(%run_scoped3A : memref<!tpu.dma_semaphore, #tpu.memory_space<semaphore_mem>>) {add = true}
        %dma_wait3A_141 = arith.constant 0 : i32
        %dma_wait3A_142 = tpu.memref_slice %arg11[%add3A_108, %dma_wait3A_141] : memref<40x128xi32, #tpu.memory_space<vmem>> -> memref<1x128xi32, #tpu.memory_space<vmem>>
        %dma_wait3A_143 = tpu.memref_squeeze %dma_wait3A_142 : memref<1x128xi32, #tpu.memory_space<vmem>> -> memref<128xi32, #tpu.memory_space<vmem>>
        %dma_wait3A_144 = arith.constant 0 : i32
        %dma_wait3A_145 = arith.constant 0 : i32
        %dma_wait3A_146 = tpu.memref_slice %arg12[%dma_wait3A_144, %dma_wait3A_145] : memref<10256x128xf32, #tpu.memory_space<vmem_shared>> -> memref<10256x128xf32, #tpu.memory_space<vmem_shared>>
        tpu.wait_indirect_dma semaphore(%run_scoped3A : memref<!tpu.dma_semaphore, #tpu.memory_space<semaphore_mem>>) src(%arg13 : memref<128x128xf32, #tpu.memory_space<vmem>>) dst(%dma_wait3A_146 : memref<10256x128xf32, #tpu.memory_space<vmem_shared>>)
        tpu.yield
      }) : () -> ()
      %add3A_114 = arith.constant 2 : i32
      %add3A_115 = arith.addi %add3A_108, %add3A_114 : i32
      %lt3A = arith.constant 40 : i32
      %lt3A_116 = arith.cmpi slt, %add3A_115, %lt3A : i32
      %convert_element_type3A = arith.extui %lt3A_116 : i1 to i32
      %cond3A = arith.constant 0 : i32
      %cond3A_117 = arith.cmpi ne, %convert_element_type3A, %cond3A : i32
      scf.if %cond3A_117 {
        %add3A_135 = arith.constant 2 : i32
        %add3A_136 = arith.addi %add3A_108, %add3A_135 : i32
        %dma_start3A_137 = arith.constant 0 : i32
        %dma_start3A_138 = tpu.memref_slice %arg10[%add3A_136, %dma_start3A_137] : memref<40x128xi32, #tpu.memory_space<vmem>> -> memref<1x128xi32, #tpu.memory_space<vmem>>
        %dma_start3A_139 = tpu.memref_squeeze %dma_start3A_138 : memref<1x128xi32, #tpu.memory_space<vmem>> -> memref<128xi32, #tpu.memory_space<vmem>>
        %dma_start3A_140 = arith.constant 0 : i32
        %dma_start3A_141 = arith.constant 0 : i32
        %dma_start3A_142 = tpu.memref_slice %arg3[%dma_start3A_140, %dma_start3A_141] : memref<512x128xf32, #tpu.memory_space<hbm>> -> memref<512x128xf32, #tpu.memory_space<hbm>>
        tpu.enqueue_indirect_dma source(%dma_start3A_142 : memref<512x128xf32, #tpu.memory_space<hbm>>) target(%arg13 : memref<128x128xf32, #tpu.memory_space<vmem>>) offsets(%dma_start3A_139 : memref<128xi32, #tpu.memory_space<vmem>>) semaphore(%arg15 : memref<!tpu.dma_semaphore, #tpu.memory_space<semaphore_mem>>)
      } else {
      }
      %mul3A_118 = arith.constant 2 : i32
      %mul3A_119 = arith.muli %add3A_104, %mul3A_118 : i32
      %add3A_120 = arith.constant 1 : i32
      %add3A_121 = arith.addi %mul3A_119, %add3A_120 : i32
      %dma_wait3A_122 = arith.constant 0 : i32
      %dma_wait3A_123 = tpu.memref_slice %arg10[%add3A_121, %dma_wait3A_122] : memref<40x128xi32, #tpu.memory_space<vmem>> -> memref<1x128xi32, #tpu.memory_space<vmem>>
      %dma_wait3A_124 = tpu.memref_squeeze %dma_wait3A_123 : memref<1x128xi32, #tpu.memory_space<vmem>> -> memref<128xi32, #tpu.memory_space<vmem>>
      %dma_wait3A_125 = arith.constant 0 : i32
      %dma_wait3A_126 = arith.constant 0 : i32
      %dma_wait3A_127 = tpu.memref_slice %arg3[%dma_wait3A_125, %dma_wait3A_126] : memref<512x128xf32, #tpu.memory_space<hbm>> -> memref<512x128xf32, #tpu.memory_space<hbm>>
      tpu.wait_indirect_dma semaphore(%arg16 : memref<!tpu.dma_semaphore, #tpu.memory_space<semaphore_mem>>) src(%dma_wait3A_127 : memref<512x128xf32, #tpu.memory_space<hbm>>) dst(%arg14 : memref<128x128xf32, #tpu.memory_space<vmem>>)
      "tpu.region"() ({
        %run_scoped3A = tpu.sem_alloc : memref<!tpu.dma_semaphore, #tpu.memory_space<semaphore_mem>>
        %dma_start3A_135 = arith.constant 0 : i32
        %dma_start3A_136 = tpu.memref_slice %arg11[%add3A_121, %dma_start3A_135] : memref<40x128xi32, #tpu.memory_space<vmem>> -> memref<1x128xi32, #tpu.memory_space<vmem>>
        %dma_start3A_137 = tpu.memref_squeeze %dma_start3A_136 : memref<1x128xi32, #tpu.memory_space<vmem>> -> memref<128xi32, #tpu.memory_space<vmem>>
        %dma_start3A_138 = arith.constant 0 : i32
        %dma_start3A_139 = arith.constant 0 : i32
        %dma_start3A_140 = tpu.memref_slice %arg12[%dma_start3A_138, %dma_start3A_139] : memref<10256x128xf32, #tpu.memory_space<vmem_shared>> -> memref<10256x128xf32, #tpu.memory_space<vmem_shared>>
        tpu.enqueue_indirect_dma source(%arg14 : memref<128x128xf32, #tpu.memory_space<vmem>>) target(%dma_start3A_140 : memref<10256x128xf32, #tpu.memory_space<vmem_shared>>) offsets(%dma_start3A_137 : memref<128xi32, #tpu.memory_space<vmem>>) semaphore(%run_scoped3A : memref<!tpu.dma_semaphore, #tpu.memory_space<semaphore_mem>>) {add = true}
        %dma_wait3A_141 = arith.constant 0 : i32
        %dma_wait3A_142 = tpu.memref_slice %arg11[%add3A_121, %dma_wait3A_141] : memref<40x128xi32, #tpu.memory_space<vmem>> -> memref<1x128xi32, #tpu.memory_space<vmem>>
        %dma_wait3A_143 = tpu.memref_squeeze %dma_wait3A_142 : memref<1x128xi32, #tpu.memory_space<vmem>> -> memref<128xi32, #tpu.memory_space<vmem>>
        %dma_wait3A_144 = arith.constant 0 : i32
        %dma_wait3A_145 = arith.constant 0 : i32
        %dma_wait3A_146 = tpu.memref_slice %arg12[%dma_wait3A_144, %dma_wait3A_145] : memref<10256x128xf32, #tpu.memory_space<vmem_shared>> -> memref<10256x128xf32, #tpu.memory_space<vmem_shared>>
        tpu.wait_indirect_dma semaphore(%run_scoped3A : memref<!tpu.dma_semaphore, #tpu.memory_space<semaphore_mem>>) src(%arg14 : memref<128x128xf32, #tpu.memory_space<vmem>>) dst(%dma_wait3A_146 : memref<10256x128xf32, #tpu.memory_space<vmem_shared>>)
        tpu.yield
      }) : () -> ()
      %add3A_128 = arith.constant 2 : i32
      %add3A_129 = arith.addi %add3A_121, %add3A_128 : i32
      %lt3A_130 = arith.constant 40 : i32
      %lt3A_131 = arith.cmpi slt, %add3A_129, %lt3A_130 : i32
      %convert_element_type3A_132 = arith.extui %lt3A_131 : i1 to i32
      %cond3A_133 = arith.constant 0 : i32
      %cond3A_134 = arith.cmpi ne, %convert_element_type3A_132, %cond3A_133 : i32
      scf.if %cond3A_134 {
        %add3A_135 = arith.constant 2 : i32
        %add3A_136 = arith.addi %add3A_121, %add3A_135 : i32
        %dma_start3A_137 = arith.constant 0 : i32
        %dma_start3A_138 = tpu.memref_slice %arg10[%add3A_136, %dma_start3A_137] : memref<40x128xi32, #tpu.memory_space<vmem>> -> memref<1x128xi32, #tpu.memory_space<vmem>>
        %dma_start3A_139 = tpu.memref_squeeze %dma_start3A_138 : memref<1x128xi32, #tpu.memory_space<vmem>> -> memref<128xi32, #tpu.memory_space<vmem>>
        %dma_start3A_140 = arith.constant 0 : i32
        %dma_start3A_141 = arith.constant 0 : i32
        %dma_start3A_142 = tpu.memref_slice %arg3[%dma_start3A_140, %dma_start3A_141] : memref<512x128xf32, #tpu.memory_space<hbm>> -> memref<512x128xf32, #tpu.memory_space<hbm>>
        tpu.enqueue_indirect_dma source(%dma_start3A_142 : memref<512x128xf32, #tpu.memory_space<hbm>>) target(%arg14 : memref<128x128xf32, #tpu.memory_space<vmem>>) offsets(%dma_start3A_139 : memref<128xi32, #tpu.memory_space<vmem>>) semaphore(%arg16 : memref<!tpu.dma_semaphore, #tpu.memory_space<semaphore_mem>>)
      } else {
      }
    }
    %scan3A_71 = arith.constant 20 : i32
    %mul3A_72 = arith.constant 80 : i32
    %mul3A_73 = arith.muli %add3A, %mul3A_72 : i32
    %add3A_74 = arith.constant 40 : i32
    %add3A_75 = arith.addi %mul3A_73, %add3A_74 : i32
    "tpu.region"() ({
      %run_scoped3A = tpu.sem_alloc : memref<!tpu.dma_semaphore, #tpu.memory_space<semaphore_mem>>
      %dma_start3A_100 = arith.constant 0 : i32
      %dma_start3A_101 = arith.constant 0 : i32
      %dma_start3A_102 = tpu.memref_slice %arg10[%dma_start3A_100, %dma_start3A_101] : memref<40x128xi32, #tpu.memory_space<vmem>> -> memref<40x128xi32, #tpu.memory_space<vmem>>
      %dma_start3A_103 = arith.constant 0 : i32
      %dma_start3A_104 = tpu.memref_slice %arg5[%add3A_75, %dma_start3A_103] : memref<2560x128xi32, #tpu.memory_space<hbm>> -> memref<40x128xi32, #tpu.memory_space<hbm>>
      %dma_start3A_105 = arith.constant 0 : i32
      %dma_start3A_106 = arith.constant 0 : i32
      %dma_start3A_107 = tpu.memref_slice %arg10[%dma_start3A_105, %dma_start3A_106] : memref<40x128xi32, #tpu.memory_space<vmem>> -> memref<40x128xi32, #tpu.memory_space<vmem>>
      %dma_start3A_108 = arith.constant 0 : i32
      %dma_start3A_109 = tpu.memref_slice %arg5[%add3A_75, %dma_start3A_108] : memref<2560x128xi32, #tpu.memory_space<hbm>> -> memref<40x128xi32, #tpu.memory_space<hbm>>
      tpu.enqueue_dma source(%dma_start3A_109 : memref<40x128xi32, #tpu.memory_space<hbm>>) target(%dma_start3A_107 : memref<40x128xi32, #tpu.memory_space<vmem>>) target_semaphore(%run_scoped3A : memref<!tpu.dma_semaphore, #tpu.memory_space<semaphore_mem>>)
      %dma_wait3A = arith.constant 0 : i32
      %dma_wait3A_110 = arith.constant 0 : i32
      %dma_wait3A_111 = tpu.memref_slice %arg10[%dma_wait3A, %dma_wait3A_110] : memref<40x128xi32, #tpu.memory_space<vmem>> -> memref<40x128xi32, #tpu.memory_space<vmem>>
      %dma_wait3A_112 = arith.constant 0 : i32
      %dma_wait3A_113 = tpu.memref_slice %arg5[%add3A_75, %dma_wait3A_112] : memref<2560x128xi32, #tpu.memory_space<hbm>> -> memref<40x128xi32, #tpu.memory_space<hbm>>
      %dma_wait3A_114 = arith.constant 0 : i32
      %dma_wait3A_115 = arith.constant 0 : i32
      %dma_wait3A_116 = tpu.memref_slice %arg10[%dma_wait3A_114, %dma_wait3A_115] : memref<40x128xi32, #tpu.memory_space<vmem>> -> memref<40x128xi32, #tpu.memory_space<vmem>>
      %dma_wait3A_117 = arith.constant 0 : i32
      %dma_wait3A_118 = tpu.memref_slice %arg5[%add3A_75, %dma_wait3A_117] : memref<2560x128xi32, #tpu.memory_space<hbm>> -> memref<40x128xi32, #tpu.memory_space<hbm>>
      tpu.wait_dma2 semaphore(%run_scoped3A : memref<!tpu.dma_semaphore, #tpu.memory_space<semaphore_mem>>) src(%dma_wait3A_118 : memref<40x128xi32, #tpu.memory_space<hbm>>) dst(%dma_wait3A_116 : memref<40x128xi32, #tpu.memory_space<vmem>>)
      tpu.yield
    }) : () -> ()
    "tpu.region"() ({
      %run_scoped3A = tpu.sem_alloc : memref<!tpu.dma_semaphore, #tpu.memory_space<semaphore_mem>>
      %dma_start3A_100 = arith.constant 0 : i32
      %dma_start3A_101 = arith.constant 0 : i32
      %dma_start3A_102 = tpu.memref_slice %arg11[%dma_start3A_100, %dma_start3A_101] : memref<40x128xi32, #tpu.memory_space<vmem>> -> memref<40x128xi32, #tpu.memory_space<vmem>>
      %dma_start3A_103 = arith.constant 0 : i32
      %dma_start3A_104 = tpu.memref_slice %arg7[%add3A_75, %dma_start3A_103] : memref<2560x128xi32, #tpu.memory_space<hbm>> -> memref<40x128xi32, #tpu.memory_space<hbm>>
      %dma_start3A_105 = arith.constant 0 : i32
      %dma_start3A_106 = arith.constant 0 : i32
      %dma_start3A_107 = tpu.memref_slice %arg11[%dma_start3A_105, %dma_start3A_106] : memref<40x128xi32, #tpu.memory_space<vmem>> -> memref<40x128xi32, #tpu.memory_space<vmem>>
      %dma_start3A_108 = arith.constant 0 : i32
      %dma_start3A_109 = tpu.memref_slice %arg7[%add3A_75, %dma_start3A_108] : memref<2560x128xi32, #tpu.memory_space<hbm>> -> memref<40x128xi32, #tpu.memory_space<hbm>>
      tpu.enqueue_dma source(%dma_start3A_109 : memref<40x128xi32, #tpu.memory_space<hbm>>) target(%dma_start3A_107 : memref<40x128xi32, #tpu.memory_space<vmem>>) target_semaphore(%run_scoped3A : memref<!tpu.dma_semaphore, #tpu.memory_space<semaphore_mem>>)
      %dma_wait3A = arith.constant 0 : i32
      %dma_wait3A_110 = arith.constant 0 : i32
      %dma_wait3A_111 = tpu.memref_slice %arg11[%dma_wait3A, %dma_wait3A_110] : memref<40x128xi32, #tpu.memory_space<vmem>> -> memref<40x128xi32, #tpu.memory_space<vmem>>
      %dma_wait3A_112 = arith.constant 0 : i32
      %dma_wait3A_113 = tpu.memref_slice %arg7[%add3A_75, %dma_wait3A_112] : memref<2560x128xi32, #tpu.memory_space<hbm>> -> memref<40x128xi32, #tpu.memory_space<hbm>>
      %dma_wait3A_114 = arith.constant 0 : i32
      %dma_wait3A_115 = arith.constant 0 : i32
      %dma_wait3A_116 = tpu.memref_slice %arg11[%dma_wait3A_114, %dma_wait3A_115] : memref<40x128xi32, #tpu.memory_space<vmem>> -> memref<40x128xi32, #tpu.memory_space<vmem>>
      %dma_wait3A_117 = arith.constant 0 : i32
      %dma_wait3A_118 = tpu.memref_slice %arg7[%add3A_75, %dma_wait3A_117] : memref<2560x128xi32, #tpu.memory_space<hbm>> -> memref<40x128xi32, #tpu.memory_space<hbm>>
      tpu.wait_dma2 semaphore(%run_scoped3A : memref<!tpu.dma_semaphore, #tpu.memory_space<semaphore_mem>>) src(%dma_wait3A_118 : memref<40x128xi32, #tpu.memory_space<hbm>>) dst(%dma_wait3A_116 : memref<40x128xi32, #tpu.memory_space<vmem>>)
      tpu.yield
    }) : () -> ()
    %dma_start3A_76 = arith.constant 0 : i32
    %dma_start3A_77 = arith.constant 0 : i32
    %dma_start3A_78 = tpu.memref_slice %arg10[%dma_start3A_76, %dma_start3A_77] : memref<40x128xi32, #tpu.memory_space<vmem>> -> memref<1x128xi32, #tpu.memory_space<vmem>>
    %dma_start3A_79 = tpu.memref_squeeze %dma_start3A_78 : memref<1x128xi32, #tpu.memory_space<vmem>> -> memref<128xi32, #tpu.memory_space<vmem>>
    %dma_start3A_80 = arith.constant 0 : i32
    %dma_start3A_81 = arith.constant 0 : i32
    %dma_start3A_82 = tpu.memref_slice %arg3[%dma_start3A_80, %dma_start3A_81] : memref<512x128xf32, #tpu.memory_space<hbm>> -> memref<512x128xf32, #tpu.memory_space<hbm>>
    tpu.enqueue_indirect_dma source(%dma_start3A_82 : memref<512x128xf32, #tpu.memory_space<hbm>>) target(%arg13 : memref<128x128xf32, #tpu.memory_space<vmem>>) offsets(%dma_start3A_79 : memref<128xi32, #tpu.memory_space<vmem>>) semaphore(%arg15 : memref<!tpu.dma_semaphore, #tpu.memory_space<semaphore_mem>>)
    %dma_start3A_83 = arith.constant 1 : i32
    %dma_start3A_84 = arith.constant 0 : i32
    %dma_start3A_85 = tpu.memref_slice %arg10[%dma_start3A_83, %dma_start3A_84] : memref<40x128xi32, #tpu.memory_space<vmem>> -> memref<1x128xi32, #tpu.memory_space<vmem>>
    %dma_start3A_86 = tpu.memref_squeeze %dma_start3A_85 : memref<1x128xi32, #tpu.memory_space<vmem>> -> memref<128xi32, #tpu.memory_space<vmem>>
    %dma_start3A_87 = arith.constant 0 : i32
    %dma_start3A_88 = arith.constant 0 : i32
    %dma_start3A_89 = tpu.memref_slice %arg3[%dma_start3A_87, %dma_start3A_88] : memref<512x128xf32, #tpu.memory_space<hbm>> -> memref<512x128xf32, #tpu.memory_space<hbm>>
    tpu.enqueue_indirect_dma source(%dma_start3A_89 : memref<512x128xf32, #tpu.memory_space<hbm>>) target(%arg14 : memref<128x128xf32, #tpu.memory_space<vmem>>) offsets(%dma_start3A_86 : memref<128xi32, #tpu.memory_space<vmem>>) semaphore(%arg16 : memref<!tpu.dma_semaphore, #tpu.memory_space<semaphore_mem>>)
    %scan3A_90 = arith.constant 0 : i32
    %scan3A_91 = arith.constant 20 : i32
    %scan3A_92 = arith.addi %scan3A_90, %scan3A_91 : i32
    %scan3A_93 = arith.constant 1 : i32
    scf.for %scan3A_100 = %scan3A_90 to %scan3A_92 step %scan3A_93  : i32 {
      %mul3A_101 = arith.constant 1 : i32
      %mul3A_102 = arith.muli %scan3A_100, %mul3A_101 : i32
      %add3A_103 = arith.constant 0 : i32
      %add3A_104 = arith.addi %add3A_103, %mul3A_102 : i32
      %mul3A_105 = arith.constant 2 : i32
      %mul3A_106 = arith.muli %add3A_104, %mul3A_105 : i32
      %add3A_107 = arith.constant 0 : i32
      %add3A_108 = arith.addi %mul3A_106, %add3A_107 : i32
      %dma_wait3A = arith.constant 0 : i32
      %dma_wait3A_109 = tpu.memref_slice %arg10[%add3A_108, %dma_wait3A] : memref<40x128xi32, #tpu.memory_space<vmem>> -> memref<1x128xi32, #tpu.memory_space<vmem>>
      %dma_wait3A_110 = tpu.memref_squeeze %dma_wait3A_109 : memref<1x128xi32, #tpu.memory_space<vmem>> -> memref<128xi32, #tpu.memory_space<vmem>>
      %dma_wait3A_111 = arith.constant 0 : i32
      %dma_wait3A_112 = arith.constant 0 : i32
      %dma_wait3A_113 = tpu.memref_slice %arg3[%dma_wait3A_111, %dma_wait3A_112] : memref<512x128xf32, #tpu.memory_space<hbm>> -> memref<512x128xf32, #tpu.memory_space<hbm>>
      tpu.wait_indirect_dma semaphore(%arg15 : memref<!tpu.dma_semaphore, #tpu.memory_space<semaphore_mem>>) src(%dma_wait3A_113 : memref<512x128xf32, #tpu.memory_space<hbm>>) dst(%arg13 : memref<128x128xf32, #tpu.memory_space<vmem>>)
      "tpu.region"() ({
        %run_scoped3A = tpu.sem_alloc : memref<!tpu.dma_semaphore, #tpu.memory_space<semaphore_mem>>
        %dma_start3A_135 = arith.constant 0 : i32
        %dma_start3A_136 = tpu.memref_slice %arg11[%add3A_108, %dma_start3A_135] : memref<40x128xi32, #tpu.memory_space<vmem>> -> memref<1x128xi32, #tpu.memory_space<vmem>>
        %dma_start3A_137 = tpu.memref_squeeze %dma_start3A_136 : memref<1x128xi32, #tpu.memory_space<vmem>> -> memref<128xi32, #tpu.memory_space<vmem>>
        %dma_start3A_138 = arith.constant 0 : i32
        %dma_start3A_139 = arith.constant 0 : i32
        %dma_start3A_140 = tpu.memref_slice %arg12[%dma_start3A_138, %dma_start3A_139] : memref<10256x128xf32, #tpu.memory_space<vmem_shared>> -> memref<10256x128xf32, #tpu.memory_space<vmem_shared>>
        tpu.enqueue_indirect_dma source(%arg13 : memref<128x128xf32, #tpu.memory_space<vmem>>) target(%dma_start3A_140 : memref<10256x128xf32, #tpu.memory_space<vmem_shared>>) offsets(%dma_start3A_137 : memref<128xi32, #tpu.memory_space<vmem>>) semaphore(%run_scoped3A : memref<!tpu.dma_semaphore, #tpu.memory_space<semaphore_mem>>) {add = true}
        %dma_wait3A_141 = arith.constant 0 : i32
        %dma_wait3A_142 = tpu.memref_slice %arg11[%add3A_108, %dma_wait3A_141] : memref<40x128xi32, #tpu.memory_space<vmem>> -> memref<1x128xi32, #tpu.memory_space<vmem>>
        %dma_wait3A_143 = tpu.memref_squeeze %dma_wait3A_142 : memref<1x128xi32, #tpu.memory_space<vmem>> -> memref<128xi32, #tpu.memory_space<vmem>>
        %dma_wait3A_144 = arith.constant 0 : i32
        %dma_wait3A_145 = arith.constant 0 : i32
        %dma_wait3A_146 = tpu.memref_slice %arg12[%dma_wait3A_144, %dma_wait3A_145] : memref<10256x128xf32, #tpu.memory_space<vmem_shared>> -> memref<10256x128xf32, #tpu.memory_space<vmem_shared>>
        tpu.wait_indirect_dma semaphore(%run_scoped3A : memref<!tpu.dma_semaphore, #tpu.memory_space<semaphore_mem>>) src(%arg13 : memref<128x128xf32, #tpu.memory_space<vmem>>) dst(%dma_wait3A_146 : memref<10256x128xf32, #tpu.memory_space<vmem_shared>>)
        tpu.yield
      }) : () -> ()
      %add3A_114 = arith.constant 2 : i32
      %add3A_115 = arith.addi %add3A_108, %add3A_114 : i32
      %lt3A = arith.constant 40 : i32
      %lt3A_116 = arith.cmpi slt, %add3A_115, %lt3A : i32
      %convert_element_type3A = arith.extui %lt3A_116 : i1 to i32
      %cond3A = arith.constant 0 : i32
      %cond3A_117 = arith.cmpi ne, %convert_element_type3A, %cond3A : i32
      scf.if %cond3A_117 {
        %add3A_135 = arith.constant 2 : i32
        %add3A_136 = arith.addi %add3A_108, %add3A_135 : i32
        %dma_start3A_137 = arith.constant 0 : i32
        %dma_start3A_138 = tpu.memref_slice %arg10[%add3A_136, %dma_start3A_137] : memref<40x128xi32, #tpu.memory_space<vmem>> -> memref<1x128xi32, #tpu.memory_space<vmem>>
        %dma_start3A_139 = tpu.memref_squeeze %dma_start3A_138 : memref<1x128xi32, #tpu.memory_space<vmem>> -> memref<128xi32, #tpu.memory_space<vmem>>
        %dma_start3A_140 = arith.constant 0 : i32
        %dma_start3A_141 = arith.constant 0 : i32
        %dma_start3A_142 = tpu.memref_slice %arg3[%dma_start3A_140, %dma_start3A_141] : memref<512x128xf32, #tpu.memory_space<hbm>> -> memref<512x128xf32, #tpu.memory_space<hbm>>
        tpu.enqueue_indirect_dma source(%dma_start3A_142 : memref<512x128xf32, #tpu.memory_space<hbm>>) target(%arg13 : memref<128x128xf32, #tpu.memory_space<vmem>>) offsets(%dma_start3A_139 : memref<128xi32, #tpu.memory_space<vmem>>) semaphore(%arg15 : memref<!tpu.dma_semaphore, #tpu.memory_space<semaphore_mem>>)
      } else {
      }
      %mul3A_118 = arith.constant 2 : i32
      %mul3A_119 = arith.muli %add3A_104, %mul3A_118 : i32
      %add3A_120 = arith.constant 1 : i32
      %add3A_121 = arith.addi %mul3A_119, %add3A_120 : i32
      %dma_wait3A_122 = arith.constant 0 : i32
      %dma_wait3A_123 = tpu.memref_slice %arg10[%add3A_121, %dma_wait3A_122] : memref<40x128xi32, #tpu.memory_space<vmem>> -> memref<1x128xi32, #tpu.memory_space<vmem>>
      %dma_wait3A_124 = tpu.memref_squeeze %dma_wait3A_123 : memref<1x128xi32, #tpu.memory_space<vmem>> -> memref<128xi32, #tpu.memory_space<vmem>>
      %dma_wait3A_125 = arith.constant 0 : i32
      %dma_wait3A_126 = arith.constant 0 : i32
      %dma_wait3A_127 = tpu.memref_slice %arg3[%dma_wait3A_125, %dma_wait3A_126] : memref<512x128xf32, #tpu.memory_space<hbm>> -> memref<512x128xf32, #tpu.memory_space<hbm>>
      tpu.wait_indirect_dma semaphore(%arg16 : memref<!tpu.dma_semaphore, #tpu.memory_space<semaphore_mem>>) src(%dma_wait3A_127 : memref<512x128xf32, #tpu.memory_space<hbm>>) dst(%arg14 : memref<128x128xf32, #tpu.memory_space<vmem>>)
      "tpu.region"() ({
        %run_scoped3A = tpu.sem_alloc : memref<!tpu.dma_semaphore, #tpu.memory_space<semaphore_mem>>
        %dma_start3A_135 = arith.constant 0 : i32
        %dma_start3A_136 = tpu.memref_slice %arg11[%add3A_121, %dma_start3A_135] : memref<40x128xi32, #tpu.memory_space<vmem>> -> memref<1x128xi32, #tpu.memory_space<vmem>>
        %dma_start3A_137 = tpu.memref_squeeze %dma_start3A_136 : memref<1x128xi32, #tpu.memory_space<vmem>> -> memref<128xi32, #tpu.memory_space<vmem>>
        %dma_start3A_138 = arith.constant 0 : i32
        %dma_start3A_139 = arith.constant 0 : i32
        %dma_start3A_140 = tpu.memref_slice %arg12[%dma_start3A_138, %dma_start3A_139] : memref<10256x128xf32, #tpu.memory_space<vmem_shared>> -> memref<10256x128xf32, #tpu.memory_space<vmem_shared>>
        tpu.enqueue_indirect_dma source(%arg14 : memref<128x128xf32, #tpu.memory_space<vmem>>) target(%dma_start3A_140 : memref<10256x128xf32, #tpu.memory_space<vmem_shared>>) offsets(%dma_start3A_137 : memref<128xi32, #tpu.memory_space<vmem>>) semaphore(%run_scoped3A : memref<!tpu.dma_semaphore, #tpu.memory_space<semaphore_mem>>) {add = true}
        %dma_wait3A_141 = arith.constant 0 : i32
        %dma_wait3A_142 = tpu.memref_slice %arg11[%add3A_121, %dma_wait3A_141] : memref<40x128xi32, #tpu.memory_space<vmem>> -> memref<1x128xi32, #tpu.memory_space<vmem>>
        %dma_wait3A_143 = tpu.memref_squeeze %dma_wait3A_142 : memref<1x128xi32, #tpu.memory_space<vmem>> -> memref<128xi32, #tpu.memory_space<vmem>>
        %dma_wait3A_144 = arith.constant 0 : i32
        %dma_wait3A_145 = arith.constant 0 : i32
        %dma_wait3A_146 = tpu.memref_slice %arg12[%dma_wait3A_144, %dma_wait3A_145] : memref<10256x128xf32, #tpu.memory_space<vmem_shared>> -> memref<10256x128xf32, #tpu.memory_space<vmem_shared>>
        tpu.wait_indirect_dma semaphore(%run_scoped3A : memref<!tpu.dma_semaphore, #tpu.memory_space<semaphore_mem>>) src(%arg14 : memref<128x128xf32, #tpu.memory_space<vmem>>) dst(%dma_wait3A_146 : memref<10256x128xf32, #tpu.memory_space<vmem_shared>>)
        tpu.yield
      }) : () -> ()
      %add3A_128 = arith.constant 2 : i32
      %add3A_129 = arith.addi %add3A_121, %add3A_128 : i32
      %lt3A_130 = arith.constant 40 : i32
      %lt3A_131 = arith.cmpi slt, %add3A_129, %lt3A_130 : i32
      %convert_element_type3A_132 = arith.extui %lt3A_131 : i1 to i32
      %cond3A_133 = arith.constant 0 : i32
      %cond3A_134 = arith.cmpi ne, %convert_element_type3A_132, %cond3A_133 : i32
      scf.if %cond3A_134 {
        %add3A_135 = arith.constant 2 : i32
        %add3A_136 = arith.addi %add3A_121, %add3A_135 : i32
        %dma_start3A_137 = arith.constant 0 : i32
        %dma_start3A_138 = tpu.memref_slice %arg10[%add3A_136, %dma_start3A_137] : memref<40x128xi32, #tpu.memory_space<vmem>> -> memref<1x128xi32, #tpu.memory_space<vmem>>
        %dma_start3A_139 = tpu.memref_squeeze %dma_start3A_138 : memref<1x128xi32, #tpu.memory_space<vmem>> -> memref<128xi32, #tpu.memory_space<vmem>>
        %dma_start3A_140 = arith.constant 0 : i32
        %dma_start3A_141 = arith.constant 0 : i32
        %dma_start3A_142 = tpu.memref_slice %arg3[%dma_start3A_140, %dma_start3A_141] : memref<512x128xf32, #tpu.memory_space<hbm>> -> memref<512x128xf32, #tpu.memory_space<hbm>>
        tpu.enqueue_indirect_dma source(%dma_start3A_142 : memref<512x128xf32, #tpu.memory_space<hbm>>) target(%arg14 : memref<128x128xf32, #tpu.memory_space<vmem>>) offsets(%dma_start3A_139 : memref<128xi32, #tpu.memory_space<vmem>>) semaphore(%arg16 : memref<!tpu.dma_semaphore, #tpu.memory_space<semaphore_mem>>)
      } else {
      }
    }
    %scan3A_94 = arith.constant 20 : i32
    %barrier3A_95 = arith.constant 0 : index
    tpu.barrier barrier_id(%barrier3A_95)
    %mul3A_96 = arith.constant 640 : i32
    %mul3A_97 = arith.muli %arg1, %mul3A_96 : i32
    %mul3A_98 = arith.constant 640 : i32
    %mul3A_99 = arith.muli %arg1, %mul3A_98 : i32
    "tpu.region"() ({
      %run_scoped3A = tpu.sem_alloc : memref<!tpu.dma_semaphore, #tpu.memory_space<semaphore_mem>>
      %dma_start3A_100 = arith.constant 0 : i32
      %dma_start3A_101 = tpu.memref_slice %arg9[%arg0, %mul3A_99, %dma_start3A_100] : memref<2x10240x128xf32, #tpu.memory_space<hbm>> -> memref<1x640x128xf32, #tpu.memory_space<hbm>>
      %dma_start3A_102 = tpu.memref_squeeze %dma_start3A_101 : memref<1x640x128xf32, #tpu.memory_space<hbm>> -> memref<640x128xf32, #tpu.memory_space<hbm>>
      %dma_start3A_103 = arith.constant 0 : i32
      %dma_start3A_104 = tpu.memref_slice %arg12[%mul3A_97, %dma_start3A_103] : memref<10256x128xf32, #tpu.memory_space<vmem_shared>> -> memref<640x128xf32, #tpu.memory_space<vmem_shared>>
      tpu.enqueue_dma source(%dma_start3A_104 : memref<640x128xf32, #tpu.memory_space<vmem_shared>>) target(%dma_start3A_102 : memref<640x128xf32, #tpu.memory_space<hbm>>) target_semaphore(%run_scoped3A : memref<!tpu.dma_semaphore, #tpu.memory_space<semaphore_mem>>)
      %dma_wait3A = arith.constant 0 : i32
      %dma_wait3A_105 = tpu.memref_slice %arg9[%arg0, %mul3A_99, %dma_wait3A] : memref<2x10240x128xf32, #tpu.memory_space<hbm>> -> memref<1x640x128xf32, #tpu.memory_space<hbm>>
      %dma_wait3A_106 = tpu.memref_squeeze %dma_wait3A_105 : memref<1x640x128xf32, #tpu.memory_space<hbm>> -> memref<640x128xf32, #tpu.memory_space<hbm>>
      %dma_wait3A_107 = arith.constant 0 : i32
      %dma_wait3A_108 = tpu.memref_slice %arg12[%mul3A_97, %dma_wait3A_107] : memref<10256x128xf32, #tpu.memory_space<vmem_shared>> -> memref<640x128xf32, #tpu.memory_space<vmem_shared>>
      tpu.wait_dma2 semaphore(%run_scoped3A : memref<!tpu.dma_semaphore, #tpu.memory_space<semaphore_mem>>) src(%dma_wait3A_108 : memref<640x128xf32, #tpu.memory_space<vmem_shared>>) dst(%dma_wait3A_106 : memref<640x128xf32, #tpu.memory_space<hbm>>)
      tpu.yield
    }) : () -> ()
    return
  }
}

#map = affine_map<(d0, d1) -> (0, 0)>
#map1 = affine_map<(d0, d1) -> (0, 0, 0)>
module attributes {stable_mosaic.version = 14 : i64} {
  func.func @k(%arg0: i32, %arg1: i32, %arg2: memref<10240x128xf32, #tpu.memory_space<hbm>>, %arg3: memref<2560x128xi32, #tpu.memory_space<hbm>>, %arg4: memref<2560x128xi32, #tpu.memory_space<hbm>>, %arg5: memref<10240x128xf32, #tpu.memory_space<hbm>>, %arg6: memref<2x10240x128xf32, #tpu.memory_space<hbm>>, %arg7: memref<40x128xi32, #tpu.memory_space<vmem>>, %arg8: memref<40x128xi32, #tpu.memory_space<vmem>>, %arg9: memref<10256x128xf32, #tpu.memory_space<vmem_shared>>, %arg10: memref<128x128xf32, #tpu.memory_space<vmem>>, %arg11: memref<128x128xf32, #tpu.memory_space<vmem>>, %arg12: memref<!tpu.dma_semaphore, #tpu.memory_space<semaphore_mem>>, %arg13: memref<!tpu.dma_semaphore, #tpu.memory_space<semaphore_mem>>) attributes {dimension_semantics = [#tpu.dimension_semantics<core_parallel>, #tpu.dimension_semantics<subcore_parallel>], iteration_bounds = array<i64: 2, 16>, scalar_prefetch = 0 : i64, scratch_operands = 7 : i64, tpu.core_type = #tpu.core_type<sc_vector_subcore>, window_params = [{transform_indices = #map}, {transform_indices = #map}, {transform_indices = #map}, {transform_indices = #map}, {transform_indices = #map1}]} {
    %mul3A = arith.constant 16 : i32
    %mul3A_0 = arith.muli %arg0, %mul3A : i32
    %add3A = arith.addi %mul3A_0, %arg1 : i32
    %mul3A_1 = arith.constant 640 : i32
    %mul3A_2 = arith.muli %arg1, %mul3A_1 : i32
    %mul3A_3 = arith.constant 640 : i32
    %mul3A_4 = arith.muli %arg1, %mul3A_3 : i32
    "tpu.region"() ({
      %run_scoped3A = tpu.sem_alloc : memref<!tpu.dma_semaphore, #tpu.memory_space<semaphore_mem>>
      %dma_start3A_54 = arith.constant 0 : i32
      %dma_start3A_55 = tpu.memref_slice %arg9[%mul3A_4, %dma_start3A_54] : memref<10256x128xf32, #tpu.memory_space<vmem_shared>> -> memref<640x128xf32, #tpu.memory_space<vmem_shared>>
      %dma_start3A_56 = arith.constant 0 : i32
      %dma_start3A_57 = tpu.memref_slice %arg5[%mul3A_2, %dma_start3A_56] : memref<10240x128xf32, #tpu.memory_space<hbm>> -> memref<640x128xf32, #tpu.memory_space<hbm>>
      tpu.enqueue_dma source(%dma_start3A_57 : memref<640x128xf32, #tpu.memory_space<hbm>>) target(%dma_start3A_55 : memref<640x128xf32, #tpu.memory_space<vmem_shared>>) target_semaphore(%run_scoped3A : memref<!tpu.dma_semaphore, #tpu.memory_space<semaphore_mem>>)
      %dma_wait3A = arith.constant 0 : i32
      %dma_wait3A_58 = tpu.memref_slice %arg9[%mul3A_4, %dma_wait3A] : memref<10256x128xf32, #tpu.memory_space<vmem_shared>> -> memref<640x128xf32, #tpu.memory_space<vmem_shared>>
      %dma_wait3A_59 = arith.constant 0 : i32
      %dma_wait3A_60 = tpu.memref_slice %arg5[%mul3A_2, %dma_wait3A_59] : memref<10240x128xf32, #tpu.memory_space<hbm>> -> memref<640x128xf32, #tpu.memory_space<hbm>>
      tpu.wait_dma2 semaphore(%run_scoped3A : memref<!tpu.dma_semaphore, #tpu.memory_space<semaphore_mem>>) src(%dma_wait3A_60 : memref<640x128xf32, #tpu.memory_space<hbm>>) dst(%dma_wait3A_58 : memref<640x128xf32, #tpu.memory_space<vmem_shared>>)
      tpu.yield
    }) : () -> ()
    %barrier3A = arith.constant 0 : index
    tpu.barrier barrier_id(%barrier3A)
    %mul3A_5 = arith.constant 80 : i32
    %mul3A_6 = arith.muli %add3A, %mul3A_5 : i32
    %add3A_7 = arith.constant 0 : i32
    %add3A_8 = arith.addi %mul3A_6, %add3A_7 : i32
    "tpu.region"() ({
      %run_scoped3A = tpu.sem_alloc : memref<!tpu.dma_semaphore, #tpu.memory_space<semaphore_mem>>
      %dma_start3A_54 = arith.constant 0 : i32
      %dma_start3A_55 = arith.constant 0 : i32
      %dma_start3A_56 = tpu.memref_slice %arg7[%dma_start3A_54, %dma_start3A_55] : memref<40x128xi32, #tpu.memory_space<vmem>> -> memref<40x128xi32, #tpu.memory_space<vmem>>
      %dma_start3A_57 = arith.constant 0 : i32
      %dma_start3A_58 = tpu.memref_slice %arg3[%add3A_8, %dma_start3A_57] : memref<2560x128xi32, #tpu.memory_space<hbm>> -> memref<40x128xi32, #tpu.memory_space<hbm>>
      %dma_start3A_59 = arith.constant 0 : i32
      %dma_start3A_60 = arith.constant 0 : i32
      %dma_start3A_61 = tpu.memref_slice %arg7[%dma_start3A_59, %dma_start3A_60] : memref<40x128xi32, #tpu.memory_space<vmem>> -> memref<40x128xi32, #tpu.memory_space<vmem>>
      %dma_start3A_62 = arith.constant 0 : i32
      %dma_start3A_63 = tpu.memref_slice %arg3[%add3A_8, %dma_start3A_62] : memref<2560x128xi32, #tpu.memory_space<hbm>> -> memref<40x128xi32, #tpu.memory_space<hbm>>
      tpu.enqueue_dma source(%dma_start3A_63 : memref<40x128xi32, #tpu.memory_space<hbm>>) target(%dma_start3A_61 : memref<40x128xi32, #tpu.memory_space<vmem>>) target_semaphore(%run_scoped3A : memref<!tpu.dma_semaphore, #tpu.memory_space<semaphore_mem>>)
      %dma_wait3A = arith.constant 0 : i32
      %dma_wait3A_64 = arith.constant 0 : i32
      %dma_wait3A_65 = tpu.memref_slice %arg7[%dma_wait3A, %dma_wait3A_64] : memref<40x128xi32, #tpu.memory_space<vmem>> -> memref<40x128xi32, #tpu.memory_space<vmem>>
      %dma_wait3A_66 = arith.constant 0 : i32
      %dma_wait3A_67 = tpu.memref_slice %arg3[%add3A_8, %dma_wait3A_66] : memref<2560x128xi32, #tpu.memory_space<hbm>> -> memref<40x128xi32, #tpu.memory_space<hbm>>
      %dma_wait3A_68 = arith.constant 0 : i32
      %dma_wait3A_69 = arith.constant 0 : i32
      %dma_wait3A_70 = tpu.memref_slice %arg7[%dma_wait3A_68, %dma_wait3A_69] : memref<40x128xi32, #tpu.memory_space<vmem>> -> memref<40x128xi32, #tpu.memory_space<vmem>>
      %dma_wait3A_71 = arith.constant 0 : i32
      %dma_wait3A_72 = tpu.memref_slice %arg3[%add3A_8, %dma_wait3A_71] : memref<2560x128xi32, #tpu.memory_space<hbm>> -> memref<40x128xi32, #tpu.memory_space<hbm>>
      tpu.wait_dma2 semaphore(%run_scoped3A : memref<!tpu.dma_semaphore, #tpu.memory_space<semaphore_mem>>) src(%dma_wait3A_72 : memref<40x128xi32, #tpu.memory_space<hbm>>) dst(%dma_wait3A_70 : memref<40x128xi32, #tpu.memory_space<vmem>>)
      tpu.yield
    }) : () -> ()
    "tpu.region"() ({
      %run_scoped3A = tpu.sem_alloc : memref<!tpu.dma_semaphore, #tpu.memory_space<semaphore_mem>>
      %dma_start3A_54 = arith.constant 0 : i32
      %dma_start3A_55 = arith.constant 0 : i32
      %dma_start3A_56 = tpu.memref_slice %arg8[%dma_start3A_54, %dma_start3A_55] : memref<40x128xi32, #tpu.memory_space<vmem>> -> memref<40x128xi32, #tpu.memory_space<vmem>>
      %dma_start3A_57 = arith.constant 0 : i32
      %dma_start3A_58 = tpu.memref_slice %arg4[%add3A_8, %dma_start3A_57] : memref<2560x128xi32, #tpu.memory_space<hbm>> -> memref<40x128xi32, #tpu.memory_space<hbm>>
      %dma_start3A_59 = arith.constant 0 : i32
      %dma_start3A_60 = arith.constant 0 : i32
      %dma_start3A_61 = tpu.memref_slice %arg8[%dma_start3A_59, %dma_start3A_60] : memref<40x128xi32, #tpu.memory_space<vmem>> -> memref<40x128xi32, #tpu.memory_space<vmem>>
      %dma_start3A_62 = arith.constant 0 : i32
      %dma_start3A_63 = tpu.memref_slice %arg4[%add3A_8, %dma_start3A_62] : memref<2560x128xi32, #tpu.memory_space<hbm>> -> memref<40x128xi32, #tpu.memory_space<hbm>>
      tpu.enqueue_dma source(%dma_start3A_63 : memref<40x128xi32, #tpu.memory_space<hbm>>) target(%dma_start3A_61 : memref<40x128xi32, #tpu.memory_space<vmem>>) target_semaphore(%run_scoped3A : memref<!tpu.dma_semaphore, #tpu.memory_space<semaphore_mem>>)
      %dma_wait3A = arith.constant 0 : i32
      %dma_wait3A_64 = arith.constant 0 : i32
      %dma_wait3A_65 = tpu.memref_slice %arg8[%dma_wait3A, %dma_wait3A_64] : memref<40x128xi32, #tpu.memory_space<vmem>> -> memref<40x128xi32, #tpu.memory_space<vmem>>
      %dma_wait3A_66 = arith.constant 0 : i32
      %dma_wait3A_67 = tpu.memref_slice %arg4[%add3A_8, %dma_wait3A_66] : memref<2560x128xi32, #tpu.memory_space<hbm>> -> memref<40x128xi32, #tpu.memory_space<hbm>>
      %dma_wait3A_68 = arith.constant 0 : i32
      %dma_wait3A_69 = arith.constant 0 : i32
      %dma_wait3A_70 = tpu.memref_slice %arg8[%dma_wait3A_68, %dma_wait3A_69] : memref<40x128xi32, #tpu.memory_space<vmem>> -> memref<40x128xi32, #tpu.memory_space<vmem>>
      %dma_wait3A_71 = arith.constant 0 : i32
      %dma_wait3A_72 = tpu.memref_slice %arg4[%add3A_8, %dma_wait3A_71] : memref<2560x128xi32, #tpu.memory_space<hbm>> -> memref<40x128xi32, #tpu.memory_space<hbm>>
      tpu.wait_dma2 semaphore(%run_scoped3A : memref<!tpu.dma_semaphore, #tpu.memory_space<semaphore_mem>>) src(%dma_wait3A_72 : memref<40x128xi32, #tpu.memory_space<hbm>>) dst(%dma_wait3A_70 : memref<40x128xi32, #tpu.memory_space<vmem>>)
      tpu.yield
    }) : () -> ()
    %dma_start3A = arith.constant 0 : i32
    %dma_start3A_9 = arith.constant 0 : i32
    %dma_start3A_10 = tpu.memref_slice %arg7[%dma_start3A, %dma_start3A_9] : memref<40x128xi32, #tpu.memory_space<vmem>> -> memref<1x128xi32, #tpu.memory_space<vmem>>
    %dma_start3A_11 = tpu.memref_squeeze %dma_start3A_10 : memref<1x128xi32, #tpu.memory_space<vmem>> -> memref<128xi32, #tpu.memory_space<vmem>>
    %dma_start3A_12 = arith.constant 0 : i32
    %dma_start3A_13 = arith.constant 0 : i32
    %dma_start3A_14 = tpu.memref_slice %arg2[%dma_start3A_12, %dma_start3A_13] : memref<10240x128xf32, #tpu.memory_space<hbm>> -> memref<10240x128xf32, #tpu.memory_space<hbm>>
    tpu.enqueue_indirect_dma source(%dma_start3A_14 : memref<10240x128xf32, #tpu.memory_space<hbm>>) target(%arg10 : memref<128x128xf32, #tpu.memory_space<vmem>>) offsets(%dma_start3A_11 : memref<128xi32, #tpu.memory_space<vmem>>) semaphore(%arg12 : memref<!tpu.dma_semaphore, #tpu.memory_space<semaphore_mem>>)
    %dma_start3A_15 = arith.constant 1 : i32
    %dma_start3A_16 = arith.constant 0 : i32
    %dma_start3A_17 = tpu.memref_slice %arg7[%dma_start3A_15, %dma_start3A_16] : memref<40x128xi32, #tpu.memory_space<vmem>> -> memref<1x128xi32, #tpu.memory_space<vmem>>
    %dma_start3A_18 = tpu.memref_squeeze %dma_start3A_17 : memref<1x128xi32, #tpu.memory_space<vmem>> -> memref<128xi32, #tpu.memory_space<vmem>>
    %dma_start3A_19 = arith.constant 0 : i32
    %dma_start3A_20 = arith.constant 0 : i32
    %dma_start3A_21 = tpu.memref_slice %arg2[%dma_start3A_19, %dma_start3A_20] : memref<10240x128xf32, #tpu.memory_space<hbm>> -> memref<10240x128xf32, #tpu.memory_space<hbm>>
    tpu.enqueue_indirect_dma source(%dma_start3A_21 : memref<10240x128xf32, #tpu.memory_space<hbm>>) target(%arg11 : memref<128x128xf32, #tpu.memory_space<vmem>>) offsets(%dma_start3A_18 : memref<128xi32, #tpu.memory_space<vmem>>) semaphore(%arg13 : memref<!tpu.dma_semaphore, #tpu.memory_space<semaphore_mem>>)
    %scan3A = arith.constant 0 : i32
    %scan3A_22 = arith.constant 20 : i32
    %scan3A_23 = arith.addi %scan3A, %scan3A_22 : i32
    %scan3A_24 = arith.constant 1 : i32
    scf.for %scan3A_54 = %scan3A to %scan3A_23 step %scan3A_24  : i32 {
      %mul3A_55 = arith.constant 1 : i32
      %mul3A_56 = arith.muli %scan3A_54, %mul3A_55 : i32
      %add3A_57 = arith.constant 0 : i32
      %add3A_58 = arith.addi %add3A_57, %mul3A_56 : i32
      %mul3A_59 = arith.constant 2 : i32
      %mul3A_60 = arith.muli %add3A_58, %mul3A_59 : i32
      %add3A_61 = arith.constant 0 : i32
      %add3A_62 = arith.addi %mul3A_60, %add3A_61 : i32
      %dma_wait3A = arith.constant 0 : i32
      %dma_wait3A_63 = tpu.memref_slice %arg7[%add3A_62, %dma_wait3A] : memref<40x128xi32, #tpu.memory_space<vmem>> -> memref<1x128xi32, #tpu.memory_space<vmem>>
      %dma_wait3A_64 = tpu.memref_squeeze %dma_wait3A_63 : memref<1x128xi32, #tpu.memory_space<vmem>> -> memref<128xi32, #tpu.memory_space<vmem>>
      %dma_wait3A_65 = arith.constant 0 : i32
      %dma_wait3A_66 = arith.constant 0 : i32
      %dma_wait3A_67 = tpu.memref_slice %arg2[%dma_wait3A_65, %dma_wait3A_66] : memref<10240x128xf32, #tpu.memory_space<hbm>> -> memref<10240x128xf32, #tpu.memory_space<hbm>>
      tpu.wait_indirect_dma semaphore(%arg12 : memref<!tpu.dma_semaphore, #tpu.memory_space<semaphore_mem>>) src(%dma_wait3A_67 : memref<10240x128xf32, #tpu.memory_space<hbm>>) dst(%arg10 : memref<128x128xf32, #tpu.memory_space<vmem>>)
      "tpu.region"() ({
        %run_scoped3A = tpu.sem_alloc : memref<!tpu.dma_semaphore, #tpu.memory_space<semaphore_mem>>
        %dma_start3A_89 = arith.constant 0 : i32
        %dma_start3A_90 = tpu.memref_slice %arg8[%add3A_62, %dma_start3A_89] : memref<40x128xi32, #tpu.memory_space<vmem>> -> memref<1x128xi32, #tpu.memory_space<vmem>>
        %dma_start3A_91 = tpu.memref_squeeze %dma_start3A_90 : memref<1x128xi32, #tpu.memory_space<vmem>> -> memref<128xi32, #tpu.memory_space<vmem>>
        %dma_start3A_92 = arith.constant 0 : i32
        %dma_start3A_93 = arith.constant 0 : i32
        %dma_start3A_94 = tpu.memref_slice %arg9[%dma_start3A_92, %dma_start3A_93] : memref<10256x128xf32, #tpu.memory_space<vmem_shared>> -> memref<10256x128xf32, #tpu.memory_space<vmem_shared>>
        tpu.enqueue_indirect_dma source(%arg10 : memref<128x128xf32, #tpu.memory_space<vmem>>) target(%dma_start3A_94 : memref<10256x128xf32, #tpu.memory_space<vmem_shared>>) offsets(%dma_start3A_91 : memref<128xi32, #tpu.memory_space<vmem>>) semaphore(%run_scoped3A : memref<!tpu.dma_semaphore, #tpu.memory_space<semaphore_mem>>) {add = true}
        %dma_wait3A_95 = arith.constant 0 : i32
        %dma_wait3A_96 = tpu.memref_slice %arg8[%add3A_62, %dma_wait3A_95] : memref<40x128xi32, #tpu.memory_space<vmem>> -> memref<1x128xi32, #tpu.memory_space<vmem>>
        %dma_wait3A_97 = tpu.memref_squeeze %dma_wait3A_96 : memref<1x128xi32, #tpu.memory_space<vmem>> -> memref<128xi32, #tpu.memory_space<vmem>>
        %dma_wait3A_98 = arith.constant 0 : i32
        %dma_wait3A_99 = arith.constant 0 : i32
        %dma_wait3A_100 = tpu.memref_slice %arg9[%dma_wait3A_98, %dma_wait3A_99] : memref<10256x128xf32, #tpu.memory_space<vmem_shared>> -> memref<10256x128xf32, #tpu.memory_space<vmem_shared>>
        tpu.wait_indirect_dma semaphore(%run_scoped3A : memref<!tpu.dma_semaphore, #tpu.memory_space<semaphore_mem>>) src(%arg10 : memref<128x128xf32, #tpu.memory_space<vmem>>) dst(%dma_wait3A_100 : memref<10256x128xf32, #tpu.memory_space<vmem_shared>>)
        tpu.yield
      }) : () -> ()
      %add3A_68 = arith.constant 2 : i32
      %add3A_69 = arith.addi %add3A_62, %add3A_68 : i32
      %lt3A = arith.constant 40 : i32
      %lt3A_70 = arith.cmpi slt, %add3A_69, %lt3A : i32
      %convert_element_type3A = arith.extui %lt3A_70 : i1 to i32
      %cond3A = arith.constant 0 : i32
      %cond3A_71 = arith.cmpi ne, %convert_element_type3A, %cond3A : i32
      scf.if %cond3A_71 {
        %add3A_89 = arith.constant 2 : i32
        %add3A_90 = arith.addi %add3A_62, %add3A_89 : i32
        %dma_start3A_91 = arith.constant 0 : i32
        %dma_start3A_92 = tpu.memref_slice %arg7[%add3A_90, %dma_start3A_91] : memref<40x128xi32, #tpu.memory_space<vmem>> -> memref<1x128xi32, #tpu.memory_space<vmem>>
        %dma_start3A_93 = tpu.memref_squeeze %dma_start3A_92 : memref<1x128xi32, #tpu.memory_space<vmem>> -> memref<128xi32, #tpu.memory_space<vmem>>
        %dma_start3A_94 = arith.constant 0 : i32
        %dma_start3A_95 = arith.constant 0 : i32
        %dma_start3A_96 = tpu.memref_slice %arg2[%dma_start3A_94, %dma_start3A_95] : memref<10240x128xf32, #tpu.memory_space<hbm>> -> memref<10240x128xf32, #tpu.memory_space<hbm>>
        tpu.enqueue_indirect_dma source(%dma_start3A_96 : memref<10240x128xf32, #tpu.memory_space<hbm>>) target(%arg10 : memref<128x128xf32, #tpu.memory_space<vmem>>) offsets(%dma_start3A_93 : memref<128xi32, #tpu.memory_space<vmem>>) semaphore(%arg12 : memref<!tpu.dma_semaphore, #tpu.memory_space<semaphore_mem>>)
      } else {
      }
      %mul3A_72 = arith.constant 2 : i32
      %mul3A_73 = arith.muli %add3A_58, %mul3A_72 : i32
      %add3A_74 = arith.constant 1 : i32
      %add3A_75 = arith.addi %mul3A_73, %add3A_74 : i32
      %dma_wait3A_76 = arith.constant 0 : i32
      %dma_wait3A_77 = tpu.memref_slice %arg7[%add3A_75, %dma_wait3A_76] : memref<40x128xi32, #tpu.memory_space<vmem>> -> memref<1x128xi32, #tpu.memory_space<vmem>>
      %dma_wait3A_78 = tpu.memref_squeeze %dma_wait3A_77 : memref<1x128xi32, #tpu.memory_space<vmem>> -> memref<128xi32, #tpu.memory_space<vmem>>
      %dma_wait3A_79 = arith.constant 0 : i32
      %dma_wait3A_80 = arith.constant 0 : i32
      %dma_wait3A_81 = tpu.memref_slice %arg2[%dma_wait3A_79, %dma_wait3A_80] : memref<10240x128xf32, #tpu.memory_space<hbm>> -> memref<10240x128xf32, #tpu.memory_space<hbm>>
      tpu.wait_indirect_dma semaphore(%arg13 : memref<!tpu.dma_semaphore, #tpu.memory_space<semaphore_mem>>) src(%dma_wait3A_81 : memref<10240x128xf32, #tpu.memory_space<hbm>>) dst(%arg11 : memref<128x128xf32, #tpu.memory_space<vmem>>)
      "tpu.region"() ({
        %run_scoped3A = tpu.sem_alloc : memref<!tpu.dma_semaphore, #tpu.memory_space<semaphore_mem>>
        %dma_start3A_89 = arith.constant 0 : i32
        %dma_start3A_90 = tpu.memref_slice %arg8[%add3A_75, %dma_start3A_89] : memref<40x128xi32, #tpu.memory_space<vmem>> -> memref<1x128xi32, #tpu.memory_space<vmem>>
        %dma_start3A_91 = tpu.memref_squeeze %dma_start3A_90 : memref<1x128xi32, #tpu.memory_space<vmem>> -> memref<128xi32, #tpu.memory_space<vmem>>
        %dma_start3A_92 = arith.constant 0 : i32
        %dma_start3A_93 = arith.constant 0 : i32
        %dma_start3A_94 = tpu.memref_slice %arg9[%dma_start3A_92, %dma_start3A_93] : memref<10256x128xf32, #tpu.memory_space<vmem_shared>> -> memref<10256x128xf32, #tpu.memory_space<vmem_shared>>
        tpu.enqueue_indirect_dma source(%arg11 : memref<128x128xf32, #tpu.memory_space<vmem>>) target(%dma_start3A_94 : memref<10256x128xf32, #tpu.memory_space<vmem_shared>>) offsets(%dma_start3A_91 : memref<128xi32, #tpu.memory_space<vmem>>) semaphore(%run_scoped3A : memref<!tpu.dma_semaphore, #tpu.memory_space<semaphore_mem>>) {add = true}
        %dma_wait3A_95 = arith.constant 0 : i32
        %dma_wait3A_96 = tpu.memref_slice %arg8[%add3A_75, %dma_wait3A_95] : memref<40x128xi32, #tpu.memory_space<vmem>> -> memref<1x128xi32, #tpu.memory_space<vmem>>
        %dma_wait3A_97 = tpu.memref_squeeze %dma_wait3A_96 : memref<1x128xi32, #tpu.memory_space<vmem>> -> memref<128xi32, #tpu.memory_space<vmem>>
        %dma_wait3A_98 = arith.constant 0 : i32
        %dma_wait3A_99 = arith.constant 0 : i32
        %dma_wait3A_100 = tpu.memref_slice %arg9[%dma_wait3A_98, %dma_wait3A_99] : memref<10256x128xf32, #tpu.memory_space<vmem_shared>> -> memref<10256x128xf32, #tpu.memory_space<vmem_shared>>
        tpu.wait_indirect_dma semaphore(%run_scoped3A : memref<!tpu.dma_semaphore, #tpu.memory_space<semaphore_mem>>) src(%arg11 : memref<128x128xf32, #tpu.memory_space<vmem>>) dst(%dma_wait3A_100 : memref<10256x128xf32, #tpu.memory_space<vmem_shared>>)
        tpu.yield
      }) : () -> ()
      %add3A_82 = arith.constant 2 : i32
      %add3A_83 = arith.addi %add3A_75, %add3A_82 : i32
      %lt3A_84 = arith.constant 40 : i32
      %lt3A_85 = arith.cmpi slt, %add3A_83, %lt3A_84 : i32
      %convert_element_type3A_86 = arith.extui %lt3A_85 : i1 to i32
      %cond3A_87 = arith.constant 0 : i32
      %cond3A_88 = arith.cmpi ne, %convert_element_type3A_86, %cond3A_87 : i32
      scf.if %cond3A_88 {
        %add3A_89 = arith.constant 2 : i32
        %add3A_90 = arith.addi %add3A_75, %add3A_89 : i32
        %dma_start3A_91 = arith.constant 0 : i32
        %dma_start3A_92 = tpu.memref_slice %arg7[%add3A_90, %dma_start3A_91] : memref<40x128xi32, #tpu.memory_space<vmem>> -> memref<1x128xi32, #tpu.memory_space<vmem>>
        %dma_start3A_93 = tpu.memref_squeeze %dma_start3A_92 : memref<1x128xi32, #tpu.memory_space<vmem>> -> memref<128xi32, #tpu.memory_space<vmem>>
        %dma_start3A_94 = arith.constant 0 : i32
        %dma_start3A_95 = arith.constant 0 : i32
        %dma_start3A_96 = tpu.memref_slice %arg2[%dma_start3A_94, %dma_start3A_95] : memref<10240x128xf32, #tpu.memory_space<hbm>> -> memref<10240x128xf32, #tpu.memory_space<hbm>>
        tpu.enqueue_indirect_dma source(%dma_start3A_96 : memref<10240x128xf32, #tpu.memory_space<hbm>>) target(%arg11 : memref<128x128xf32, #tpu.memory_space<vmem>>) offsets(%dma_start3A_93 : memref<128xi32, #tpu.memory_space<vmem>>) semaphore(%arg13 : memref<!tpu.dma_semaphore, #tpu.memory_space<semaphore_mem>>)
      } else {
      }
    }
    %scan3A_25 = arith.constant 20 : i32
    %mul3A_26 = arith.constant 80 : i32
    %mul3A_27 = arith.muli %add3A, %mul3A_26 : i32
    %add3A_28 = arith.constant 40 : i32
    %add3A_29 = arith.addi %mul3A_27, %add3A_28 : i32
    "tpu.region"() ({
      %run_scoped3A = tpu.sem_alloc : memref<!tpu.dma_semaphore, #tpu.memory_space<semaphore_mem>>
      %dma_start3A_54 = arith.constant 0 : i32
      %dma_start3A_55 = arith.constant 0 : i32
      %dma_start3A_56 = tpu.memref_slice %arg7[%dma_start3A_54, %dma_start3A_55] : memref<40x128xi32, #tpu.memory_space<vmem>> -> memref<40x128xi32, #tpu.memory_space<vmem>>
      %dma_start3A_57 = arith.constant 0 : i32
      %dma_start3A_58 = tpu.memref_slice %arg3[%add3A_29, %dma_start3A_57] : memref<2560x128xi32, #tpu.memory_space<hbm>> -> memref<40x128xi32, #tpu.memory_space<hbm>>
      %dma_start3A_59 = arith.constant 0 : i32
      %dma_start3A_60 = arith.constant 0 : i32
      %dma_start3A_61 = tpu.memref_slice %arg7[%dma_start3A_59, %dma_start3A_60] : memref<40x128xi32, #tpu.memory_space<vmem>> -> memref<40x128xi32, #tpu.memory_space<vmem>>
      %dma_start3A_62 = arith.constant 0 : i32
      %dma_start3A_63 = tpu.memref_slice %arg3[%add3A_29, %dma_start3A_62] : memref<2560x128xi32, #tpu.memory_space<hbm>> -> memref<40x128xi32, #tpu.memory_space<hbm>>
      tpu.enqueue_dma source(%dma_start3A_63 : memref<40x128xi32, #tpu.memory_space<hbm>>) target(%dma_start3A_61 : memref<40x128xi32, #tpu.memory_space<vmem>>) target_semaphore(%run_scoped3A : memref<!tpu.dma_semaphore, #tpu.memory_space<semaphore_mem>>)
      %dma_wait3A = arith.constant 0 : i32
      %dma_wait3A_64 = arith.constant 0 : i32
      %dma_wait3A_65 = tpu.memref_slice %arg7[%dma_wait3A, %dma_wait3A_64] : memref<40x128xi32, #tpu.memory_space<vmem>> -> memref<40x128xi32, #tpu.memory_space<vmem>>
      %dma_wait3A_66 = arith.constant 0 : i32
      %dma_wait3A_67 = tpu.memref_slice %arg3[%add3A_29, %dma_wait3A_66] : memref<2560x128xi32, #tpu.memory_space<hbm>> -> memref<40x128xi32, #tpu.memory_space<hbm>>
      %dma_wait3A_68 = arith.constant 0 : i32
      %dma_wait3A_69 = arith.constant 0 : i32
      %dma_wait3A_70 = tpu.memref_slice %arg7[%dma_wait3A_68, %dma_wait3A_69] : memref<40x128xi32, #tpu.memory_space<vmem>> -> memref<40x128xi32, #tpu.memory_space<vmem>>
      %dma_wait3A_71 = arith.constant 0 : i32
      %dma_wait3A_72 = tpu.memref_slice %arg3[%add3A_29, %dma_wait3A_71] : memref<2560x128xi32, #tpu.memory_space<hbm>> -> memref<40x128xi32, #tpu.memory_space<hbm>>
      tpu.wait_dma2 semaphore(%run_scoped3A : memref<!tpu.dma_semaphore, #tpu.memory_space<semaphore_mem>>) src(%dma_wait3A_72 : memref<40x128xi32, #tpu.memory_space<hbm>>) dst(%dma_wait3A_70 : memref<40x128xi32, #tpu.memory_space<vmem>>)
      tpu.yield
    }) : () -> ()
    "tpu.region"() ({
      %run_scoped3A = tpu.sem_alloc : memref<!tpu.dma_semaphore, #tpu.memory_space<semaphore_mem>>
      %dma_start3A_54 = arith.constant 0 : i32
      %dma_start3A_55 = arith.constant 0 : i32
      %dma_start3A_56 = tpu.memref_slice %arg8[%dma_start3A_54, %dma_start3A_55] : memref<40x128xi32, #tpu.memory_space<vmem>> -> memref<40x128xi32, #tpu.memory_space<vmem>>
      %dma_start3A_57 = arith.constant 0 : i32
      %dma_start3A_58 = tpu.memref_slice %arg4[%add3A_29, %dma_start3A_57] : memref<2560x128xi32, #tpu.memory_space<hbm>> -> memref<40x128xi32, #tpu.memory_space<hbm>>
      %dma_start3A_59 = arith.constant 0 : i32
      %dma_start3A_60 = arith.constant 0 : i32
      %dma_start3A_61 = tpu.memref_slice %arg8[%dma_start3A_59, %dma_start3A_60] : memref<40x128xi32, #tpu.memory_space<vmem>> -> memref<40x128xi32, #tpu.memory_space<vmem>>
      %dma_start3A_62 = arith.constant 0 : i32
      %dma_start3A_63 = tpu.memref_slice %arg4[%add3A_29, %dma_start3A_62] : memref<2560x128xi32, #tpu.memory_space<hbm>> -> memref<40x128xi32, #tpu.memory_space<hbm>>
      tpu.enqueue_dma source(%dma_start3A_63 : memref<40x128xi32, #tpu.memory_space<hbm>>) target(%dma_start3A_61 : memref<40x128xi32, #tpu.memory_space<vmem>>) target_semaphore(%run_scoped3A : memref<!tpu.dma_semaphore, #tpu.memory_space<semaphore_mem>>)
      %dma_wait3A = arith.constant 0 : i32
      %dma_wait3A_64 = arith.constant 0 : i32
      %dma_wait3A_65 = tpu.memref_slice %arg8[%dma_wait3A, %dma_wait3A_64] : memref<40x128xi32, #tpu.memory_space<vmem>> -> memref<40x128xi32, #tpu.memory_space<vmem>>
      %dma_wait3A_66 = arith.constant 0 : i32
      %dma_wait3A_67 = tpu.memref_slice %arg4[%add3A_29, %dma_wait3A_66] : memref<2560x128xi32, #tpu.memory_space<hbm>> -> memref<40x128xi32, #tpu.memory_space<hbm>>
      %dma_wait3A_68 = arith.constant 0 : i32
      %dma_wait3A_69 = arith.constant 0 : i32
      %dma_wait3A_70 = tpu.memref_slice %arg8[%dma_wait3A_68, %dma_wait3A_69] : memref<40x128xi32, #tpu.memory_space<vmem>> -> memref<40x128xi32, #tpu.memory_space<vmem>>
      %dma_wait3A_71 = arith.constant 0 : i32
      %dma_wait3A_72 = tpu.memref_slice %arg4[%add3A_29, %dma_wait3A_71] : memref<2560x128xi32, #tpu.memory_space<hbm>> -> memref<40x128xi32, #tpu.memory_space<hbm>>
      tpu.wait_dma2 semaphore(%run_scoped3A : memref<!tpu.dma_semaphore, #tpu.memory_space<semaphore_mem>>) src(%dma_wait3A_72 : memref<40x128xi32, #tpu.memory_space<hbm>>) dst(%dma_wait3A_70 : memref<40x128xi32, #tpu.memory_space<vmem>>)
      tpu.yield
    }) : () -> ()
    %dma_start3A_30 = arith.constant 0 : i32
    %dma_start3A_31 = arith.constant 0 : i32
    %dma_start3A_32 = tpu.memref_slice %arg7[%dma_start3A_30, %dma_start3A_31] : memref<40x128xi32, #tpu.memory_space<vmem>> -> memref<1x128xi32, #tpu.memory_space<vmem>>
    %dma_start3A_33 = tpu.memref_squeeze %dma_start3A_32 : memref<1x128xi32, #tpu.memory_space<vmem>> -> memref<128xi32, #tpu.memory_space<vmem>>
    %dma_start3A_34 = arith.constant 0 : i32
    %dma_start3A_35 = arith.constant 0 : i32
    %dma_start3A_36 = tpu.memref_slice %arg2[%dma_start3A_34, %dma_start3A_35] : memref<10240x128xf32, #tpu.memory_space<hbm>> -> memref<10240x128xf32, #tpu.memory_space<hbm>>
    tpu.enqueue_indirect_dma source(%dma_start3A_36 : memref<10240x128xf32, #tpu.memory_space<hbm>>) target(%arg10 : memref<128x128xf32, #tpu.memory_space<vmem>>) offsets(%dma_start3A_33 : memref<128xi32, #tpu.memory_space<vmem>>) semaphore(%arg12 : memref<!tpu.dma_semaphore, #tpu.memory_space<semaphore_mem>>)
    %dma_start3A_37 = arith.constant 1 : i32
    %dma_start3A_38 = arith.constant 0 : i32
    %dma_start3A_39 = tpu.memref_slice %arg7[%dma_start3A_37, %dma_start3A_38] : memref<40x128xi32, #tpu.memory_space<vmem>> -> memref<1x128xi32, #tpu.memory_space<vmem>>
    %dma_start3A_40 = tpu.memref_squeeze %dma_start3A_39 : memref<1x128xi32, #tpu.memory_space<vmem>> -> memref<128xi32, #tpu.memory_space<vmem>>
    %dma_start3A_41 = arith.constant 0 : i32
    %dma_start3A_42 = arith.constant 0 : i32
    %dma_start3A_43 = tpu.memref_slice %arg2[%dma_start3A_41, %dma_start3A_42] : memref<10240x128xf32, #tpu.memory_space<hbm>> -> memref<10240x128xf32, #tpu.memory_space<hbm>>
    tpu.enqueue_indirect_dma source(%dma_start3A_43 : memref<10240x128xf32, #tpu.memory_space<hbm>>) target(%arg11 : memref<128x128xf32, #tpu.memory_space<vmem>>) offsets(%dma_start3A_40 : memref<128xi32, #tpu.memory_space<vmem>>) semaphore(%arg13 : memref<!tpu.dma_semaphore, #tpu.memory_space<semaphore_mem>>)
    %scan3A_44 = arith.constant 0 : i32
    %scan3A_45 = arith.constant 20 : i32
    %scan3A_46 = arith.addi %scan3A_44, %scan3A_45 : i32
    %scan3A_47 = arith.constant 1 : i32
    scf.for %scan3A_54 = %scan3A_44 to %scan3A_46 step %scan3A_47  : i32 {
      %mul3A_55 = arith.constant 1 : i32
      %mul3A_56 = arith.muli %scan3A_54, %mul3A_55 : i32
      %add3A_57 = arith.constant 0 : i32
      %add3A_58 = arith.addi %add3A_57, %mul3A_56 : i32
      %mul3A_59 = arith.constant 2 : i32
      %mul3A_60 = arith.muli %add3A_58, %mul3A_59 : i32
      %add3A_61 = arith.constant 0 : i32
      %add3A_62 = arith.addi %mul3A_60, %add3A_61 : i32
      %dma_wait3A = arith.constant 0 : i32
      %dma_wait3A_63 = tpu.memref_slice %arg7[%add3A_62, %dma_wait3A] : memref<40x128xi32, #tpu.memory_space<vmem>> -> memref<1x128xi32, #tpu.memory_space<vmem>>
      %dma_wait3A_64 = tpu.memref_squeeze %dma_wait3A_63 : memref<1x128xi32, #tpu.memory_space<vmem>> -> memref<128xi32, #tpu.memory_space<vmem>>
      %dma_wait3A_65 = arith.constant 0 : i32
      %dma_wait3A_66 = arith.constant 0 : i32
      %dma_wait3A_67 = tpu.memref_slice %arg2[%dma_wait3A_65, %dma_wait3A_66] : memref<10240x128xf32, #tpu.memory_space<hbm>> -> memref<10240x128xf32, #tpu.memory_space<hbm>>
      tpu.wait_indirect_dma semaphore(%arg12 : memref<!tpu.dma_semaphore, #tpu.memory_space<semaphore_mem>>) src(%dma_wait3A_67 : memref<10240x128xf32, #tpu.memory_space<hbm>>) dst(%arg10 : memref<128x128xf32, #tpu.memory_space<vmem>>)
      "tpu.region"() ({
        %run_scoped3A = tpu.sem_alloc : memref<!tpu.dma_semaphore, #tpu.memory_space<semaphore_mem>>
        %dma_start3A_89 = arith.constant 0 : i32
        %dma_start3A_90 = tpu.memref_slice %arg8[%add3A_62, %dma_start3A_89] : memref<40x128xi32, #tpu.memory_space<vmem>> -> memref<1x128xi32, #tpu.memory_space<vmem>>
        %dma_start3A_91 = tpu.memref_squeeze %dma_start3A_90 : memref<1x128xi32, #tpu.memory_space<vmem>> -> memref<128xi32, #tpu.memory_space<vmem>>
        %dma_start3A_92 = arith.constant 0 : i32
        %dma_start3A_93 = arith.constant 0 : i32
        %dma_start3A_94 = tpu.memref_slice %arg9[%dma_start3A_92, %dma_start3A_93] : memref<10256x128xf32, #tpu.memory_space<vmem_shared>> -> memref<10256x128xf32, #tpu.memory_space<vmem_shared>>
        tpu.enqueue_indirect_dma source(%arg10 : memref<128x128xf32, #tpu.memory_space<vmem>>) target(%dma_start3A_94 : memref<10256x128xf32, #tpu.memory_space<vmem_shared>>) offsets(%dma_start3A_91 : memref<128xi32, #tpu.memory_space<vmem>>) semaphore(%run_scoped3A : memref<!tpu.dma_semaphore, #tpu.memory_space<semaphore_mem>>) {add = true}
        %dma_wait3A_95 = arith.constant 0 : i32
        %dma_wait3A_96 = tpu.memref_slice %arg8[%add3A_62, %dma_wait3A_95] : memref<40x128xi32, #tpu.memory_space<vmem>> -> memref<1x128xi32, #tpu.memory_space<vmem>>
        %dma_wait3A_97 = tpu.memref_squeeze %dma_wait3A_96 : memref<1x128xi32, #tpu.memory_space<vmem>> -> memref<128xi32, #tpu.memory_space<vmem>>
        %dma_wait3A_98 = arith.constant 0 : i32
        %dma_wait3A_99 = arith.constant 0 : i32
        %dma_wait3A_100 = tpu.memref_slice %arg9[%dma_wait3A_98, %dma_wait3A_99] : memref<10256x128xf32, #tpu.memory_space<vmem_shared>> -> memref<10256x128xf32, #tpu.memory_space<vmem_shared>>
        tpu.wait_indirect_dma semaphore(%run_scoped3A : memref<!tpu.dma_semaphore, #tpu.memory_space<semaphore_mem>>) src(%arg10 : memref<128x128xf32, #tpu.memory_space<vmem>>) dst(%dma_wait3A_100 : memref<10256x128xf32, #tpu.memory_space<vmem_shared>>)
        tpu.yield
      }) : () -> ()
      %add3A_68 = arith.constant 2 : i32
      %add3A_69 = arith.addi %add3A_62, %add3A_68 : i32
      %lt3A = arith.constant 40 : i32
      %lt3A_70 = arith.cmpi slt, %add3A_69, %lt3A : i32
      %convert_element_type3A = arith.extui %lt3A_70 : i1 to i32
      %cond3A = arith.constant 0 : i32
      %cond3A_71 = arith.cmpi ne, %convert_element_type3A, %cond3A : i32
      scf.if %cond3A_71 {
        %add3A_89 = arith.constant 2 : i32
        %add3A_90 = arith.addi %add3A_62, %add3A_89 : i32
        %dma_start3A_91 = arith.constant 0 : i32
        %dma_start3A_92 = tpu.memref_slice %arg7[%add3A_90, %dma_start3A_91] : memref<40x128xi32, #tpu.memory_space<vmem>> -> memref<1x128xi32, #tpu.memory_space<vmem>>
        %dma_start3A_93 = tpu.memref_squeeze %dma_start3A_92 : memref<1x128xi32, #tpu.memory_space<vmem>> -> memref<128xi32, #tpu.memory_space<vmem>>
        %dma_start3A_94 = arith.constant 0 : i32
        %dma_start3A_95 = arith.constant 0 : i32
        %dma_start3A_96 = tpu.memref_slice %arg2[%dma_start3A_94, %dma_start3A_95] : memref<10240x128xf32, #tpu.memory_space<hbm>> -> memref<10240x128xf32, #tpu.memory_space<hbm>>
        tpu.enqueue_indirect_dma source(%dma_start3A_96 : memref<10240x128xf32, #tpu.memory_space<hbm>>) target(%arg10 : memref<128x128xf32, #tpu.memory_space<vmem>>) offsets(%dma_start3A_93 : memref<128xi32, #tpu.memory_space<vmem>>) semaphore(%arg12 : memref<!tpu.dma_semaphore, #tpu.memory_space<semaphore_mem>>)
      } else {
      }
      %mul3A_72 = arith.constant 2 : i32
      %mul3A_73 = arith.muli %add3A_58, %mul3A_72 : i32
      %add3A_74 = arith.constant 1 : i32
      %add3A_75 = arith.addi %mul3A_73, %add3A_74 : i32
      %dma_wait3A_76 = arith.constant 0 : i32
      %dma_wait3A_77 = tpu.memref_slice %arg7[%add3A_75, %dma_wait3A_76] : memref<40x128xi32, #tpu.memory_space<vmem>> -> memref<1x128xi32, #tpu.memory_space<vmem>>
      %dma_wait3A_78 = tpu.memref_squeeze %dma_wait3A_77 : memref<1x128xi32, #tpu.memory_space<vmem>> -> memref<128xi32, #tpu.memory_space<vmem>>
      %dma_wait3A_79 = arith.constant 0 : i32
      %dma_wait3A_80 = arith.constant 0 : i32
      %dma_wait3A_81 = tpu.memref_slice %arg2[%dma_wait3A_79, %dma_wait3A_80] : memref<10240x128xf32, #tpu.memory_space<hbm>> -> memref<10240x128xf32, #tpu.memory_space<hbm>>
      tpu.wait_indirect_dma semaphore(%arg13 : memref<!tpu.dma_semaphore, #tpu.memory_space<semaphore_mem>>) src(%dma_wait3A_81 : memref<10240x128xf32, #tpu.memory_space<hbm>>) dst(%arg11 : memref<128x128xf32, #tpu.memory_space<vmem>>)
      "tpu.region"() ({
        %run_scoped3A = tpu.sem_alloc : memref<!tpu.dma_semaphore, #tpu.memory_space<semaphore_mem>>
        %dma_start3A_89 = arith.constant 0 : i32
        %dma_start3A_90 = tpu.memref_slice %arg8[%add3A_75, %dma_start3A_89] : memref<40x128xi32, #tpu.memory_space<vmem>> -> memref<1x128xi32, #tpu.memory_space<vmem>>
        %dma_start3A_91 = tpu.memref_squeeze %dma_start3A_90 : memref<1x128xi32, #tpu.memory_space<vmem>> -> memref<128xi32, #tpu.memory_space<vmem>>
        %dma_start3A_92 = arith.constant 0 : i32
        %dma_start3A_93 = arith.constant 0 : i32
        %dma_start3A_94 = tpu.memref_slice %arg9[%dma_start3A_92, %dma_start3A_93] : memref<10256x128xf32, #tpu.memory_space<vmem_shared>> -> memref<10256x128xf32, #tpu.memory_space<vmem_shared>>
        tpu.enqueue_indirect_dma source(%arg11 : memref<128x128xf32, #tpu.memory_space<vmem>>) target(%dma_start3A_94 : memref<10256x128xf32, #tpu.memory_space<vmem_shared>>) offsets(%dma_start3A_91 : memref<128xi32, #tpu.memory_space<vmem>>) semaphore(%run_scoped3A : memref<!tpu.dma_semaphore, #tpu.memory_space<semaphore_mem>>) {add = true}
        %dma_wait3A_95 = arith.constant 0 : i32
        %dma_wait3A_96 = tpu.memref_slice %arg8[%add3A_75, %dma_wait3A_95] : memref<40x128xi32, #tpu.memory_space<vmem>> -> memref<1x128xi32, #tpu.memory_space<vmem>>
        %dma_wait3A_97 = tpu.memref_squeeze %dma_wait3A_96 : memref<1x128xi32, #tpu.memory_space<vmem>> -> memref<128xi32, #tpu.memory_space<vmem>>
        %dma_wait3A_98 = arith.constant 0 : i32
        %dma_wait3A_99 = arith.constant 0 : i32
        %dma_wait3A_100 = tpu.memref_slice %arg9[%dma_wait3A_98, %dma_wait3A_99] : memref<10256x128xf32, #tpu.memory_space<vmem_shared>> -> memref<10256x128xf32, #tpu.memory_space<vmem_shared>>
        tpu.wait_indirect_dma semaphore(%run_scoped3A : memref<!tpu.dma_semaphore, #tpu.memory_space<semaphore_mem>>) src(%arg11 : memref<128x128xf32, #tpu.memory_space<vmem>>) dst(%dma_wait3A_100 : memref<10256x128xf32, #tpu.memory_space<vmem_shared>>)
        tpu.yield
      }) : () -> ()
      %add3A_82 = arith.constant 2 : i32
      %add3A_83 = arith.addi %add3A_75, %add3A_82 : i32
      %lt3A_84 = arith.constant 40 : i32
      %lt3A_85 = arith.cmpi slt, %add3A_83, %lt3A_84 : i32
      %convert_element_type3A_86 = arith.extui %lt3A_85 : i1 to i32
      %cond3A_87 = arith.constant 0 : i32
      %cond3A_88 = arith.cmpi ne, %convert_element_type3A_86, %cond3A_87 : i32
      scf.if %cond3A_88 {
        %add3A_89 = arith.constant 2 : i32
        %add3A_90 = arith.addi %add3A_75, %add3A_89 : i32
        %dma_start3A_91 = arith.constant 0 : i32
        %dma_start3A_92 = tpu.memref_slice %arg7[%add3A_90, %dma_start3A_91] : memref<40x128xi32, #tpu.memory_space<vmem>> -> memref<1x128xi32, #tpu.memory_space<vmem>>
        %dma_start3A_93 = tpu.memref_squeeze %dma_start3A_92 : memref<1x128xi32, #tpu.memory_space<vmem>> -> memref<128xi32, #tpu.memory_space<vmem>>
        %dma_start3A_94 = arith.constant 0 : i32
        %dma_start3A_95 = arith.constant 0 : i32
        %dma_start3A_96 = tpu.memref_slice %arg2[%dma_start3A_94, %dma_start3A_95] : memref<10240x128xf32, #tpu.memory_space<hbm>> -> memref<10240x128xf32, #tpu.memory_space<hbm>>
        tpu.enqueue_indirect_dma source(%dma_start3A_96 : memref<10240x128xf32, #tpu.memory_space<hbm>>) target(%arg11 : memref<128x128xf32, #tpu.memory_space<vmem>>) offsets(%dma_start3A_93 : memref<128xi32, #tpu.memory_space<vmem>>) semaphore(%arg13 : memref<!tpu.dma_semaphore, #tpu.memory_space<semaphore_mem>>)
      } else {
      }
    }
    %scan3A_48 = arith.constant 20 : i32
    %barrier3A_49 = arith.constant 0 : index
    tpu.barrier barrier_id(%barrier3A_49)
    %mul3A_50 = arith.constant 640 : i32
    %mul3A_51 = arith.muli %arg1, %mul3A_50 : i32
    %mul3A_52 = arith.constant 640 : i32
    %mul3A_53 = arith.muli %arg1, %mul3A_52 : i32
    "tpu.region"() ({
      %run_scoped3A = tpu.sem_alloc : memref<!tpu.dma_semaphore, #tpu.memory_space<semaphore_mem>>
      %dma_start3A_54 = arith.constant 0 : i32
      %dma_start3A_55 = tpu.memref_slice %arg6[%arg0, %mul3A_53, %dma_start3A_54] : memref<2x10240x128xf32, #tpu.memory_space<hbm>> -> memref<1x640x128xf32, #tpu.memory_space<hbm>>
      %dma_start3A_56 = tpu.memref_squeeze %dma_start3A_55 : memref<1x640x128xf32, #tpu.memory_space<hbm>> -> memref<640x128xf32, #tpu.memory_space<hbm>>
      %dma_start3A_57 = arith.constant 0 : i32
      %dma_start3A_58 = tpu.memref_slice %arg9[%mul3A_51, %dma_start3A_57] : memref<10256x128xf32, #tpu.memory_space<vmem_shared>> -> memref<640x128xf32, #tpu.memory_space<vmem_shared>>
      tpu.enqueue_dma source(%dma_start3A_58 : memref<640x128xf32, #tpu.memory_space<vmem_shared>>) target(%dma_start3A_56 : memref<640x128xf32, #tpu.memory_space<hbm>>) target_semaphore(%run_scoped3A : memref<!tpu.dma_semaphore, #tpu.memory_space<semaphore_mem>>)
      %dma_wait3A = arith.constant 0 : i32
      %dma_wait3A_59 = tpu.memref_slice %arg6[%arg0, %mul3A_53, %dma_wait3A] : memref<2x10240x128xf32, #tpu.memory_space<hbm>> -> memref<1x640x128xf32, #tpu.memory_space<hbm>>
      %dma_wait3A_60 = tpu.memref_squeeze %dma_wait3A_59 : memref<1x640x128xf32, #tpu.memory_space<hbm>> -> memref<640x128xf32, #tpu.memory_space<hbm>>
      %dma_wait3A_61 = arith.constant 0 : i32
      %dma_wait3A_62 = tpu.memref_slice %arg9[%mul3A_51, %dma_wait3A_61] : memref<10256x128xf32, #tpu.memory_space<vmem_shared>> -> memref<640x128xf32, #tpu.memory_space<vmem_shared>>
      tpu.wait_dma2 semaphore(%run_scoped3A : memref<!tpu.dma_semaphore, #tpu.memory_space<semaphore_mem>>) src(%dma_wait3A_62 : memref<640x128xf32, #tpu.memory_space<vmem_shared>>) dst(%dma_wait3A_60 : memref<640x128xf32, #tpu.memory_space<hbm>>)
      tpu.yield
    }) : () -> ()
    return
  }
}

module attributes {stable_mosaic.version = 14 : i64} {
  func.func @body(%arg0: i32, %arg1: memref<2048x128xf32, #tpu.memory_space<vmem>>, %arg2: memref<128x128xf32, #tpu.memory_space<vmem>>, %arg3: memref<32x2048xf32, #tpu.memory_space<vmem>>, %arg4: memref<2048x128xf32, #tpu.memory_space<vmem>>, %arg5: memref<128x128xf32, #tpu.memory_space<vmem>>, %arg6: memref<2048x128xf32, #tpu.memory_space<vmem>>, %arg7: memref<2048x128xf32, #tpu.memory_space<vmem>>) attributes {dimension_semantics = [#tpu.dimension_semantics<arbitrary>], iteration_bounds = array<i64: 5>, scalar_prefetch = 0 : i64, scratch_operands = 0 : i64, tpu.core_type = #tpu.core_type<tc>, window_params = [{transform_indices = @transform_0, window_bounds = array<i64: 2048, 128>}, {pipeline_mode = #tpu.pipeline_mode<synchronous>, transform_indices = @transform_1, window_bounds = array<i64: 128, 128>}, {transform_indices = @transform_2, window_bounds = array<i64: 32, 2048>}, {transform_indices = @transform_3, window_bounds = array<i64: 2048, 128>}, {pipeline_mode = #tpu.pipeline_mode<synchronous>, transform_indices = @transform_4, window_bounds = array<i64: 128, 128>}, {transform_indices = @transform_5, window_bounds = array<i64: 2048, 128>}, {transform_indices = @transform_6, window_bounds = array<i64: 2048, 128>}]} {
    %get3A = arith.constant 0 : index
    %get3A_0 = arith.constant 0 : index
    %get3A_1 = vector.load %arg3[%get3A, %get3A_0] : memref<32x2048xf32, #tpu.memory_space<vmem>>, vector<32x2048xf32>
    %reduce_sum3A = arith.constant dense<0.000000e+00> : vector<2048xf32>
    %reduce_sum3A_2 = vector.multi_reduction <add>, %get3A_1, %reduce_sum3A [0] : vector<32x2048xf32> to vector<2048xf32>
    %add3A = arith.constant 1.000000e+00 : f32
    %add3A_3 = vector.broadcast %add3A : f32 to vector<2048xf32>
    %add3A_4 = arith.addf %reduce_sum3A_2, %add3A_3 : vector<2048xf32>
    %sqrt3A = math.sqrt %add3A_4 : vector<2048xf32>
    %div3A = arith.constant 1.000000e+00 : f32
    %div3A_5 = vector.broadcast %div3A : f32 to vector<2048xf32>
    %div3A_6 = arith.divf %div3A_5, %sqrt3A : vector<2048xf32>
    %get3A_7 = arith.constant 0 : index
    %get3A_8 = arith.constant 0 : index
    %get3A_9 = vector.load %arg1[%get3A_7, %get3A_8] : memref<2048x128xf32, #tpu.memory_space<vmem>>, vector<2048x128xf32>
    %get3A_10 = arith.constant 0 : index
    %get3A_11 = arith.constant 0 : index
    %get3A_12 = vector.load %arg2[%get3A_10, %get3A_11] : memref<128x128xf32, #tpu.memory_space<vmem>>, vector<128x128xf32>
    %dot_general3A = arith.constant dense<0.000000e+00> : vector<2048x128xf32>
    %dot_general3A_13 = tpu.matmul %get3A_9, %get3A_12, %dot_general3A {dimension_numbers = #tpu.dot_dimension_numbers<[1], [0], [0], [1], [0, 0, 1, 1], [], []>, transpose_lhs_hint = false} : vector<2048x128xf32>, vector<128x128xf32>, vector<2048x128xf32> -> vector<2048x128xf32>
    %broadcast_in_dim3A = vector.shape_cast %div3A_6 : vector<2048xf32> to vector<2048x1xf32>
    %mul3A = vector.broadcast %broadcast_in_dim3A : vector<2048x1xf32> to vector<2048x128xf32>
    %mul3A_14 = arith.mulf %dot_general3A_13, %mul3A : vector<2048x128xf32>
    %swap3A = arith.constant 0 : index
    %swap3A_15 = arith.constant 0 : index
    %swap3A_16 = vector.load %arg6[%swap3A, %swap3A_15] : memref<2048x128xf32, #tpu.memory_space<vmem>>, vector<2048x128xf32>
    tpu.vector_store %arg6[%swap3A, %swap3A_15], %mul3A_14 {strides = array<i32>} : memref<2048x128xf32, #tpu.memory_space<vmem>>, vector<2048x128xf32>,
    %get3A_17 = arith.constant 0 : index
    %get3A_18 = arith.constant 0 : index
    %get3A_19 = vector.load %arg4[%get3A_17, %get3A_18] : memref<2048x128xf32, #tpu.memory_space<vmem>>, vector<2048x128xf32>
    %get3A_20 = arith.constant 0 : index
    %get3A_21 = arith.constant 0 : index
    %get3A_22 = vector.load %arg5[%get3A_20, %get3A_21] : memref<128x128xf32, #tpu.memory_space<vmem>>, vector<128x128xf32>
    %dot_general3A_23 = arith.constant dense<0.000000e+00> : vector<2048x128xf32>
    %dot_general3A_24 = tpu.matmul %get3A_19, %get3A_22, %dot_general3A_23 {dimension_numbers = #tpu.dot_dimension_numbers<[1], [0], [0], [1], [0, 0, 1, 1], [], []>, transpose_lhs_hint = false} : vector<2048x128xf32>, vector<128x128xf32>, vector<2048x128xf32> -> vector<2048x128xf32>
    %swap3A_25 = arith.constant 0 : index
    %swap3A_26 = arith.constant 0 : index
    %swap3A_27 = vector.load %arg7[%swap3A_25, %swap3A_26] : memref<2048x128xf32, #tpu.memory_space<vmem>>, vector<2048x128xf32>
    tpu.vector_store %arg7[%swap3A_25, %swap3A_26], %dot_general3A_24 {strides = array<i32>} : memref<2048x128xf32, #tpu.memory_space<vmem>>, vector<2048x128xf32>,
    return
  }
  func.func @transform_0(%arg0: i32) -> (i32, i32) {
    %c0_i32 = arith.constant 0 : i32
    %c0_i32_0 = arith.constant 0 : i32
    return %arg0, %c0_i32 : i32, i32
  }
  func.func @transform_1(%arg0: i32) -> (i32, i32) {
    %c0_i32 = arith.constant 0 : i32
    %c0_i32_0 = arith.constant 0 : i32
    %c0_i32_1 = arith.constant 0 : i32
    return %c0_i32, %c0_i32_0 : i32, i32
  }
  func.func @transform_2(%arg0: i32) -> (i32, i32) {
    %c0_i32 = arith.constant 0 : i32
    %c0_i32_0 = arith.constant 0 : i32
    return %c0_i32, %arg0 : i32, i32
  }
  func.func @transform_3(%arg0: i32) -> (i32, i32) {
    %c0_i32 = arith.constant 0 : i32
    %c0_i32_0 = arith.constant 0 : i32
    return %arg0, %c0_i32 : i32, i32
  }
  func.func @transform_4(%arg0: i32) -> (i32, i32) {
    %c0_i32 = arith.constant 0 : i32
    %c0_i32_0 = arith.constant 0 : i32
    %c0_i32_1 = arith.constant 0 : i32
    return %c0_i32, %c0_i32_0 : i32, i32
  }
  func.func @transform_5(%arg0: i32) -> (i32, i32) {
    %c0_i32 = arith.constant 0 : i32
    %c0_i32_0 = arith.constant 0 : i32
    return %arg0, %c0_i32 : i32, i32
  }
  func.func @transform_6(%arg0: i32) -> (i32, i32) {
    %c0_i32 = arith.constant 0 : i32
    %c0_i32_0 = arith.constant 0 : i32
    return %arg0, %c0_i32 : i32, i32
  }
}

module attributes {stable_mosaic.version = 14 : i64} {
  func.func @body(%arg0: i32, %arg1: memref<2x10240x128xf32, #tpu.memory_space<vmem>>, %arg2: memref<10240x128xf32, #tpu.memory_space<vmem>>, %arg3: memref<32x10240xf32, #tpu.memory_space<vmem>>, %arg4: memref<1x128xf32, #tpu.memory_space<vmem>>, %arg5: memref<1x10240xi32, #tpu.memory_space<vmem>>, %arg6: memref<32x512xf32, #tpu.memory_space<vmem>>, %arg7: memref<128x128xf32, #tpu.memory_space<vmem>>, %arg8: memref<1x128xf32, #tpu.memory_space<vmem>>, %arg9: memref<128x128xf32, #tpu.memory_space<vmem>>, %arg10: memref<512x128xf32, #tpu.memory_space<vmem>>) attributes {dimension_semantics = [#tpu.dimension_semantics<arbitrary>], iteration_bounds = array<i64: 1>, scalar_prefetch = 0 : i64, scratch_operands = 0 : i64, tpu.core_type = #tpu.core_type<tc>, window_params = [{pipeline_mode = #tpu.pipeline_mode<synchronous>, transform_indices = @transform_0, window_bounds = array<i64: 2, 10240, 128>}, {pipeline_mode = #tpu.pipeline_mode<synchronous>, transform_indices = @transform_1, window_bounds = array<i64: 10240, 128>}, {pipeline_mode = #tpu.pipeline_mode<synchronous>, transform_indices = @transform_2, window_bounds = array<i64: 32, 10240>}, {pipeline_mode = #tpu.pipeline_mode<synchronous>, transform_indices = @transform_3, window_bounds = array<i64: 1, 128>}, {pipeline_mode = #tpu.pipeline_mode<synchronous>, transform_indices = @transform_4, window_bounds = array<i64: 1, 10240>}, {pipeline_mode = #tpu.pipeline_mode<synchronous>, transform_indices = @transform_5, window_bounds = array<i64: 32, 512>}, {pipeline_mode = #tpu.pipeline_mode<synchronous>, transform_indices = @transform_6, window_bounds = array<i64: 128, 128>}, {pipeline_mode = #tpu.pipeline_mode<synchronous>, transform_indices = @transform_7, window_bounds = array<i64: 1, 128>}, {pipeline_mode = #tpu.pipeline_mode<synchronous>, transform_indices = @transform_8, window_bounds = array<i64: 128, 128>}, {pipeline_mode = #tpu.pipeline_mode<synchronous>, transform_indices = @transform_9, window_bounds = array<i64: 512, 128>}]} {
    %get3A = arith.constant 0 : index
    %get3A_0 = arith.constant 0 : index
    %get3A_1 = arith.constant 0 : index
    %get3A_2 = vector.load %arg1[%get3A, %get3A_0, %get3A_1] : memref<2x10240x128xf32, #tpu.memory_space<vmem>>, vector<1x10240x128xf32>
    %get3A_3 = vector.shape_cast %get3A_2 : vector<1x10240x128xf32> to vector<10240x128xf32>
    %get3A_4 = arith.constant 1 : index
    %get3A_5 = arith.constant 0 : index
    %get3A_6 = arith.constant 0 : index
    %get3A_7 = vector.load %arg1[%get3A_4, %get3A_5, %get3A_6] : memref<2x10240x128xf32, #tpu.memory_space<vmem>>, vector<1x10240x128xf32>
    %get3A_8 = vector.shape_cast %get3A_7 : vector<1x10240x128xf32> to vector<10240x128xf32>
    %add3A = arith.addf %get3A_3, %get3A_8 : vector<10240x128xf32>
    %get3A_9 = arith.constant 0 : index
    %get3A_10 = arith.constant 0 : index
    %get3A_11 = vector.load %arg2[%get3A_9, %get3A_10] : memref<10240x128xf32, #tpu.memory_space<vmem>>, vector<10240x128xf32>
    %add3A_12 = arith.addf %add3A, %get3A_11 : vector<10240x128xf32>
    %get3A_13 = arith.constant 0 : index
    %get3A_14 = arith.constant 0 : index
    %get3A_15 = vector.load %arg3[%get3A_13, %get3A_14] : memref<32x10240xf32, #tpu.memory_space<vmem>>, vector<32x10240xf32>
    %reduce_sum3A = arith.constant dense<0.000000e+00> : vector<10240xf32>
    %reduce_sum3A_16 = vector.multi_reduction <add>, %get3A_15, %reduce_sum3A [0] : vector<32x10240xf32> to vector<10240xf32>
    %add3A_17 = arith.constant 1.000000e+00 : f32
    %add3A_18 = vector.broadcast %add3A_17 : f32 to vector<10240xf32>
    %add3A_19 = arith.addf %reduce_sum3A_16, %add3A_18 : vector<10240xf32>
    %sqrt3A = math.sqrt %add3A_19 : vector<10240xf32>
    %div3A = arith.constant 1.000000e+00 : f32
    %div3A_20 = vector.broadcast %div3A : f32 to vector<10240xf32>
    %div3A_21 = arith.divf %div3A_20, %sqrt3A : vector<10240xf32>
    %broadcast_in_dim3A = vector.shape_cast %div3A_21 : vector<10240xf32> to vector<10240x1xf32>
    %mul3A = vector.broadcast %broadcast_in_dim3A : vector<10240x1xf32> to vector<10240x128xf32>
    %mul3A_22 = arith.mulf %add3A_12, %mul3A : vector<10240x128xf32>
    %get3A_23 = arith.constant 0 : index
    %get3A_24 = arith.constant 0 : index
    %get3A_25 = vector.load %arg4[%get3A_23, %get3A_24] : memref<1x128xf32, #tpu.memory_space<vmem>>, vector<1x128xf32>
    %add3A_26 = vector.broadcast %get3A_25 : vector<1x128xf32> to vector<10240x128xf32>
    %add3A_27 = arith.addf %mul3A_22, %add3A_26 : vector<10240x128xf32>
    %tanh3A = math.tanh %add3A_27 : vector<10240x128xf32>
    %get3A_28 = arith.constant 0 : index
    %get3A_29 = arith.constant 0 : index
    %get3A_30 = vector.load %arg5[%get3A_28, %get3A_29] : memref<1x10240xi32, #tpu.memory_space<vmem>>, vector<1x10240xi32>
    %iota3A = tpu.iota {dimensions = array<i32: 0>} : vector<512x10240xi32>
    %eq3A = vector.broadcast %get3A_30 : vector<1x10240xi32> to vector<512x10240xi32>
    %eq3A_31 = arith.cmpi eq, %iota3A, %eq3A : vector<512x10240xi32>
    %convert_element_type3A = arith.extui %eq3A_31 : vector<512x10240xi1> to vector<512x10240xi32>
    %convert_element_type3A_32 = arith.sitofp %convert_element_type3A : vector<512x10240xi32> to vector<512x10240xf32>
    %dot_general3A = arith.constant dense<0.000000e+00> : vector<512x128xf32>
    %dot_general3A_33 = tpu.matmul %convert_element_type3A_32, %tanh3A, %dot_general3A {dimension_numbers = #tpu.dot_dimension_numbers<[1], [0], [0], [1], [0, 0, 1, 1], [], []>, transpose_lhs_hint = false} : vector<512x10240xf32>, vector<10240x128xf32>, vector<512x128xf32> -> vector<512x128xf32>
    %get3A_34 = arith.constant 0 : index
    %get3A_35 = arith.constant 0 : index
    %get3A_36 = vector.load %arg6[%get3A_34, %get3A_35] : memref<32x512xf32, #tpu.memory_space<vmem>>, vector<32x512xf32>
    %reduce_sum3A_37 = arith.constant dense<0.000000e+00> : vector<512xf32>
    %reduce_sum3A_38 = vector.multi_reduction <add>, %get3A_36, %reduce_sum3A_37 [0] : vector<32x512xf32> to vector<512xf32>
    %max3A = arith.constant 1.000000e+00 : f32
    %max3A_39 = vector.broadcast %max3A : f32 to vector<512xf32>
    %max3A_40 = arith.maximumf %reduce_sum3A_38, %max3A_39 : vector<512xf32>
    %broadcast_in_dim3A_41 = vector.shape_cast %max3A_40 : vector<512xf32> to vector<512x1xf32>
    %div3A_42 = vector.broadcast %broadcast_in_dim3A_41 : vector<512x1xf32> to vector<512x128xf32>
    %div3A_43 = arith.divf %dot_general3A_33, %div3A_42 : vector<512x128xf32>
    %get3A_44 = arith.constant 0 : index
    %get3A_45 = arith.constant 0 : index
    %get3A_46 = vector.load %arg7[%get3A_44, %get3A_45] : memref<128x128xf32, #tpu.memory_space<vmem>>, vector<128x128xf32>
    %dot_general3A_47 = arith.constant dense<0.000000e+00> : vector<512x128xf32>
    %dot_general3A_48 = tpu.matmul %div3A_43, %get3A_46, %dot_general3A_47 {dimension_numbers = #tpu.dot_dimension_numbers<[1], [0], [0], [1], [0, 0, 1, 1], [], []>, transpose_lhs_hint = false} : vector<512x128xf32>, vector<128x128xf32>, vector<512x128xf32> -> vector<512x128xf32>
    %get3A_49 = arith.constant 0 : index
    %get3A_50 = arith.constant 0 : index
    %get3A_51 = vector.load %arg8[%get3A_49, %get3A_50] : memref<1x128xf32, #tpu.memory_space<vmem>>, vector<1x128xf32>
    %add3A_52 = vector.broadcast %get3A_51 : vector<1x128xf32> to vector<512x128xf32>
    %add3A_53 = arith.addf %dot_general3A_48, %add3A_52 : vector<512x128xf32>
    %tanh3A_54 = math.tanh %add3A_53 : vector<512x128xf32>
    %get3A_55 = arith.constant 0 : index
    %get3A_56 = arith.constant 0 : index
    %get3A_57 = vector.load %arg9[%get3A_55, %get3A_56] : memref<128x128xf32, #tpu.memory_space<vmem>>, vector<128x128xf32>
    %dot_general3A_58 = arith.constant dense<0.000000e+00> : vector<512x128xf32>
    %dot_general3A_59 = tpu.matmul %tanh3A_54, %get3A_57, %dot_general3A_58 {dimension_numbers = #tpu.dot_dimension_numbers<[1], [0], [0], [1], [0, 0, 1, 1], [], []>, transpose_lhs_hint = false} : vector<512x128xf32>, vector<128x128xf32>, vector<512x128xf32> -> vector<512x128xf32>
    %swap3A = arith.constant 0 : index
    %swap3A_60 = arith.constant 0 : index
    %swap3A_61 = vector.load %arg10[%swap3A, %swap3A_60] : memref<512x128xf32, #tpu.memory_space<vmem>>, vector<512x128xf32>
    tpu.vector_store %arg10[%swap3A, %swap3A_60], %dot_general3A_59 {strides = array<i32>} : memref<512x128xf32, #tpu.memory_space<vmem>>, vector<512x128xf32>,
    return
  }
  func.func @transform_0(%arg0: i32) -> (i32, i32, i32) {
    %c0_i32 = arith.constant 0 : i32
    %c0_i32_0 = arith.constant 0 : i32
    %c0_i32_1 = arith.constant 0 : i32
    %c0_i32_2 = arith.constant 0 : i32
    return %c0_i32, %c0_i32_0, %c0_i32_1 : i32, i32, i32
  }
  func.func @transform_1(%arg0: i32) -> (i32, i32) {
    %c0_i32 = arith.constant 0 : i32
    %c0_i32_0 = arith.constant 0 : i32
    %c0_i32_1 = arith.constant 0 : i32
    return %c0_i32, %c0_i32_0 : i32, i32
  }
  func.func @transform_2(%arg0: i32) -> (i32, i32) {
    %c0_i32 = arith.constant 0 : i32
    %c0_i32_0 = arith.constant 0 : i32
    %c0_i32_1 = arith.constant 0 : i32
    return %c0_i32, %c0_i32_0 : i32, i32
  }
  func.func @transform_3(%arg0: i32) -> (i32, i32) {
    %c0_i32 = arith.constant 0 : i32
    %c0_i32_0 = arith.constant 0 : i32
    %c0_i32_1 = arith.constant 0 : i32
    return %c0_i32, %c0_i32_0 : i32, i32
  }
  func.func @transform_4(%arg0: i32) -> (i32, i32) {
    %c0_i32 = arith.constant 0 : i32
    %c0_i32_0 = arith.constant 0 : i32
    %c0_i32_1 = arith.constant 0 : i32
    return %c0_i32, %c0_i32_0 : i32, i32
  }
  func.func @transform_5(%arg0: i32) -> (i32, i32) {
    %c0_i32 = arith.constant 0 : i32
    %c0_i32_0 = arith.constant 0 : i32
    %c0_i32_1 = arith.constant 0 : i32
    return %c0_i32, %c0_i32_0 : i32, i32
  }
  func.func @transform_6(%arg0: i32) -> (i32, i32) {
    %c0_i32 = arith.constant 0 : i32
    %c0_i32_0 = arith.constant 0 : i32
    %c0_i32_1 = arith.constant 0 : i32
    return %c0_i32, %c0_i32_0 : i32, i32
  }
  func.func @transform_7(%arg0: i32) -> (i32, i32) {
    %c0_i32 = arith.constant 0 : i32
    %c0_i32_0 = arith.constant 0 : i32
    %c0_i32_1 = arith.constant 0 : i32
    return %c0_i32, %c0_i32_0 : i32, i32
  }
  func.func @transform_8(%arg0: i32) -> (i32, i32) {
    %c0_i32 = arith.constant 0 : i32
    %c0_i32_0 = arith.constant 0 : i32
    %c0_i32_1 = arith.constant 0 : i32
    return %c0_i32, %c0_i32_0 : i32, i32
  }
  func.func @transform_9(%arg0: i32) -> (i32, i32) {
    %c0_i32 = arith.constant 0 : i32
    %c0_i32_0 = arith.constant 0 : i32
    %c0_i32_1 = arith.constant 0 : i32
    return %c0_i32, %c0_i32_0 : i32, i32
  }
}

module attributes {stable_mosaic.version = 14 : i64} {
  func.func @body(%arg0: i32, %arg1: memref<2x10240x128xf32, #tpu.memory_space<vmem>>, %arg2: memref<32x10240xf32, #tpu.memory_space<vmem>>, %arg3: memref<1x128xf32, #tpu.memory_space<vmem>>, %arg4: memref<1x10240xi32, #tpu.memory_space<vmem>>, %arg5: memref<32x16xf32, #tpu.memory_space<vmem>>, %arg6: memref<128x128xf32, #tpu.memory_space<vmem>>, %arg7: memref<1x128xf32, #tpu.memory_space<vmem>>, %arg8: memref<16x128xf32, #tpu.memory_space<vmem>>) attributes {dimension_semantics = [#tpu.dimension_semantics<arbitrary>], iteration_bounds = array<i64: 1>, scalar_prefetch = 0 : i64, scratch_operands = 0 : i64, tpu.core_type = #tpu.core_type<tc>, window_params = [{pipeline_mode = #tpu.pipeline_mode<synchronous>, transform_indices = @transform_0, window_bounds = array<i64: 2, 10240, 128>}, {pipeline_mode = #tpu.pipeline_mode<synchronous>, transform_indices = @transform_1, window_bounds = array<i64: 32, 10240>}, {pipeline_mode = #tpu.pipeline_mode<synchronous>, transform_indices = @transform_2, window_bounds = array<i64: 1, 128>}, {pipeline_mode = #tpu.pipeline_mode<synchronous>, transform_indices = @transform_3, window_bounds = array<i64: 1, 10240>}, {pipeline_mode = #tpu.pipeline_mode<synchronous>, transform_indices = @transform_4, window_bounds = array<i64: 32, 16>}, {pipeline_mode = #tpu.pipeline_mode<synchronous>, transform_indices = @transform_5, window_bounds = array<i64: 128, 128>}, {pipeline_mode = #tpu.pipeline_mode<synchronous>, transform_indices = @transform_6, window_bounds = array<i64: 1, 128>}, {pipeline_mode = #tpu.pipeline_mode<synchronous>, transform_indices = @transform_7, window_bounds = array<i64: 16, 128>}]} {
    %get3A = arith.constant 0 : index
    %get3A_0 = arith.constant 0 : index
    %get3A_1 = arith.constant 0 : index
    %get3A_2 = vector.load %arg1[%get3A, %get3A_0, %get3A_1] : memref<2x10240x128xf32, #tpu.memory_space<vmem>>, vector<1x10240x128xf32>
    %get3A_3 = vector.shape_cast %get3A_2 : vector<1x10240x128xf32> to vector<10240x128xf32>
    %get3A_4 = arith.constant 1 : index
    %get3A_5 = arith.constant 0 : index
    %get3A_6 = arith.constant 0 : index
    %get3A_7 = vector.load %arg1[%get3A_4, %get3A_5, %get3A_6] : memref<2x10240x128xf32, #tpu.memory_space<vmem>>, vector<1x10240x128xf32>
    %get3A_8 = vector.shape_cast %get3A_7 : vector<1x10240x128xf32> to vector<10240x128xf32>
    %add3A = arith.addf %get3A_3, %get3A_8 : vector<10240x128xf32>
    %get3A_9 = arith.constant 0 : index
    %get3A_10 = arith.constant 0 : index
    %get3A_11 = vector.load %arg2[%get3A_9, %get3A_10] : memref<32x10240xf32, #tpu.memory_space<vmem>>, vector<32x10240xf32>
    %reduce_sum3A = arith.constant dense<0.000000e+00> : vector<10240xf32>
    %reduce_sum3A_12 = vector.multi_reduction <add>, %get3A_11, %reduce_sum3A [0] : vector<32x10240xf32> to vector<10240xf32>
    %max3A = arith.constant 1.000000e+00 : f32
    %max3A_13 = vector.broadcast %max3A : f32 to vector<10240xf32>
    %max3A_14 = arith.maximumf %reduce_sum3A_12, %max3A_13 : vector<10240xf32>
    %broadcast_in_dim3A = vector.shape_cast %max3A_14 : vector<10240xf32> to vector<10240x1xf32>
    %div3A = vector.broadcast %broadcast_in_dim3A : vector<10240x1xf32> to vector<10240x128xf32>
    %div3A_15 = arith.divf %add3A, %div3A : vector<10240x128xf32>
    %get3A_16 = arith.constant 0 : index
    %get3A_17 = arith.constant 0 : index
    %get3A_18 = vector.load %arg3[%get3A_16, %get3A_17] : memref<1x128xf32, #tpu.memory_space<vmem>>, vector<1x128xf32>
    %add3A_19 = vector.broadcast %get3A_18 : vector<1x128xf32> to vector<10240x128xf32>
    %add3A_20 = arith.addf %div3A_15, %add3A_19 : vector<10240x128xf32>
    %tanh3A = math.tanh %add3A_20 : vector<10240x128xf32>
    %get3A_21 = arith.constant 0 : index
    %get3A_22 = arith.constant 0 : index
    %get3A_23 = vector.load %arg4[%get3A_21, %get3A_22] : memref<1x10240xi32, #tpu.memory_space<vmem>>, vector<1x10240xi32>
    %iota3A = tpu.iota {dimensions = array<i32: 0>} : vector<16x10240xi32>
    %eq3A = vector.broadcast %get3A_23 : vector<1x10240xi32> to vector<16x10240xi32>
    %eq3A_24 = arith.cmpi eq, %iota3A, %eq3A : vector<16x10240xi32>
    %convert_element_type3A = arith.extui %eq3A_24 : vector<16x10240xi1> to vector<16x10240xi32>
    %convert_element_type3A_25 = arith.sitofp %convert_element_type3A : vector<16x10240xi32> to vector<16x10240xf32>
    %dot_general3A = arith.constant dense<0.000000e+00> : vector<16x128xf32>
    %dot_general3A_26 = tpu.matmul %convert_element_type3A_25, %tanh3A, %dot_general3A {dimension_numbers = #tpu.dot_dimension_numbers<[1], [0], [0], [1], [0, 0, 1, 1], [], []>, transpose_lhs_hint = false} : vector<16x10240xf32>, vector<10240x128xf32>, vector<16x128xf32> -> vector<16x128xf32>
    %get3A_27 = arith.constant 0 : index
    %get3A_28 = arith.constant 0 : index
    %get3A_29 = vector.load %arg5[%get3A_27, %get3A_28] : memref<32x16xf32, #tpu.memory_space<vmem>>, vector<32x16xf32>
    %reduce_sum3A_30 = arith.constant dense<0.000000e+00> : vector<16xf32>
    %reduce_sum3A_31 = vector.multi_reduction <add>, %get3A_29, %reduce_sum3A_30 [0] : vector<32x16xf32> to vector<16xf32>
    %max3A_32 = arith.constant 1.000000e+00 : f32
    %max3A_33 = vector.broadcast %max3A_32 : f32 to vector<16xf32>
    %max3A_34 = arith.maximumf %reduce_sum3A_31, %max3A_33 : vector<16xf32>
    %broadcast_in_dim3A_35 = vector.shape_cast %max3A_34 : vector<16xf32> to vector<16x1xf32>
    %div3A_36 = vector.broadcast %broadcast_in_dim3A_35 : vector<16x1xf32> to vector<16x128xf32>
    %div3A_37 = arith.divf %dot_general3A_26, %div3A_36 : vector<16x128xf32>
    %get3A_38 = arith.constant 0 : index
    %get3A_39 = arith.constant 0 : index
    %get3A_40 = vector.load %arg6[%get3A_38, %get3A_39] : memref<128x128xf32, #tpu.memory_space<vmem>>, vector<128x128xf32>
    %dot_general3A_41 = arith.constant dense<0.000000e+00> : vector<16x128xf32>
    %dot_general3A_42 = tpu.matmul %div3A_37, %get3A_40, %dot_general3A_41 {dimension_numbers = #tpu.dot_dimension_numbers<[1], [0], [0], [1], [0, 0, 1, 1], [], []>, transpose_lhs_hint = false} : vector<16x128xf32>, vector<128x128xf32>, vector<16x128xf32> -> vector<16x128xf32>
    %get3A_43 = arith.constant 0 : index
    %get3A_44 = arith.constant 0 : index
    %get3A_45 = vector.load %arg7[%get3A_43, %get3A_44] : memref<1x128xf32, #tpu.memory_space<vmem>>, vector<1x128xf32>
    %add3A_46 = vector.broadcast %get3A_45 : vector<1x128xf32> to vector<16x128xf32>
    %add3A_47 = arith.addf %dot_general3A_42, %add3A_46 : vector<16x128xf32>
    %tanh3A_48 = math.tanh %add3A_47 : vector<16x128xf32>
    %swap3A = arith.constant 0 : index
    %swap3A_49 = arith.constant 0 : index
    %swap3A_50 = vector.load %arg8[%swap3A, %swap3A_49] : memref<16x128xf32, #tpu.memory_space<vmem>>, vector<16x128xf32>
    tpu.vector_store %arg8[%swap3A, %swap3A_49], %tanh3A_48 {strides = array<i32>} : memref<16x128xf32, #tpu.memory_space<vmem>>, vector<16x128xf32>,
    return
  }
  func.func @transform_0(%arg0: i32) -> (i32, i32, i32) {
    %c0_i32 = arith.constant 0 : i32
    %c0_i32_0 = arith.constant 0 : i32
    %c0_i32_1 = arith.constant 0 : i32
    %c0_i32_2 = arith.constant 0 : i32
    return %c0_i32, %c0_i32_0, %c0_i32_1 : i32, i32, i32
  }
  func.func @transform_1(%arg0: i32) -> (i32, i32) {
    %c0_i32 = arith.constant 0 : i32
    %c0_i32_0 = arith.constant 0 : i32
    %c0_i32_1 = arith.constant 0 : i32
    return %c0_i32, %c0_i32_0 : i32, i32
  }
  func.func @transform_2(%arg0: i32) -> (i32, i32) {
    %c0_i32 = arith.constant 0 : i32
    %c0_i32_0 = arith.constant 0 : i32
    %c0_i32_1 = arith.constant 0 : i32
    return %c0_i32, %c0_i32_0 : i32, i32
  }
  func.func @transform_3(%arg0: i32) -> (i32, i32) {
    %c0_i32 = arith.constant 0 : i32
    %c0_i32_0 = arith.constant 0 : i32
    %c0_i32_1 = arith.constant 0 : i32
    return %c0_i32, %c0_i32_0 : i32, i32
  }
  func.func @transform_4(%arg0: i32) -> (i32, i32) {
    %c0_i32 = arith.constant 0 : i32
    %c0_i32_0 = arith.constant 0 : i32
    %c0_i32_1 = arith.constant 0 : i32
    return %c0_i32, %c0_i32_0 : i32, i32
  }
  func.func @transform_5(%arg0: i32) -> (i32, i32) {
    %c0_i32 = arith.constant 0 : i32
    %c0_i32_0 = arith.constant 0 : i32
    %c0_i32_1 = arith.constant 0 : i32
    return %c0_i32, %c0_i32_0 : i32, i32
  }
  func.func @transform_6(%arg0: i32) -> (i32, i32) {
    %c0_i32 = arith.constant 0 : i32
    %c0_i32_0 = arith.constant 0 : i32
    %c0_i32_1 = arith.constant 0 : i32
    return %c0_i32, %c0_i32_0 : i32, i32
  }
  func.func @transform_7(%arg0: i32) -> (i32, i32) {
    %c0_i32 = arith.constant 0 : i32
    %c0_i32_0 = arith.constant 0 : i32
    %c0_i32_1 = arith.constant 0 : i32
    return %c0_i32, %c0_i32_0 : i32, i32
  }
}

</mosaic_0001>

<sc_bundles>
// kernel: kernel.11.cloned.1.call-start
scs
__scs_entry_jumppad:
0x0: {  	(pc) =	sbr.rel $0x88, $3  }
0x1: {  	(tag) =	ssettag $0x0;
	lr =	simm.s32 $0x1  }
0x2: {  	[smem:$0x3F92] =	sst lr;
	_ =	strace $0xD0000000  }
0x3: {  	_ = 	snop  }
0x4: {  	_ = 	snop  }
0x5: {  	_ = 	snop  }
0x6: {  	_ = 	snop  }
0x7: {  	_ = 	snop  }
__scs_overlays_trampoline_lowered:
0x8: {  	[smem:$0x3FA1] =	sst s0  }
0x9: {  	[smem:$0x3FA2] =	sst s1  }
0xa: {  	[smem:$0x3FA3] =	sst s2  }
0xb: {  	[smem:$0x3FA4] =	sst s3  }
0xc: {  	[smem:$0x3FA5] =	sst s4  }
0xd: {  	[smem:$0x3FA6] =	sst s5  }
0xe: {  	[smem:$0x3FA7] =	sst s6  }
0xf: {  	[smem:$0x3FA8] =	sst s7  }
0x10: {  	[smem:$0x3FA9] =	sst s8  }
0x11: {  	[smem:$0x3FAA] =	sst s9;
	s0 =	simm.s32 @!p0 $0x0  }
0x12: {  	s1 =	sld [smem:$0x3F90];
	s0 =	simm.s32 @p0 $0x1  }
0x13: {  	[smem:$0x3FAB] =	sst s0;
	s0 =	simm.s32 @!p1 $0x0  }
0x14: {  	s2 =	sld [smem:$0x3F8F];
	s0 =	simm.s32 @p1 $0x1  }
0x15: {  	[smem:$0x3FAC] =	sst s0;
	s0 =	simm.s32 @!p2 $0x0  }
0x16: {  	s3 =	sld [smem:$0x3FDB];
	s0 =	simm.s32 @p2 $0x1  }
0x17: {  	s4 =	simm.s32 $0x1BF5;
	[smem:$0x3FAE] =	sst s0  }
0x18: {  	s0 =	sld [smem:$0x3F91];
	_ =	swait.ge [sflag:s4], $0x0  }
0x19: {  	s7 =	sld [smem:$0x3F92]  }
0x1a: {  	s8 =	sadd.s32 $0xFFFFE003, lr  }
0x1b: {  	s9 =	sadd.s32 $0xFFFFFEF7, lr;
	s5 =	simm.s32 $0xFFFFFFFF;
	p2 =	slt.u32 s8, $0xFFFFF086  }
0x1c: {  	p1 =	slt.u32 s9, $0xF7A;
	s5 =	simm.s32 @!p2 $0x0  }
0x1d: {  	s5 =	simm.s32 @p1 $0x1;
	p0 =	seq.s32 s7, s2  }
0x1e: {  	s7 =	smul.u32 @!p0 $0xF7A, s2;
	p2 =	seq.s32 @!p0 s5, $0x0  }
0x1f: {  	s9 =	smul.u32 $0xF7A, s1;
	s8 =	simm.s32 @!p0 $0x1BF5;
	p2 =	por !p2, p0  }
0x20: {  	[sflag:s8] =	ssyncset.s32 @!p0 $0xFFFFF086;
	s6 =	sadd.s32 @!p0 s3, s7;
	s7 =	simm.s32 @!p0 $0x108  }
0x21: {  	s3 =	sadd.s32 s3, s9;
	s6 =	sadd.s32 @!p0 $0x88, s6;
	s7 =	simm.s32 @p2 $0x1082  }
0x22: {  	[simem:s7], [sflag:s8] =	dma.local @!p0 [hbm:s6], $0xF7A  }
0x23: {  	s9 =	sor.u32 $0xD0000000, s2;
	s6 =	simm.s32 $0x108;
	_ =	swait.ge @!p0 [sflag:s8], $0x0  }
0x24: {  	s3 =	sadd.s32 $0x88, s3;
	s6 =	simm.s32 @!p1 $0x1082;
	[sflag:s4] =	ssyncset.s32 $0xFFFFF086  }
0x25: {  	[simem:s6], [sflag:s4] =	dma.local [hbm:s3], $0xF7A  }
0x26: {  	[smem:$0x3F92] =	sst s1;
	(tag) =	ssettag s2;
	_ =	strace s9  }
0x27: {  	s1 =	sld [smem:$0x3FA2]  }
0x28: {  	s2 =	sld [smem:$0x3FA3]  }
0x29: {  	s4 =	sld [smem:$0x3FA5]  }
0x2a: {  	p0 =	seq.s32 s5, $0x0;
	s5 =	sld [smem:$0x3FA6]  }
0x2b: {  	s6 =	sld [smem:$0x3FA7]  }
0x2c: {  	s7 =	sld [smem:$0x3FA8]  }
0x2d: {  	s3 =	simm.s32 $0x108;
	s8 =	sld [smem:$0x3FA9]  }
0x2e: {  	s3 =	simm.s32 @!p0 $0x1082;
	s9 =	sld [smem:$0x3FAA]  }
0x2f: {  	lr =	sadd.s32 s0, s3;
	s0 =	sld [smem:$0x3FA1]  }
0x30: {  	s3 =	sld [smem:$0x3FA4]  }
0x31: {  	[smem:$0x3FAD] =	sst s10  }
0x32: {  	s10 =	sld [smem:$0x3FAB];
	_ =	sdelay $0x3  }
0x33: {  	p0 =	seq.s32 s10, $0x1;
	s10 =	sld [smem:$0x3FAD];
	_ =	sdelay $0x3  }
0x34: {  	[smem:$0x3FAD] =	sst s10  }
0x35: {  	s10 =	sld [smem:$0x3FAC];
	_ =	sdelay $0x3  }
0x36: {  	p1 =	seq.s32 s10, $0x1;
	s10 =	sld [smem:$0x3FAD];
	_ =	sdelay $0x3  }
0x37: {  	[smem:$0x3FAD] =	sst s10  }
0x38: {  	s10 =	sld [smem:$0x3FAE]  }
0x39: {  	_ = 	snop;
	(pc) =	sbr.ind lr, $3  }
0x3a: {  	_ = 	snop  }
0x3b: {  	_ = 	snop  }
0x3c: {  	p2 =	seq.s32 s10, $0x1;
	s10 =	sld [smem:$0x3FAD]  }
0x3d: {  	_ =	shalt  }
0x3e: {  	_ =	shalt  }
0x3f: {  	_ =	shalt  }
0x40: {  	_ =	shalt  }
0x41: {  	_ =	shalt  }
0x42: {  	_ =	shalt  }
0x43: {  	_ =	shalt  }
0x44: {  	_ =	shalt  }
0x45: {  	_ =	shalt  }
0x46: {  	_ =	shalt  }
0x47: {  	_ =	shalt  }
0x48: {  	_ =	shalt  }
0x49: {  	_ =	shalt  }
0x4a: {  	_ =	shalt  }
0x4b: {  	_ =	shalt  }
0x4c: {  	_ =	shalt  }
0x4d: {  	_ =	shalt  }
0x4e: {  	_ =	shalt  }
0x4f: {  	_ =	shalt  }
0x50: {  	_ =	shalt  }
0x51: {  	_ =	shalt  }
0x52: {  	_ =	shalt  }
0x53: {  	_ =	shalt  }
0x54: {  	_ =	shalt  }
0x55: {  	_ =	shalt  }
0x56: {  	_ =	shalt  }
0x57: {  	_ =	shalt  }
0x58: {  	_ =	shalt  }
0x59: {  	_ =	shalt  }
0x5a: {  	_ =	shalt  }
0x5b: {  	_ =	shalt  }
0x5c: {  	_ =	shalt  }
0x5d: {  	_ =	shalt  }
0x5e: {  	_ =	shalt  }
0x5f: {  	_ =	shalt  }
0x60: {  	_ =	shalt  }
0x61: {  	_ =	shalt  }
0x62: {  	_ =	shalt  }
0x63: {  	_ =	shalt  }
0x64: {  	_ =	shalt  }
0x65: {  	_ =	shalt  }
0x66: {  	_ =	shalt  }
0x67: {  	_ =	shalt  }
0x68: {  	_ =	shalt  }
0x69: {  	_ =	shalt  }
0x6a: {  	_ =	shalt  }
0x6b: {  	_ =	shalt  }
0x6c: {  	_ =	shalt  }
0x6d: {  	_ =	shalt  }
0x6e: {  	_ =	shalt  }
0x6f: {  	_ =	shalt  }
0x70: {  	_ =	shalt  }
0x71: {  	_ =	shalt  }
0x72: {  	_ =	shalt  }
0x73: {  	_ =	shalt  }
0x74: {  	_ =	shalt  }
0x75: {  	_ =	shalt  }
0x76: {  	_ =	shalt  }
0x77: {  	_ =	shalt  }
0x78: {  	_ =	shalt  }
0x79: {  	_ =	shalt  }
0x7a: {  	_ =	shalt  }
0x7b: {  	_ =	shalt  }
0x7c: {  	_ =	shalt  }
0x7d: {  	_ =	shalt  }
0x7e: {  	_ =	shalt  }
0x7f: {  	_ =	shalt  }
0x80: {  	_ =	shalt  }
0x81: {  	_ =	shalt  }
0x82: {  	_ =	shalt  }
0x83: {  	_ =	shalt  }
0x84: {  	_ =	shalt  }
0x85: {  	_ =	shalt  }
0x86: {  	_ =	shalt  }
0x87: {  	_ =	shalt  }
.Lfunc_end0:
.L_simem_size_0:
called_computation.1_lowered:
.L_overlay_start_0:
0x88: {  	s2 =	sld [smem:$0x3FD9]  }
0x89: {  	s3 =	sld [smem:$0x3FFE];
	_ =	sdelay $0x1  }
0x8a: {  	s1 =	srdreg.scid  }
0x8b: {  	s0 =	sand.u32 $0x1, s1  }
0x8c: {  	s16 =	sshll.u32 s0, $0xA;
	s2 =	sadd.s32 s3, s2  }
0x8d: {  	s2 =	sadd.s32 s2, s16  }
0x8e: {  	[smem:$0x3FB9] =	sst s2  }
0x8f: {  	_ = 	snop  }
0x90: {  	(tm) =	ssettm $0x1  }
0x91: {  	s17 =	sld [smem:$0x3FFB];
	_ =	sdelay $0x3  }
0x92: {  	_ =	strace s17  }
0x93: {  	s2 =	sld [smem:$0x3FFC];
	_ =	sdelay $0x3  }
0x94: {  	_ =	strace s2  }
0x95: {  	s2 =	sld [smem:$0x3FFD];
	_ =	sdelay $0x3  }
0x96: {  	_ =	strace s2  }
0x97: {  	_ =	strace $0x8FFFFFFF  }
0x98: {  	s18 =	sld [smem:$0x3FDB];
	_ =	sdelay $0x1  }
0x99: {  	s19 =	simm.s32 $_scs_section_size  }
0x9a: {  	s4 =	simm.s32 $_size__tile_overlayer_lowered;
	s5 =	simm.s32 $_tile_overlayer_lowered  }
0x9b: {  	s22 =	simm.s32 $0x1BFF;
	s21 =	sshll.u32 s5, $0x1;
	s2 =	sadd.s32 s19, s18  }
0x9c: {  	s6 =	simm.s32 $0x0;
	s20 =	sshll.u32 s4, $0x1;
	s4 =	sadd.s32 s21, s2  }
0x9d: {  	[timem:s6], [sflag:s22] =	dma.local [hbm:s4], s20  }
0x9e: {  	_ =	swait.ge [sflag:s22], s20  }
0x9f: {  	s3 =	ssub.s32 $0x0, s20;
	[sflag:s22] =	ssyncset.done $0x0  }
0xa0: {  	[sflag:s22] =	ssyncadd.s32 s3;
	_ =	sdelay $0x1  }
0xa1: {  	s23 =	simm.s32 $0x1B8B  }
0xa2: {  	_ =	swait.ge [sflag:s23], $0x1  }
0xa3: {  	[sflag:s23] =	ssyncset.done $0x0  }
0xa4: {  	s25 =	simm.s32 $0x1B8E;
	s24 =	sld [smem:$0x3FFE];
	[sflag:s23] =	ssyncadd.s32 $0xFFFFFFFF  }
0xa5: {  	s26 =	simm.s32 $execute0_lowered;
	[smem:$0x3FD2] =	sst s25  }
0xa6: {  	s4 =	sshll.u32 s26, $0x1;
	_ =	strace $0x80000049;
	[dreg:$0x1] =	wrdreg $0xFFFFFFFF  }
0xa7: {  	s28 =	simm.s32 $_size_execute0_lowered;
	s2 =	sadd.s32 s2, s4;
	[dreg:$0x0] =	wrdreg $0x0  }
0xa8: {  	s4 =	sshll.u32 s28, $0x1;
	[dreg:$0x2] =	wrdreg s2  }
0xa9: {  	[dreg:$0x3] =	wrdreg s4  }
0xaa: {  	[dreg:$0x4] =	wrdreg $0xC0  }
0xab: {  	_ =	task [dreg:s6], $0x5FFFF  }
0xac: {  	[dreg:$0x1] =	wrdreg $0xFFFFFFFF  }
0xad: {  	[dreg:$0x0] =	wrdreg $0x60  }
0xae: {  	[dreg:$0x2] =	wrdreg s24  }
0xaf: {  	[dreg:$0x3] =	wrdreg $0x28000  }
0xb0: {  	[dreg:$0x4] =	wrdreg $0x9  }
0xb1: {  	_ =	task.clear_ibuf [dreg:s6], $0x5FFFF;
	_ =	strace $0x90000049  }
0xb2: {  	s29 =	simm.s32 $0x9;
	_ =	strace $0x8000004B  }
0xb3: {  	_ =	swait.ge [sflag:s29], $0x1  }
0xb4: {  	[sflag:s29] =	ssyncadd.s32 $0xFFFFFFFF  }
0xb5: {  	_ =	strace $0x9000004B  }
0xb6: {  	_ =	sfence  }
0xb7: {  	s30 =	sld [smem:$0x0];
	_ =	sdelay $0x2  }
0xb8: {  	s31 =	sshll.u32 s1, $0xD;
	s1 =	sshrl.u32 s1, $0x2  }
0xb9: {  	s3 =	sand.u32 $0x4000, s31;
	s1 =	sadd.s32 s1, s30  }
0xba: {  	s0 =	sor.u32 s3, s0;
	s1 =	sshll.u32 s1, $0x11  }
0xbb: {  	s0 =	sor.u32 s1, s0  }
0xbc: {  	s0 =	sadd.s32 $0x8F2B, s0  }
0xbd: {  	[sflag:s0] =	ssyncadd.remote.s32 $0x1  }
0xbe: {  	_ =	sfence.sel $0xFFFF  }
0xbf: {  	[dreg:$0x0] =	wrdreg $0xFFFFFFFF;
	(pc) =	sbr.abs _section_cstart, $3  }
0xc0: {  	[dreg:$0x1] =	wrdreg $0xFFFFFFFF  }
0xc1: {  	_ =	task.clear_ibuf [dreg:s6], $0x2FFFF;
	_ =	strace $0x9FFFFFFF  }
0xc2: {  	(tm) =	ssettm $0x7FFFFFFF  }
0xc3: {  	_ =	shalt  }
tec
execute0_lowered:
.L_overlay_start_1:
0x0: {  	(tag) =	ssettag $0x1  }
0x1: {  	s5 =	rddreg [dreg:$0x0]  }
0x2: {  	s2 =	rddreg [dreg:$0x1]  }
0x3: {  	s0 =	rddreg [dreg:$0x2]  }
0x4: {  	s1 =	stileid.u32;
	s4 =	srdreg.scid;
	s3 =	simm.s32 $0x0  }
0x5: {  	s16 =	simm.s32 $0x80;
	s17 =	simm.s32 $0x16880;
	s18 =	simm.s32 $0x1A880  }
0x6: {  	s19 =	simm.s32 $0x1;
	s20 =	simm.s32 $0x2;
	s21 =	simm.s32 $0x2700  }
0x7: {  	s22 =	simm.s32 $0x2780;
	s6 =	smul.u32 $0x14000, s1;
	s7 =	sand.u32 $0x1, s4  }
0x8: {  	[smem:$0x7FF] =	sst s3;
	s4 =	sadd.s32 $0x7DE00, s5;
	s9 =	sadd.s32 $0x37E00, s5  }
0x9: {  	s11 =	sadd.s32 $0x2DE00, s5;
	s12 =	smul.u32 $0x50000, s1;
	s29 =	sshll.u32 s1, $0x6  }
0xa: {  	s8 =	smul.u32 $0x140000, s7;
	_ =	strace $0x8000004A;
	s24 =	ssub.s32 $0x2, s7  }
0xb: {  	s7 =	sshll.u32 s7, $0x4;
	s10 =	sshrl.u32 s6, $0x3;
	s25 =	sshrl.u32 s24, $0x1  }
0xc: {  	s26 =	sor.u32 s1, s7;
	s28 =	sshrl.u32 s12, $0x2;
	s6 =	sadd.s32 s6, s8  }
0xd: {  	s23 =	sadd.s32 s10, s5;
	s14 =	ssub.s32 s24, s25;
	s7 =	smul.u32 $0x2800, s26  }
0xe: {  	s15 =	sadd.s32 s28, s2;
	s30 =	smul.u32 $0x500, s26;
	s6 =	sshrl.u32 s6, $0x3  }
0xf: {  	s12 =	smax.u32 s14, $0x1;
	s14 =	simm.s32 $0x3;
	s13 =	sadd.s32 s6, s5  }
0x10: {  	s5 =	sadd.s32 $0xA5E00, s23;
	s6 =	sor.u32 $0x1C03, s29;
	s31 =	sshrl.u32 s7, $0x3  }
0x11: {  	s7 =	sadd.s32 s9, s30;
	s8 =	sadd.s32 s11, s30;
	s10 =	sadd.s32 $0x280, s31  }
0x12: {  	s23 =	simm.s32 $0x0;
	s9 =	sadd.s32 s9, s10;
	s10 =	sadd.s32 s11, s10  }
0x13: {  	s11 =	sadd.s32 $0xCDE00, s13;
	s13 =	sshrl.u32 s15, $0x3;
	s15 =	simm.s32 $0x1400  }
.LBB2_1:
0x14: {  	[spmem:s13], [sflag:s6] =	dma.local [hbm:s5], $0x2800  }
0x15: {  	_ =	swait.ge [sflag:s14], $0x2800  }
0x16: {  	[sflag:s14] =	ssyncset.done $0x0  }
0x17: {  	[sflag:s14] =	ssyncadd.s32 $0xFFFFD800  }
0x18: {  	[bflag:$0x0] =	sbarrier.arrive $0xFFFF  }
0x19: {  	[tilespmem:s3], [sflag:$0x3] =	stream.linear.gather [hbm4b:s7+s3], $0x1400, $0x38;
	[tilespmem:$0x1E880] =	vst v63  }
0x1a: {  	_ =	swait.ge [sflag:s14], $0x1400  }
0x1b: {  	[sflag:s14] =	ssyncset.done $0x0  }
0x1c: {  	[sflag:s14] =	ssyncadd.s32 $0xFFFFEC00  }
0x1d: {  	[tilespmem:s15], [sflag:$0x3] =	stream.linear.gather [hbm4b:s8+s3], $0x1400, $0x38;
	[tilespmem:$0x1E880] =	vst v63  }
0x1e: {  	_ =	swait.ge [sflag:s14], $0x1400  }
0x1f: {  	[sflag:s14] =	ssyncset.done $0x0  }
0x20: {  	[sflag:s14] =	ssyncadd.s32 $0xFFFFEC00  }
0x21: {  	[tilespmem:s17], [sflag:$0x1] =	stream.indirect.gather [hbm4b:s4+s16], $0x80, s3, s16, $0xb8;
	[tilespmem:$0x1E880] =	vst v63  }
0x22: {  	_ = 	snop  }
0x23: {  	[tilespmem:s18], [sflag:$0x2] =	stream.indirect.gather [hbm4b:s4+s16], $0x80, s16, s16, $0xb8;
	[tilespmem:$0x1E880] =	vst v63  }
0x24: {  	_ =	swait.ge [sflag:s19], $0x4000  }
0x25: {  	[sflag:s19] =	ssyncset.done $0x0  }
0x26: {  	s24 =	simm.s32 $0x1400;
	[sflag:s19] =	ssyncadd.s32 $0xFFFFC000  }
0x27: {  	[spmem:s2] =	stream.indirect.scatter.add.f32 [tilespmem:s17], [sflag:$0x3], $0x80, s24, s16, $0xb8;
	[tilespmem:$0x1E880] =	vst v63  }
0x28: {  	_ =	swait.ge [sflag:s14], $0x4000  }
0x29: {  	[sflag:s14] =	ssyncset.done $0x0  }
0x2a: {  	s30 =	simm.s32 $0x100;
	[sflag:s14] =	ssyncadd.s32 $0xFFFFC000  }
0x2b: {  	[tilespmem:s17], [sflag:$0x1] =	stream.indirect.gather [hbm4b:s4+s16], $0x80, s30, s16, $0xb8;
	[tilespmem:$0x1E880] =	vst v63  }
0x2c: {  	_ =	swait.ge [sflag:s20], $0x4000  }
0x2d: {  	[sflag:s20] =	ssyncset.done $0x0  }
0x2e: {  	s31 =	simm.s32 $0x1480;
	[sflag:s20] =	ssyncadd.s32 $0xFFFFC000  }
0x2f: {  	[spmem:s2] =	stream.indirect.scatter.add.f32 [tilespmem:s18], [sflag:$0x3], $0x80, s31, s16, $0xb8;
	[tilespmem:$0x1E880] =	vst v63  }
0x30: {  	_ =	swait.ge [sflag:s14], $0x4000  }
0x31: {  	[sflag:s14] =	ssyncset.done $0x0  }
0x32: {  	s25 =	simm.s32 $0x180;
	s24 =	simm.s32 $0x400;
	[sflag:s14] =	ssyncadd.s32 $0xFFFFC000  }
.LBB2_2:
0x33: {  	[tilespmem:s18], [sflag:$0x2] =	stream.indirect.gather [hbm4b:s4+s16], $0x80, s25, s16, $0xb8;
	[tilespmem:$0x1E880] =	vst v63  }
0x34: {  	s25 =	smov.u32 s24  }
0x35: {  	p0 =	sne.s32 s24, $0x4800;
	s24 =	sadd.s32 $0x400, s24;
	_ =	swait.ge [sflag:s19], $0x4000  }
0x36: {  	s25 =	sshra.s32 s25, $0x2;
	[sflag:s19] =	ssyncset.done $0x0  }
0x37: {  	s26 =	sadd.s32 $0x1400, s25;
	[sflag:s19] =	ssyncadd.s32 $0xFFFFC000  }
0x38: {  	[spmem:s2] =	stream.indirect.scatter.add.f32 [tilespmem:s17], [sflag:$0x3], $0x80, s26, s16, $0xb8;
	[tilespmem:$0x1E880] =	vst v63  }
0x39: {  	_ =	swait.ge [sflag:s14], $0x4000  }
0x3a: {  	[sflag:s14] =	ssyncset.done $0x0  }
0x3b: {  	s26 =	sadd.s32 $0x100, s25;
	[sflag:s14] =	ssyncadd.s32 $0xFFFFC000  }
0x3c: {  	[tilespmem:s17], [sflag:$0x1] =	stream.indirect.gather [hbm4b:s4+s16], $0x80, s26, s16, $0xb8;
	[tilespmem:$0x1E880] =	vst v63  }
0x3d: {  	_ =	swait.ge [sflag:s20], $0x4000  }
0x3e: {  	[sflag:s20] =	ssyncset.done $0x0  }
.Ltmp0:
0x3f: {  	s26 =	sadd.s32 $0x1480, s25;
	[sflag:s20] =	ssyncadd.s32 $0xFFFFC000;
	(pc) =	sbr.rel @p0 .LBB2_2-.Ltmp0, $4  }
0x40: {  	[spmem:s2] =	stream.indirect.scatter.add.f32 [tilespmem:s18], [sflag:$0x3], $0x80, s26, s16, $0xb8;
	[tilespmem:$0x1E880] =	vst v63  }
0x41: {  	_ =	swait.ge [sflag:s14], $0x4000  }
0x42: {  	[sflag:s14] =	ssyncset.done $0x0  }
0x43: {  	s25 =	sadd.s32 $0x180, s25;
	[sflag:s14] =	ssyncadd.s32 $0xFFFFC000  }
0x44: {  	[tilespmem:s18], [sflag:$0x2] =	stream.indirect.gather [hbm4b:s4+s16], $0x80, s25, s16, $0xb8;
	[tilespmem:$0x1E880] =	vst v63  }
0x45: {  	_ =	swait.ge [sflag:s19], $0x4000  }
0x46: {  	[sflag:s19] =	ssyncset.done $0x0  }
0x47: {  	[sflag:s19] =	ssyncadd.s32 $0xFFFFC000  }
0x48: {  	[spmem:s2] =	stream.indirect.scatter.add.f32 [tilespmem:s17], [sflag:$0x3], $0x80, s21, s16, $0xb8;
	[tilespmem:$0x1E880] =	vst v63  }
0x49: {  	_ =	swait.ge [sflag:s14], $0x4000  }
0x4a: {  	[sflag:s14] =	ssyncset.done $0x0  }
0x4b: {  	[sflag:s14] =	ssyncadd.s32 $0xFFFFC000  }
0x4c: {  	_ =	swait.ge [sflag:s20], $0x4000  }
0x4d: {  	[sflag:s20] =	ssyncset.done $0x0  }
0x4e: {  	[sflag:s20] =	ssyncadd.s32 $0xFFFFC000  }
0x4f: {  	[spmem:s2] =	stream.indirect.scatter.add.f32 [tilespmem:s18], [sflag:$0x3], $0x80, s22, s16, $0xb8;
	[tilespmem:$0x1E880] =	vst v63  }
0x50: {  	_ =	swait.ge [sflag:s14], $0x4000  }
0x51: {  	[sflag:s14] =	ssyncset.done $0x0  }
0x52: {  	s24 =	simm.s32 $0x0;
	[sflag:s14] =	ssyncadd.s32 $0xFFFFC000  }
0x53: {  	[tilespmem:s24], [sflag:$0x3] =	stream.linear.gather [hbm4b:s9+s24], $0x1400, $0x38;
	[tilespmem:$0x1E880] =	vst v63  }
0x54: {  	_ =	swait.ge [sflag:s14], $0x1400  }
0x55: {  	[sflag:s14] =	ssyncset.done $0x0  }
0x56: {  	[sflag:s14] =	ssyncadd.s32 $0xFFFFEC00  }
0x57: {  	[tilespmem:s15], [sflag:$0x3] =	stream.linear.gather [hbm4b:s10+s24], $0x1400, $0x38;
	[tilespmem:$0x1E880] =	vst v63  }
0x58: {  	_ =	swait.ge [sflag:s14], $0x1400  }
0x59: {  	[sflag:s14] =	ssyncset.done $0x0  }
0x5a: {  	[sflag:s14] =	ssyncadd.s32 $0xFFFFEC00  }
0x5b: {  	[tilespmem:s17], [sflag:$0x1] =	stream.indirect.gather [hbm4b:s4+s16], $0x80, s24, s16, $0xb8;
	[tilespmem:$0x1E880] =	vst v63  }
0x5c: {  	_ = 	snop  }
0x5d: {  	[tilespmem:s18], [sflag:$0x2] =	stream.indirect.gather [hbm4b:s4+s16], $0x80, s16, s16, $0xb8;
	[tilespmem:$0x1E880] =	vst v63  }
0x5e: {  	_ =	swait.ge [sflag:s19], $0x4000  }
0x5f: {  	[sflag:s19] =	ssyncset.done $0x0  }
0x60: {  	s29 =	simm.s32 $0x1400;
	[sflag:s19] =	ssyncadd.s32 $0xFFFFC000  }
0x61: {  	[spmem:s2] =	stream.indirect.scatter.add.f32 [tilespmem:s17], [sflag:$0x3], $0x80, s29, s16, $0xb8;
	[tilespmem:$0x1E880] =	vst v63  }
0x62: {  	_ =	swait.ge [sflag:s14], $0x4000  }
0x63: {  	[sflag:s14] =	ssyncset.done $0x0  }
0x64: {  	s30 =	simm.s32 $0x100;
	[sflag:s14] =	ssyncadd.s32 $0xFFFFC000  }
0x65: {  	[tilespmem:s17], [sflag:$0x1] =	stream.indirect.gather [hbm4b:s4+s16], $0x80, s30, s16, $0xb8;
	[tilespmem:$0x1E880] =	vst v63  }
0x66: {  	_ =	swait.ge [sflag:s20], $0x4000  }
0x67: {  	[sflag:s20] =	ssyncset.done $0x0  }
0x68: {  	s31 =	simm.s32 $0x1480;
	[sflag:s20] =	ssyncadd.s32 $0xFFFFC000  }
0x69: {  	[spmem:s2] =	stream.indirect.scatter.add.f32 [tilespmem:s18], [sflag:$0x3], $0x80, s31, s16, $0xb8;
	[tilespmem:$0x1E880] =	vst v63  }
0x6a: {  	_ =	swait.ge [sflag:s14], $0x4000  }
0x6b: {  	[sflag:s14] =	ssyncset.done $0x0  }
0x6c: {  	s25 =	simm.s32 $0x180;
	s24 =	simm.s32 $0x400;
	[sflag:s14] =	ssyncadd.s32 $0xFFFFC000  }
.LBB2_4:
0x6d: {  	[tilespmem:s18], [sflag:$0x2] =	stream.indirect.gather [hbm4b:s4+s16], $0x80, s25, s16, $0xb8;
	[tilespmem:$0x1E880] =	vst v63  }
0x6e: {  	s25 =	smov.u32 s24  }
0x6f: {  	p0 =	sne.s32 s24, $0x4800;
	s24 =	sadd.s32 $0x400, s24;
	_ =	swait.ge [sflag:s19], $0x4000  }
0x70: {  	s25 =	sshra.s32 s25, $0x2;
	[sflag:s19] =	ssyncset.done $0x0  }
0x71: {  	s26 =	sadd.s32 $0x1400, s25;
	[sflag:s19] =	ssyncadd.s32 $0xFFFFC000  }
0x72: {  	[spmem:s2] =	stream.indirect.scatter.add.f32 [tilespmem:s17], [sflag:$0x3], $0x80, s26, s16, $0xb8;
	[tilespmem:$0x1E880] =	vst v63  }
0x73: {  	_ =	swait.ge [sflag:s14], $0x4000  }
0x74: {  	[sflag:s14] =	ssyncset.done $0x0  }
0x75: {  	s26 =	sadd.s32 $0x100, s25;
	[sflag:s14] =	ssyncadd.s32 $0xFFFFC000  }
0x76: {  	[tilespmem:s17], [sflag:$0x1] =	stream.indirect.gather [hbm4b:s4+s16], $0x80, s26, s16, $0xb8;
	[tilespmem:$0x1E880] =	vst v63  }
0x77: {  	_ =	swait.ge [sflag:s20], $0x4000  }
0x78: {  	[sflag:s20] =	ssyncset.done $0x0  }
.Ltmp1:
0x79: {  	s26 =	sadd.s32 $0x1480, s25;
	[sflag:s20] =	ssyncadd.s32 $0xFFFFC000;
	(pc) =	sbr.rel @p0 .LBB2_4-.Ltmp1, $4  }
0x7a: {  	[spmem:s2] =	stream.indirect.scatter.add.f32 [tilespmem:s18], [sflag:$0x3], $0x80, s26, s16, $0xb8;
	[tilespmem:$0x1E880] =	vst v63  }
0x7b: {  	_ =	swait.ge [sflag:s14], $0x4000  }
0x7c: {  	[sflag:s14] =	ssyncset.done $0x0  }
0x7d: {  	s25 =	sadd.s32 $0x180, s25;
	[sflag:s14] =	ssyncadd.s32 $0xFFFFC000  }
0x7e: {  	[tilespmem:s18], [sflag:$0x2] =	stream.indirect.gather [hbm4b:s4+s16], $0x80, s25, s16, $0xb8;
	[tilespmem:$0x1E880] =	vst v63  }
0x7f: {  	_ =	swait.ge [sflag:s19], $0x4000  }
0x80: {  	[sflag:s19] =	ssyncset.done $0x0  }
0x81: {  	[sflag:s19] =	ssyncadd.s32 $0xFFFFC000  }
0x82: {  	[spmem:s2] =	stream.indirect.scatter.add.f32 [tilespmem:s17], [sflag:$0x3], $0x80, s21, s16, $0xb8;
	[tilespmem:$0x1E880] =	vst v63  }
0x83: {  	_ =	swait.ge [sflag:s14], $0x4000  }
0x84: {  	[sflag:s14] =	ssyncset.done $0x0  }
0x85: {  	[sflag:s14] =	ssyncadd.s32 $0xFFFFC000  }
0x86: {  	_ =	swait.ge [sflag:s20], $0x4000  }
0x87: {  	[sflag:s20] =	ssyncset.done $0x0  }
0x88: {  	[sflag:s20] =	ssyncadd.s32 $0xFFFFC000  }
0x89: {  	[spmem:s2] =	stream.indirect.scatter.add.f32 [tilespmem:s18], [sflag:$0x3], $0x80, s22, s16, $0xb8;
	[tilespmem:$0x1E880] =	vst v63  }
0x8a: {  	_ =	swait.ge [sflag:s14], $0x4000  }
0x8b: {  	s23 =	sadd.s32 $0x1, s23;
	[sflag:s14] =	ssyncset.done $0x0  }
0x8c: {  	p0 =	sne.s32 s23, s12;
	[sflag:s14] =	ssyncadd.s32 $0xFFFFC000  }
.Ltmp2:
0x8d: {  	[bflag:$0x0] =	sbarrier.arrive $0xFFFF;
	(pc) =	sbr.rel @p0 .LBB2_1-.Ltmp2, $4  }
0x8e: {  	[hbm:s11], [sflag:s6] =	dma.local [spmem:s13], $0x2800  }
0x8f: {  	_ =	swait.ge [sflag:s14], $0x2800  }
0x90: {  	[sflag:s14] =	ssyncset.done $0x0  }
0x91: {  	[sflag:s14] =	ssyncadd.s32 $0xFFFFD800  }
0x92: {  	_ =	sfence.sel $0x180000  }
0x93: {  	[bflag:$0x0] =	sbarrier.arrive $0xFFFF  }
0x94: {  	p0 =	sne.s32 s1, $0x0;
	_ =	strace $0x9000004A  }
0x95: {  	s0 =	sadd.s32 @!p0 $0x100000, s0;
	[bflag:$0x2] =	sbarrier.arrive $0xFFFF  }
0x96: {  	[sflag:s0] =	ssyncadd.tile.s32 @!p0 $0x1;
	_ =	shalt  }
.Lfunc_end2:
_tile_overlayer_lowered:
.L_overlay_start_2:
0x97: {  	(tag) =	ssettag $0x2  }
0x98: {  	s0 =	rddreg [dreg:$0x0];
	s2 =	stileid.u32  }
0x99: {  	s1 =	rddreg [dreg:$0x1];
	p0 =	sne.s32 s2, $0x0  }
0x9a: {  	s3 =	rddreg [dreg:$0x2];
	[bflag:$0x3] =	sbarrier.arrive $0xFFFF;
	s2 =	simm.s32 @!p0 $0x1C03  }
0x9b: {  	[timem:s3], [sflag:s2] =	dma.local @!p0 [hbm:s0], s1  }
0x9c: {  	s0 =	simm.s32 @!p0 $0x3  }
0x9d: {  	_ =	swait.ge @!p0 [sflag:s0], s1  }
0x9e: {  	s1 =	ssub.s32 @!p0 $0x0, s1;
	[sflag:s0] =	ssyncset.done @!p0 $0x0  }
0x9f: {  	[sflag:s0] =	ssyncadd.s32 @!p0 s1  }
0xa0: {  	[bflag:$0x3] =	sbarrier.arrive $0xFFFF  }
0xa1: {  	_ =	shalt  }

// kernel: kernel.14.cloned.1.call-start
scs
__scs_entry_jumppad:
0x0: {  	(pc) =	sbr.rel $0x88, $3  }
0x1: {  	(tag) =	ssettag $0x0;
	lr =	simm.s32 $0x1  }
0x2: {  	[smem:$0x3F92] =	sst lr;
	_ =	strace $0xD0000000  }
0x3: {  	_ = 	snop  }
0x4: {  	_ = 	snop  }
0x5: {  	_ = 	snop  }
0x6: {  	_ = 	snop  }
0x7: {  	_ = 	snop  }
__scs_overlays_trampoline_lowered:
0x8: {  	[smem:$0x3FA1] =	sst s0  }
0x9: {  	[smem:$0x3FA2] =	sst s1  }
0xa: {  	[smem:$0x3FA3] =	sst s2  }
0xb: {  	[smem:$0x3FA4] =	sst s3  }
0xc: {  	[smem:$0x3FA5] =	sst s4  }
0xd: {  	[smem:$0x3FA6] =	sst s5  }
0xe: {  	[smem:$0x3FA7] =	sst s6  }
0xf: {  	[smem:$0x3FA8] =	sst s7  }
0x10: {  	[smem:$0x3FA9] =	sst s8  }
0x11: {  	[smem:$0x3FAA] =	sst s9;
	s0 =	simm.s32 @!p0 $0x0  }
0x12: {  	s1 =	sld [smem:$0x3F90];
	s0 =	simm.s32 @p0 $0x1  }
0x13: {  	[smem:$0x3FAB] =	sst s0;
	s0 =	simm.s32 @!p1 $0x0  }
0x14: {  	s2 =	sld [smem:$0x3F8F];
	s0 =	simm.s32 @p1 $0x1  }
0x15: {  	[smem:$0x3FAC] =	sst s0;
	s0 =	simm.s32 @!p2 $0x0  }
0x16: {  	s3 =	sld [smem:$0x3FDB];
	s0 =	simm.s32 @p2 $0x1  }
0x17: {  	s4 =	simm.s32 $0x1BF5;
	[smem:$0x3FAE] =	sst s0  }
0x18: {  	s0 =	sld [smem:$0x3F91];
	_ =	swait.ge [sflag:s4], $0x0  }
0x19: {  	s7 =	sld [smem:$0x3F92]  }
0x1a: {  	s8 =	sadd.s32 $0xFFFFE003, lr  }
0x1b: {  	s9 =	sadd.s32 $0xFFFFFEF7, lr;
	s5 =	simm.s32 $0xFFFFFFFF;
	p2 =	slt.u32 s8, $0xFFFFF086  }
0x1c: {  	p1 =	slt.u32 s9, $0xF7A;
	s5 =	simm.s32 @!p2 $0x0  }
0x1d: {  	s5 =	simm.s32 @p1 $0x1;
	p0 =	seq.s32 s7, s2  }
0x1e: {  	s7 =	smul.u32 @!p0 $0xF7A, s2;
	p2 =	seq.s32 @!p0 s5, $0x0  }
0x1f: {  	s9 =	smul.u32 $0xF7A, s1;
	s8 =	simm.s32 @!p0 $0x1BF5;
	p2 =	por !p2, p0  }
0x20: {  	[sflag:s8] =	ssyncset.s32 @!p0 $0xFFFFF086;
	s6 =	sadd.s32 @!p0 s3, s7;
	s7 =	simm.s32 @!p0 $0x108  }
0x21: {  	s3 =	sadd.s32 s3, s9;
	s6 =	sadd.s32 @!p0 $0x88, s6;
	s7 =	simm.s32 @p2 $0x1082  }
0x22: {  	[simem:s7], [sflag:s8] =	dma.local @!p0 [hbm:s6], $0xF7A  }
0x23: {  	s9 =	sor.u32 $0xD0000000, s2;
	s6 =	simm.s32 $0x108;
	_ =	swait.ge @!p0 [sflag:s8], $0x0  }
0x24: {  	s3 =	sadd.s32 $0x88, s3;
	s6 =	simm.s32 @!p1 $0x1082;
	[sflag:s4] =	ssyncset.s32 $0xFFFFF086  }
0x25: {  	[simem:s6], [sflag:s4] =	dma.local [hbm:s3], $0xF7A  }
0x26: {  	[smem:$0x3F92] =	sst s1;
	(tag) =	ssettag s2;
	_ =	strace s9  }
0x27: {  	s1 =	sld [smem:$0x3FA2]  }
0x28: {  	s2 =	sld [smem:$0x3FA3]  }
0x29: {  	s4 =	sld [smem:$0x3FA5]  }
0x2a: {  	p0 =	seq.s32 s5, $0x0;
	s5 =	sld [smem:$0x3FA6]  }
0x2b: {  	s6 =	sld [smem:$0x3FA7]  }
0x2c: {  	s7 =	sld [smem:$0x3FA8]  }
0x2d: {  	s3 =	simm.s32 $0x108;
	s8 =	sld [smem:$0x3FA9]  }
0x2e: {  	s3 =	simm.s32 @!p0 $0x1082;
	s9 =	sld [smem:$0x3FAA]  }
0x2f: {  	lr =	sadd.s32 s0, s3;
	s0 =	sld [smem:$0x3FA1]  }
0x30: {  	s3 =	sld [smem:$0x3FA4]  }
0x31: {  	[smem:$0x3FAD] =	sst s10  }
0x32: {  	s10 =	sld [smem:$0x3FAB];
	_ =	sdelay $0x3  }
0x33: {  	p0 =	seq.s32 s10, $0x1;
	s10 =	sld [smem:$0x3FAD];
	_ =	sdelay $0x3  }
0x34: {  	[smem:$0x3FAD] =	sst s10  }
0x35: {  	s10 =	sld [smem:$0x3FAC];
	_ =	sdelay $0x3  }
0x36: {  	p1 =	seq.s32 s10, $0x1;
	s10 =	sld [smem:$0x3FAD];
	_ =	sdelay $0x3  }
0x37: {  	[smem:$0x3FAD] =	sst s10  }
0x38: {  	s10 =	sld [smem:$0x3FAE]  }
0x39: {  	_ = 	snop;
	(pc) =	sbr.ind lr, $3  }
0x3a: {  	_ = 	snop  }
0x3b: {  	_ = 	snop  }
0x3c: {  	p2 =	seq.s32 s10, $0x1;
	s10 =	sld [smem:$0x3FAD]  }
0x3d: {  	_ =	shalt  }
0x3e: {  	_ =	shalt  }
0x3f: {  	_ =	shalt  }
0x40: {  	_ =	shalt  }
0x41: {  	_ =	shalt  }
0x42: {  	_ =	shalt  }
0x43: {  	_ =	shalt  }
0x44: {  	_ =	shalt  }
0x45: {  	_ =	shalt  }
0x46: {  	_ =	shalt  }
0x47: {  	_ =	shalt  }
0x48: {  	_ =	shalt  }
0x49: {  	_ =	shalt  }
0x4a: {  	_ =	shalt  }
0x4b: {  	_ =	shalt  }
0x4c: {  	_ =	shalt  }
0x4d: {  	_ =	shalt  }
0x4e: {  	_ =	shalt  }
0x4f: {  	_ =	shalt  }
0x50: {  	_ =	shalt  }
0x51: {  	_ =	shalt  }
0x52: {  	_ =	shalt  }
0x53: {  	_ =	shalt  }
0x54: {  	_ =	shalt  }
0x55: {  	_ =	shalt  }
0x56: {  	_ =	shalt  }
0x57: {  	_ =	shalt  }
0x58: {  	_ =	shalt  }
0x59: {  	_ =	shalt  }
0x5a: {  	_ =	shalt  }
0x5b: {  	_ =	shalt  }
0x5c: {  	_ =	shalt  }
0x5d: {  	_ =	shalt  }
0x5e: {  	_ =	shalt  }
0x5f: {  	_ =	shalt  }
0x60: {  	_ =	shalt  }
0x61: {  	_ =	shalt  }
0x62: {  	_ =	shalt  }
0x63: {  	_ =	shalt  }
0x64: {  	_ =	shalt  }
0x65: {  	_ =	shalt  }
0x66: {  	_ =	shalt  }
0x67: {  	_ =	shalt  }
0x68: {  	_ =	shalt  }
0x69: {  	_ =	shalt  }
0x6a: {  	_ =	shalt  }
0x6b: {  	_ =	shalt  }
0x6c: {  	_ =	shalt  }
0x6d: {  	_ =	shalt  }
0x6e: {  	_ =	shalt  }
0x6f: {  	_ =	shalt  }
0x70: {  	_ =	shalt  }
0x71: {  	_ =	shalt  }
0x72: {  	_ =	shalt  }
0x73: {  	_ =	shalt  }
0x74: {  	_ =	shalt  }
0x75: {  	_ =	shalt  }
0x76: {  	_ =	shalt  }
0x77: {  	_ =	shalt  }
0x78: {  	_ =	shalt  }
0x79: {  	_ =	shalt  }
0x7a: {  	_ =	shalt  }
0x7b: {  	_ =	shalt  }
0x7c: {  	_ =	shalt  }
0x7d: {  	_ =	shalt  }
0x7e: {  	_ =	shalt  }
0x7f: {  	_ =	shalt  }
0x80: {  	_ =	shalt  }
0x81: {  	_ =	shalt  }
0x82: {  	_ =	shalt  }
0x83: {  	_ =	shalt  }
0x84: {  	_ =	shalt  }
0x85: {  	_ =	shalt  }
0x86: {  	_ =	shalt  }
0x87: {  	_ =	shalt  }
.Lfunc_end0:
.L_simem_size_0:
called_computation.2_lowered:
.L_overlay_start_0:
0x88: {  	s2 =	sld [smem:$0x3FD9]  }
0x89: {  	s3 =	sld [smem:$0x3FFE];
	_ =	sdelay $0x1  }
0x8a: {  	s1 =	srdreg.scid  }
0x8b: {  	s0 =	sand.u32 $0x1, s1  }
0x8c: {  	s16 =	sshll.u32 s0, $0xA;
	s2 =	sadd.s32 s3, s2  }
0x8d: {  	s2 =	sadd.s32 s2, s16  }
0x8e: {  	[smem:$0x3FB9] =	sst s2  }
0x8f: {  	_ = 	snop  }
0x90: {  	(tm) =	ssettm $0x1  }
0x91: {  	s17 =	sld [smem:$0x3FFB];
	_ =	sdelay $0x3  }
0x92: {  	_ =	strace s17  }
0x93: {  	s2 =	sld [smem:$0x3FFC];
	_ =	sdelay $0x3  }
0x94: {  	_ =	strace s2  }
0x95: {  	s2 =	sld [smem:$0x3FFD];
	_ =	sdelay $0x3  }
0x96: {  	_ =	strace s2  }
0x97: {  	_ =	strace $0x8FFFFFFF  }
0x98: {  	s18 =	sld [smem:$0x3FDB];
	_ =	sdelay $0x1  }
0x99: {  	s19 =	simm.s32 $_scs_section_size  }
0x9a: {  	s4 =	simm.s32 $_size__tile_overlayer_lowered;
	s5 =	simm.s32 $_tile_overlayer_lowered  }
0x9b: {  	s22 =	simm.s32 $0x1BFF;
	s21 =	sshll.u32 s5, $0x1;
	s2 =	sadd.s32 s19, s18  }
0x9c: {  	s6 =	simm.s32 $0x0;
	s20 =	sshll.u32 s4, $0x1;
	s4 =	sadd.s32 s21, s2  }
0x9d: {  	[timem:s6], [sflag:s22] =	dma.local [hbm:s4], s20  }
0x9e: {  	_ =	swait.ge [sflag:s22], s20  }
0x9f: {  	s3 =	ssub.s32 $0x0, s20;
	[sflag:s22] =	ssyncset.done $0x0  }
0xa0: {  	[sflag:s22] =	ssyncadd.s32 s3;
	_ =	sdelay $0x1  }
0xa1: {  	s23 =	simm.s32 $0x1B8B  }
0xa2: {  	_ =	swait.ge [sflag:s23], $0x1  }
0xa3: {  	[sflag:s23] =	ssyncset.done $0x0  }
0xa4: {  	s25 =	simm.s32 $0x1B8E;
	s24 =	sld [smem:$0x3FFE];
	[sflag:s23] =	ssyncadd.s32 $0xFFFFFFFF  }
0xa5: {  	s26 =	simm.s32 $execute0_lowered;
	[smem:$0x3FD2] =	sst s25  }
0xa6: {  	s4 =	sshll.u32 s26, $0x1;
	_ =	strace $0x8000004C;
	[dreg:$0x1] =	wrdreg $0xFFFFFFFF  }
0xa7: {  	s28 =	simm.s32 $_size_execute0_lowered;
	s2 =	sadd.s32 s2, s4;
	[dreg:$0x0] =	wrdreg $0x0  }
0xa8: {  	s4 =	sshll.u32 s28, $0x1;
	[dreg:$0x2] =	wrdreg s2  }
0xa9: {  	[dreg:$0x3] =	wrdreg s4  }
0xaa: {  	[dreg:$0x4] =	wrdreg $0xC0  }
0xab: {  	_ =	task [dreg:s6], $0x5FFFF  }
0xac: {  	[dreg:$0x1] =	wrdreg $0xFFFFFFFF  }
0xad: {  	[dreg:$0x0] =	wrdreg $0x60  }
0xae: {  	[dreg:$0x2] =	wrdreg s24  }
0xaf: {  	[dreg:$0x3] =	wrdreg $0x28000  }
0xb0: {  	[dreg:$0x4] =	wrdreg $0x9  }
0xb1: {  	_ =	task.clear_ibuf [dreg:s6], $0x5FFFF;
	_ =	strace $0x9000004C  }
0xb2: {  	s29 =	simm.s32 $0x9;
	_ =	strace $0x8000004E  }
0xb3: {  	_ =	swait.ge [sflag:s29], $0x1  }
0xb4: {  	[sflag:s29] =	ssyncadd.s32 $0xFFFFFFFF  }
0xb5: {  	_ =	strace $0x9000004E  }
0xb6: {  	_ =	sfence  }
0xb7: {  	s30 =	sld [smem:$0x0];
	_ =	sdelay $0x2  }
0xb8: {  	s31 =	sshll.u32 s1, $0xD;
	s1 =	sshrl.u32 s1, $0x2  }
0xb9: {  	s3 =	sand.u32 $0x4000, s31;
	s1 =	sadd.s32 s1, s30  }
0xba: {  	s0 =	sor.u32 s3, s0;
	s1 =	sshll.u32 s1, $0x11  }
0xbb: {  	s0 =	sor.u32 s1, s0  }
0xbc: {  	s0 =	sadd.s32 $0x8F2B, s0  }
0xbd: {  	[sflag:s0] =	ssyncadd.remote.s32 $0x1  }
0xbe: {  	_ =	sfence.sel $0xFFFF  }
0xbf: {  	[dreg:$0x0] =	wrdreg $0xFFFFFFFF;
	(pc) =	sbr.abs _section_cstart, $3  }
0xc0: {  	[dreg:$0x1] =	wrdreg $0xFFFFFFFF  }
0xc1: {  	_ =	task.clear_ibuf [dreg:s6], $0x2FFFF;
	_ =	strace $0x9FFFFFFF  }
0xc2: {  	(tm) =	ssettm $0x7FFFFFFF  }
0xc3: {  	_ =	shalt  }
tec
execute0_lowered:
.L_overlay_start_1:
0x0: {  	(tag) =	ssettag $0x1  }
0x1: {  	s6 =	rddreg [dreg:$0x0]  }
0x2: {  	s2 =	rddreg [dreg:$0x1]  }
0x3: {  	s0 =	rddreg [dreg:$0x2];
	s3 =	simm.s32 $0x0  }
0x4: {  	s1 =	stileid.u32;
	s4 =	srdreg.scid;
	s19 =	simm.s32 $0x80  }
0x5: {  	s20 =	simm.s32 $0x16880;
	s21 =	simm.s32 $0x1A880;
	s22 =	simm.s32 $0x1  }
0x6: {  	s23 =	simm.s32 $0x2;
	[smem:$0x7FF] =	sst s3;
	s7 =	smul.u32 $0x14000, s1  }
0x7: {  	s8 =	sand.u32 $0x1, s4;
	s4 =	sadd.s32 $0x55E00, s6;
	s5 =	sadd.s32 $0xEA00, s6  }
0x8: {  	s10 =	sadd.s32 $0x4BE00, s6;
	s13 =	sadd.s32 $0x4A00, s6;
	s12 =	sadd.s32 $0x41E00, s6  }
0x9: {  	s14 =	smul.u32 $0x50000, s1;
	s30 =	sshll.u32 s1, $0x6;
	_ =	strace $0x8000004D  }
0xa: {  	s9 =	smul.u32 $0x140000, s8;
	s24 =	sshll.u32 s8, $0x4;
	s25 =	ssub.s32 $0x2, s8  }
0xb: {  	s11 =	sshrl.u32 s7, $0x3;
	s26 =	sor.u32 s1, s24;
	s8 =	sshrl.u32 s25, $0x1  }
0xc: {  	s28 =	sshrl.u32 s14, $0x2;
	s24 =	simm.s32 $0x2700;
	s11 =	sadd.s32 s11, s6  }
0xd: {  	s7 =	sadd.s32 s7, s9;
	s29 =	smul.u32 $0x2800, s26;
	s16 =	ssub.s32 s25, s8  }
0xe: {  	s17 =	sadd.s32 s28, s2;
	s18 =	smul.u32 $0x500, s26;
	s7 =	sshrl.u32 s7, $0x3  }
0xf: {  	s25 =	simm.s32 $0x2780;
	s26 =	simm.s32 $0x0;
	s15 =	sadd.s32 s7, s6  }
0x10: {  	s6 =	sadd.s32 $0xA5E00, s11;
	s31 =	sshrl.u32 s29, $0x3;
	s7 =	sor.u32 $0x1C03, s30  }
0x11: {  	s8 =	sadd.s32 s10, s18;
	s9 =	sadd.s32 s12, s18;
	s14 =	sadd.s32 $0x280, s31  }
0x12: {  	s10 =	sadd.s32 s10, s14;
	s11 =	sadd.s32 s12, s14;
	s12 =	sadd.s32 s13, s18  }
0x13: {  	s13 =	sadd.s32 s13, s14;
	s14 =	sadd.s32 $0xCDE00, s15;
	s15 =	smax.u32 s16, $0x1  }
0x14: {  	s16 =	sshrl.u32 s17, $0x3;
	s17 =	simm.s32 $0x3;
	s18 =	simm.s32 $0x1400  }
.LBB2_1:
0x15: {  	[spmem:s16], [sflag:s7] =	dma.local [hbm:s6], $0x2800  }
0x16: {  	_ =	swait.ge [sflag:s17], $0x2800  }
0x17: {  	[sflag:s17] =	ssyncset.done $0x0  }
0x18: {  	[sflag:s17] =	ssyncadd.s32 $0xFFFFD800  }
0x19: {  	[bflag:$0x0] =	sbarrier.arrive $0xFFFF  }
0x1a: {  	[tilespmem:s3], [sflag:$0x3] =	stream.linear.gather [hbm4b:s8+s3], $0x1400, $0x38;
	[tilespmem:$0x1E880] =	vst v63  }
0x1b: {  	_ =	swait.ge [sflag:s17], $0x1400  }
0x1c: {  	[sflag:s17] =	ssyncset.done $0x0  }
0x1d: {  	[sflag:s17] =	ssyncadd.s32 $0xFFFFEC00  }
0x1e: {  	[tilespmem:s18], [sflag:$0x3] =	stream.linear.gather [hbm4b:s9+s3], $0x1400, $0x38;
	[tilespmem:$0x1E880] =	vst v63  }
0x1f: {  	_ =	swait.ge [sflag:s17], $0x1400  }
0x20: {  	[sflag:s17] =	ssyncset.done $0x0  }
0x21: {  	[sflag:s17] =	ssyncadd.s32 $0xFFFFEC00  }
0x22: {  	[tilespmem:s20], [sflag:$0x1] =	stream.indirect.gather [hbm4b:s4+s19], $0x80, s3, s19, $0xb8;
	[tilespmem:$0x1E880] =	vst v63  }
0x23: {  	_ = 	snop  }
0x24: {  	[tilespmem:s21], [sflag:$0x2] =	stream.indirect.gather [hbm4b:s4+s19], $0x80, s19, s19, $0xb8;
	[tilespmem:$0x1E880] =	vst v63  }
0x25: {  	_ =	swait.ge [sflag:s22], $0x4000  }
0x26: {  	[sflag:s22] =	ssyncset.done $0x0  }
0x27: {  	s28 =	simm.s32 $0x1400;
	[sflag:s22] =	ssyncadd.s32 $0xFFFFC000  }
0x28: {  	[spmem:s2] =	stream.indirect.scatter.add.f32 [tilespmem:s20], [sflag:$0x3], $0x80, s28, s19, $0xb8;
	[tilespmem:$0x1E880] =	vst v63  }
0x29: {  	_ =	swait.ge [sflag:s17], $0x4000  }
0x2a: {  	[sflag:s17] =	ssyncset.done $0x0  }
0x2b: {  	s28 =	simm.s32 $0x100;
	[sflag:s17] =	ssyncadd.s32 $0xFFFFC000  }
0x2c: {  	[tilespmem:s20], [sflag:$0x1] =	stream.indirect.gather [hbm4b:s4+s19], $0x80, s28, s19, $0xb8;
	[tilespmem:$0x1E880] =	vst v63  }
0x2d: {  	_ =	swait.ge [sflag:s23], $0x4000  }
0x2e: {  	[sflag:s23] =	ssyncset.done $0x0  }
0x2f: {  	s28 =	simm.s32 $0x1480;
	[sflag:s23] =	ssyncadd.s32 $0xFFFFC000  }
0x30: {  	[spmem:s2] =	stream.indirect.scatter.add.f32 [tilespmem:s21], [sflag:$0x3], $0x80, s28, s19, $0xb8;
	[tilespmem:$0x1E880] =	vst v63  }
0x31: {  	_ =	swait.ge [sflag:s17], $0x4000  }
0x32: {  	[sflag:s17] =	ssyncset.done $0x0  }
0x33: {  	s29 =	simm.s32 $0x180;
	s28 =	simm.s32 $0x400;
	[sflag:s17] =	ssyncadd.s32 $0xFFFFC000  }
.LBB2_2:
0x34: {  	[tilespmem:s21], [sflag:$0x2] =	stream.indirect.gather [hbm4b:s4+s19], $0x80, s29, s19, $0xb8;
	[tilespmem:$0x1E880] =	vst v63  }
0x35: {  	s29 =	smov.u32 s28  }
0x36: {  	p0 =	sne.s32 s28, $0x4800;
	s28 =	sadd.s32 $0x400, s28;
	_ =	swait.ge [sflag:s22], $0x4000  }
0x37: {  	s29 =	sshra.s32 s29, $0x2;
	[sflag:s22] =	ssyncset.done $0x0  }
0x38: {  	s30 =	sadd.s32 $0x1400, s29;
	[sflag:s22] =	ssyncadd.s32 $0xFFFFC000  }
0x39: {  	[spmem:s2] =	stream.indirect.scatter.add.f32 [tilespmem:s20], [sflag:$0x3], $0x80, s30, s19, $0xb8;
	[tilespmem:$0x1E880] =	vst v63  }
0x3a: {  	_ =	swait.ge [sflag:s17], $0x4000  }
0x3b: {  	[sflag:s17] =	ssyncset.done $0x0  }
0x3c: {  	s30 =	sadd.s32 $0x100, s29;
	[sflag:s17] =	ssyncadd.s32 $0xFFFFC000  }
0x3d: {  	[tilespmem:s20], [sflag:$0x1] =	stream.indirect.gather [hbm4b:s4+s19], $0x80, s30, s19, $0xb8;
	[tilespmem:$0x1E880] =	vst v63  }
0x3e: {  	_ =	swait.ge [sflag:s23], $0x4000  }
0x3f: {  	[sflag:s23] =	ssyncset.done $0x0  }
.Ltmp0:
0x40: {  	s30 =	sadd.s32 $0x1480, s29;
	[sflag:s23] =	ssyncadd.s32 $0xFFFFC000;
	(pc) =	sbr.rel @p0 .LBB2_2-.Ltmp0, $4  }
0x41: {  	[spmem:s2] =	stream.indirect.scatter.add.f32 [tilespmem:s21], [sflag:$0x3], $0x80, s30, s19, $0xb8;
	[tilespmem:$0x1E880] =	vst v63  }
0x42: {  	_ =	swait.ge [sflag:s17], $0x4000  }
0x43: {  	[sflag:s17] =	ssyncset.done $0x0  }
0x44: {  	s29 =	sadd.s32 $0x180, s29;
	[sflag:s17] =	ssyncadd.s32 $0xFFFFC000  }
0x45: {  	[tilespmem:s21], [sflag:$0x2] =	stream.indirect.gather [hbm4b:s4+s19], $0x80, s29, s19, $0xb8;
	[tilespmem:$0x1E880] =	vst v63  }
0x46: {  	_ =	swait.ge [sflag:s22], $0x4000  }
0x47: {  	[sflag:s22] =	ssyncset.done $0x0  }
0x48: {  	[sflag:s22] =	ssyncadd.s32 $0xFFFFC000  }
0x49: {  	[spmem:s2] =	stream.indirect.scatter.add.f32 [tilespmem:s20], [sflag:$0x3], $0x80, s24, s19, $0xb8;
	[tilespmem:$0x1E880] =	vst v63  }
0x4a: {  	_ =	swait.ge [sflag:s17], $0x4000  }
0x4b: {  	[sflag:s17] =	ssyncset.done $0x0  }
0x4c: {  	[sflag:s17] =	ssyncadd.s32 $0xFFFFC000  }
0x4d: {  	_ =	swait.ge [sflag:s23], $0x4000  }
0x4e: {  	[sflag:s23] =	ssyncset.done $0x0  }
0x4f: {  	[sflag:s23] =	ssyncadd.s32 $0xFFFFC000  }
0x50: {  	[spmem:s2] =	stream.indirect.scatter.add.f32 [tilespmem:s21], [sflag:$0x3], $0x80, s25, s19, $0xb8;
	[tilespmem:$0x1E880] =	vst v63  }
0x51: {  	_ =	swait.ge [sflag:s17], $0x4000  }
0x52: {  	[sflag:s17] =	ssyncset.done $0x0  }
0x53: {  	s28 =	simm.s32 $0x0;
	[sflag:s17] =	ssyncadd.s32 $0xFFFFC000  }
0x54: {  	[tilespmem:s28], [sflag:$0x3] =	stream.linear.gather [hbm4b:s10+s28], $0x1400, $0x38;
	[tilespmem:$0x1E880] =	vst v63  }
0x55: {  	_ =	swait.ge [sflag:s17], $0x1400  }
0x56: {  	[sflag:s17] =	ssyncset.done $0x0  }
0x57: {  	[sflag:s17] =	ssyncadd.s32 $0xFFFFEC00  }
0x58: {  	[tilespmem:s18], [sflag:$0x3] =	stream.linear.gather [hbm4b:s11+s28], $0x1400, $0x38;
	[tilespmem:$0x1E880] =	vst v63  }
0x59: {  	_ =	swait.ge [sflag:s17], $0x1400  }
0x5a: {  	[sflag:s17] =	ssyncset.done $0x0  }
0x5b: {  	[sflag:s17] =	ssyncadd.s32 $0xFFFFEC00  }
0x5c: {  	[tilespmem:s20], [sflag:$0x1] =	stream.indirect.gather [hbm4b:s4+s19], $0x80, s28, s19, $0xb8;
	[tilespmem:$0x1E880] =	vst v63  }
0x5d: {  	_ = 	snop  }
0x5e: {  	[tilespmem:s21], [sflag:$0x2] =	stream.indirect.gather [hbm4b:s4+s19], $0x80, s19, s19, $0xb8;
	[tilespmem:$0x1E880] =	vst v63  }
0x5f: {  	_ =	swait.ge [sflag:s22], $0x4000  }
0x60: {  	[sflag:s22] =	ssyncset.done $0x0  }
0x61: {  	s28 =	simm.s32 $0x1400;
	[sflag:s22] =	ssyncadd.s32 $0xFFFFC000  }
0x62: {  	[spmem:s2] =	stream.indirect.scatter.add.f32 [tilespmem:s20], [sflag:$0x3], $0x80, s28, s19, $0xb8;
	[tilespmem:$0x1E880] =	vst v63  }
0x63: {  	_ =	swait.ge [sflag:s17], $0x4000  }
0x64: {  	[sflag:s17] =	ssyncset.done $0x0  }
0x65: {  	s28 =	simm.s32 $0x100;
	[sflag:s17] =	ssyncadd.s32 $0xFFFFC000  }
0x66: {  	[tilespmem:s20], [sflag:$0x1] =	stream.indirect.gather [hbm4b:s4+s19], $0x80, s28, s19, $0xb8;
	[tilespmem:$0x1E880] =	vst v63  }
0x67: {  	_ =	swait.ge [sflag:s23], $0x4000  }
0x68: {  	[sflag:s23] =	ssyncset.done $0x0  }
0x69: {  	s28 =	simm.s32 $0x1480;
	[sflag:s23] =	ssyncadd.s32 $0xFFFFC000  }
0x6a: {  	[spmem:s2] =	stream.indirect.scatter.add.f32 [tilespmem:s21], [sflag:$0x3], $0x80, s28, s19, $0xb8;
	[tilespmem:$0x1E880] =	vst v63  }
0x6b: {  	_ =	swait.ge [sflag:s17], $0x4000  }
0x6c: {  	[sflag:s17] =	ssyncset.done $0x0  }
0x6d: {  	s29 =	simm.s32 $0x180;
	s28 =	simm.s32 $0x400;
	[sflag:s17] =	ssyncadd.s32 $0xFFFFC000  }
.LBB2_4:
0x6e: {  	[tilespmem:s21], [sflag:$0x2] =	stream.indirect.gather [hbm4b:s4+s19], $0x80, s29, s19, $0xb8;
	[tilespmem:$0x1E880] =	vst v63  }
0x6f: {  	s29 =	smov.u32 s28  }
0x70: {  	p0 =	sne.s32 s28, $0x4800;
	s28 =	sadd.s32 $0x400, s28;
	_ =	swait.ge [sflag:s22], $0x4000  }
0x71: {  	s29 =	sshra.s32 s29, $0x2;
	[sflag:s22] =	ssyncset.done $0x0  }
0x72: {  	s30 =	sadd.s32 $0x1400, s29;
	[sflag:s22] =	ssyncadd.s32 $0xFFFFC000  }
0x73: {  	[spmem:s2] =	stream.indirect.scatter.add.f32 [tilespmem:s20], [sflag:$0x3], $0x80, s30, s19, $0xb8;
	[tilespmem:$0x1E880] =	vst v63  }
0x74: {  	_ =	swait.ge [sflag:s17], $0x4000  }
0x75: {  	[sflag:s17] =	ssyncset.done $0x0  }
0x76: {  	s30 =	sadd.s32 $0x100, s29;
	[sflag:s17] =	ssyncadd.s32 $0xFFFFC000  }
0x77: {  	[tilespmem:s20], [sflag:$0x1] =	stream.indirect.gather [hbm4b:s4+s19], $0x80, s30, s19, $0xb8;
	[tilespmem:$0x1E880] =	vst v63  }
0x78: {  	_ =	swait.ge [sflag:s23], $0x4000  }
0x79: {  	[sflag:s23] =	ssyncset.done $0x0  }
.Ltmp1:
0x7a: {  	s30 =	sadd.s32 $0x1480, s29;
	[sflag:s23] =	ssyncadd.s32 $0xFFFFC000;
	(pc) =	sbr.rel @p0 .LBB2_4-.Ltmp1, $4  }
0x7b: {  	[spmem:s2] =	stream.indirect.scatter.add.f32 [tilespmem:s21], [sflag:$0x3], $0x80, s30, s19, $0xb8;
	[tilespmem:$0x1E880] =	vst v63  }
0x7c: {  	_ =	swait.ge [sflag:s17], $0x4000  }
0x7d: {  	[sflag:s17] =	ssyncset.done $0x0  }
0x7e: {  	s29 =	sadd.s32 $0x180, s29;
	[sflag:s17] =	ssyncadd.s32 $0xFFFFC000  }
0x7f: {  	[tilespmem:s21], [sflag:$0x2] =	stream.indirect.gather [hbm4b:s4+s19], $0x80, s29, s19, $0xb8;
	[tilespmem:$0x1E880] =	vst v63  }
0x80: {  	_ =	swait.ge [sflag:s22], $0x4000  }
0x81: {  	[sflag:s22] =	ssyncset.done $0x0  }
0x82: {  	[sflag:s22] =	ssyncadd.s32 $0xFFFFC000  }
0x83: {  	[spmem:s2] =	stream.indirect.scatter.add.f32 [tilespmem:s20], [sflag:$0x3], $0x80, s24, s19, $0xb8;
	[tilespmem:$0x1E880] =	vst v63  }
0x84: {  	_ =	swait.ge [sflag:s17], $0x4000  }
0x85: {  	[sflag:s17] =	ssyncset.done $0x0  }
0x86: {  	[sflag:s17] =	ssyncadd.s32 $0xFFFFC000  }
0x87: {  	_ =	swait.ge [sflag:s23], $0x4000  }
0x88: {  	[sflag:s23] =	ssyncset.done $0x0  }
0x89: {  	[sflag:s23] =	ssyncadd.s32 $0xFFFFC000  }
0x8a: {  	[spmem:s2] =	stream.indirect.scatter.add.f32 [tilespmem:s21], [sflag:$0x3], $0x80, s25, s19, $0xb8;
	[tilespmem:$0x1E880] =	vst v63  }
0x8b: {  	_ =	swait.ge [sflag:s17], $0x4000  }
0x8c: {  	[sflag:s17] =	ssyncset.done $0x0  }
0x8d: {  	s28 =	simm.s32 $0x0;
	[sflag:s17] =	ssyncadd.s32 $0xFFFFC000  }
0x8e: {  	[tilespmem:s28], [sflag:$0x3] =	stream.linear.gather [hbm4b:s12+s28], $0x1400, $0x38;
	[tilespmem:$0x1E880] =	vst v63  }
0x8f: {  	_ =	swait.ge [sflag:s17], $0x1400  }
0x90: {  	[sflag:s17] =	ssyncset.done $0x0  }
0x91: {  	[sflag:s17] =	ssyncadd.s32 $0xFFFFEC00  }
0x92: {  	[tilespmem:s18], [sflag:$0x3] =	stream.linear.gather [hbm4b:s9+s28], $0x1400, $0x38;
	[tilespmem:$0x1E880] =	vst v63  }
0x93: {  	_ =	swait.ge [sflag:s17], $0x1400  }
0x94: {  	[sflag:s17] =	ssyncset.done $0x0  }
0x95: {  	[sflag:s17] =	ssyncadd.s32 $0xFFFFEC00  }
0x96: {  	[tilespmem:s20], [sflag:$0x1] =	stream.indirect.gather [hbm4b:s5+s19], $0x80, s28, s19, $0xb8;
	[tilespmem:$0x1E880] =	vst v63  }
0x97: {  	_ = 	snop  }
0x98: {  	[tilespmem:s21], [sflag:$0x2] =	stream.indirect.gather [hbm4b:s5+s19], $0x80, s19, s19, $0xb8;
	[tilespmem:$0x1E880] =	vst v63  }
0x99: {  	_ =	swait.ge [sflag:s22], $0x4000  }
0x9a: {  	[sflag:s22] =	ssyncset.done $0x0  }
0x9b: {  	s28 =	simm.s32 $0x1400;
	[sflag:s22] =	ssyncadd.s32 $0xFFFFC000  }
0x9c: {  	[spmem:s2] =	stream.indirect.scatter.add.f32 [tilespmem:s20], [sflag:$0x3], $0x80, s28, s19, $0xb8;
	[tilespmem:$0x1E880] =	vst v63  }
0x9d: {  	_ =	swait.ge [sflag:s17], $0x4000  }
0x9e: {  	[sflag:s17] =	ssyncset.done $0x0  }
0x9f: {  	s28 =	simm.s32 $0x100;
	[sflag:s17] =	ssyncadd.s32 $0xFFFFC000  }
0xa0: {  	[tilespmem:s20], [sflag:$0x1] =	stream.indirect.gather [hbm4b:s5+s19], $0x80, s28, s19, $0xb8;
	[tilespmem:$0x1E880] =	vst v63  }
0xa1: {  	_ =	swait.ge [sflag:s23], $0x4000  }
0xa2: {  	[sflag:s23] =	ssyncset.done $0x0  }
0xa3: {  	s28 =	simm.s32 $0x1480;
	[sflag:s23] =	ssyncadd.s32 $0xFFFFC000  }
0xa4: {  	[spmem:s2] =	stream.indirect.scatter.add.f32 [tilespmem:s21], [sflag:$0x3], $0x80, s28, s19, $0xb8;
	[tilespmem:$0x1E880] =	vst v63  }
0xa5: {  	_ =	swait.ge [sflag:s17], $0x4000  }
0xa6: {  	[sflag:s17] =	ssyncset.done $0x0  }
0xa7: {  	s29 =	simm.s32 $0x180;
	s28 =	simm.s32 $0x400;
	[sflag:s17] =	ssyncadd.s32 $0xFFFFC000  }
.LBB2_6:
0xa8: {  	[tilespmem:s21], [sflag:$0x2] =	stream.indirect.gather [hbm4b:s5+s19], $0x80, s29, s19, $0xb8;
	[tilespmem:$0x1E880] =	vst v63  }
0xa9: {  	s29 =	smov.u32 s28  }
0xaa: {  	p0 =	sne.s32 s28, $0x4800;
	s28 =	sadd.s32 $0x400, s28;
	_ =	swait.ge [sflag:s22], $0x4000  }
0xab: {  	s29 =	sshra.s32 s29, $0x2;
	[sflag:s22] =	ssyncset.done $0x0  }
0xac: {  	s30 =	sadd.s32 $0x1400, s29;
	[sflag:s22] =	ssyncadd.s32 $0xFFFFC000  }
0xad: {  	[spmem:s2] =	stream.indirect.scatter.add.f32 [tilespmem:s20], [sflag:$0x3], $0x80, s30, s19, $0xb8;
	[tilespmem:$0x1E880] =	vst v63  }
0xae: {  	_ =	swait.ge [sflag:s17], $0x4000  }
0xaf: {  	[sflag:s17] =	ssyncset.done $0x0  }
0xb0: {  	s30 =	sadd.s32 $0x100, s29;
	[sflag:s17] =	ssyncadd.s32 $0xFFFFC000  }
0xb1: {  	[tilespmem:s20], [sflag:$0x1] =	stream.indirect.gather [hbm4b:s5+s19], $0x80, s30, s19, $0xb8;
	[tilespmem:$0x1E880] =	vst v63  }
0xb2: {  	_ =	swait.ge [sflag:s23], $0x4000  }
0xb3: {  	[sflag:s23] =	ssyncset.done $0x0  }
.Ltmp2:
0xb4: {  	s30 =	sadd.s32 $0x1480, s29;
	[sflag:s23] =	ssyncadd.s32 $0xFFFFC000;
	(pc) =	sbr.rel @p0 .LBB2_6-.Ltmp2, $4  }
0xb5: {  	[spmem:s2] =	stream.indirect.scatter.add.f32 [tilespmem:s21], [sflag:$0x3], $0x80, s30, s19, $0xb8;
	[tilespmem:$0x1E880] =	vst v63  }
0xb6: {  	_ =	swait.ge [sflag:s17], $0x4000  }
0xb7: {  	[sflag:s17] =	ssyncset.done $0x0  }
0xb8: {  	s29 =	sadd.s32 $0x180, s29;
	[sflag:s17] =	ssyncadd.s32 $0xFFFFC000  }
0xb9: {  	[tilespmem:s21], [sflag:$0x2] =	stream.indirect.gather [hbm4b:s5+s19], $0x80, s29, s19, $0xb8;
	[tilespmem:$0x1E880] =	vst v63  }
0xba: {  	_ =	swait.ge [sflag:s22], $0x4000  }
0xbb: {  	[sflag:s22] =	ssyncset.done $0x0  }
0xbc: {  	[sflag:s22] =	ssyncadd.s32 $0xFFFFC000  }
0xbd: {  	[spmem:s2] =	stream.indirect.scatter.add.f32 [tilespmem:s20], [sflag:$0x3], $0x80, s24, s19, $0xb8;
	[tilespmem:$0x1E880] =	vst v63  }
0xbe: {  	_ =	swait.ge [sflag:s17], $0x4000  }
0xbf: {  	[sflag:s17] =	ssyncset.done $0x0  }
0xc0: {  	[sflag:s17] =	ssyncadd.s32 $0xFFFFC000  }
0xc1: {  	_ =	swait.ge [sflag:s23], $0x4000  }
0xc2: {  	[sflag:s23] =	ssyncset.done $0x0  }
0xc3: {  	[sflag:s23] =	ssyncadd.s32 $0xFFFFC000  }
0xc4: {  	[spmem:s2] =	stream.indirect.scatter.add.f32 [tilespmem:s21], [sflag:$0x3], $0x80, s25, s19, $0xb8;
	[tilespmem:$0x1E880] =	vst v63  }
0xc5: {  	_ =	swait.ge [sflag:s17], $0x4000  }
0xc6: {  	[sflag:s17] =	ssyncset.done $0x0  }
0xc7: {  	s28 =	simm.s32 $0x0;
	[sflag:s17] =	ssyncadd.s32 $0xFFFFC000  }
0xc8: {  	[tilespmem:s28], [sflag:$0x3] =	stream.linear.gather [hbm4b:s13+s28], $0x1400, $0x38;
	[tilespmem:$0x1E880] =	vst v63  }
0xc9: {  	_ =	swait.ge [sflag:s17], $0x1400  }
0xca: {  	[sflag:s17] =	ssyncset.done $0x0  }
0xcb: {  	[sflag:s17] =	ssyncadd.s32 $0xFFFFEC00  }
0xcc: {  	[tilespmem:s18], [sflag:$0x3] =	stream.linear.gather [hbm4b:s11+s28], $0x1400, $0x38;
	[tilespmem:$0x1E880] =	vst v63  }
0xcd: {  	_ =	swait.ge [sflag:s17], $0x1400  }
0xce: {  	[sflag:s17] =	ssyncset.done $0x0  }
0xcf: {  	[sflag:s17] =	ssyncadd.s32 $0xFFFFEC00  }
0xd0: {  	[tilespmem:s20], [sflag:$0x1] =	stream.indirect.gather [hbm4b:s5+s19], $0x80, s28, s19, $0xb8;
	[tilespmem:$0x1E880] =	vst v63  }
0xd1: {  	_ = 	snop  }
0xd2: {  	[tilespmem:s21], [sflag:$0x2] =	stream.indirect.gather [hbm4b:s5+s19], $0x80, s19, s19, $0xb8;
	[tilespmem:$0x1E880] =	vst v63  }
0xd3: {  	_ =	swait.ge [sflag:s22], $0x4000  }
0xd4: {  	[sflag:s22] =	ssyncset.done $0x0  }
0xd5: {  	s28 =	simm.s32 $0x1400;
	[sflag:s22] =	ssyncadd.s32 $0xFFFFC000  }
0xd6: {  	[spmem:s2] =	stream.indirect.scatter.add.f32 [tilespmem:s20], [sflag:$0x3], $0x80, s28, s19, $0xb8;
	[tilespmem:$0x1E880] =	vst v63  }
0xd7: {  	_ =	swait.ge [sflag:s17], $0x4000  }
0xd8: {  	[sflag:s17] =	ssyncset.done $0x0  }
0xd9: {  	s28 =	simm.s32 $0x100;
	[sflag:s17] =	ssyncadd.s32 $0xFFFFC000  }
0xda: {  	[tilespmem:s20], [sflag:$0x1] =	stream.indirect.gather [hbm4b:s5+s19], $0x80, s28, s19, $0xb8;
	[tilespmem:$0x1E880] =	vst v63  }
0xdb: {  	_ =	swait.ge [sflag:s23], $0x4000  }
0xdc: {  	[sflag:s23] =	ssyncset.done $0x0  }
0xdd: {  	s28 =	simm.s32 $0x1480;
	[sflag:s23] =	ssyncadd.s32 $0xFFFFC000  }
0xde: {  	[spmem:s2] =	stream.indirect.scatter.add.f32 [tilespmem:s21], [sflag:$0x3], $0x80, s28, s19, $0xb8;
	[tilespmem:$0x1E880] =	vst v63  }
0xdf: {  	_ =	swait.ge [sflag:s17], $0x4000  }
0xe0: {  	[sflag:s17] =	ssyncset.done $0x0  }
0xe1: {  	s29 =	simm.s32 $0x180;
	s28 =	simm.s32 $0x400;
	[sflag:s17] =	ssyncadd.s32 $0xFFFFC000  }
.LBB2_8:
0xe2: {  	[tilespmem:s21], [sflag:$0x2] =	stream.indirect.gather [hbm4b:s5+s19], $0x80, s29, s19, $0xb8;
	[tilespmem:$0x1E880] =	vst v63  }
0xe3: {  	s29 =	smov.u32 s28  }
0xe4: {  	p0 =	sne.s32 s28, $0x4800;
	s28 =	sadd.s32 $0x400, s28;
	_ =	swait.ge [sflag:s22], $0x4000  }
0xe5: {  	s29 =	sshra.s32 s29, $0x2;
	[sflag:s22] =	ssyncset.done $0x0  }
0xe6: {  	s30 =	sadd.s32 $0x1400, s29;
	[sflag:s22] =	ssyncadd.s32 $0xFFFFC000  }
0xe7: {  	[spmem:s2] =	stream.indirect.scatter.add.f32 [tilespmem:s20], [sflag:$0x3], $0x80, s30, s19, $0xb8;
	[tilespmem:$0x1E880] =	vst v63  }
0xe8: {  	_ =	swait.ge [sflag:s17], $0x4000  }
0xe9: {  	[sflag:s17] =	ssyncset.done $0x0  }
0xea: {  	s30 =	sadd.s32 $0x100, s29;
	[sflag:s17] =	ssyncadd.s32 $0xFFFFC000  }
0xeb: {  	[tilespmem:s20], [sflag:$0x1] =	stream.indirect.gather [hbm4b:s5+s19], $0x80, s30, s19, $0xb8;
	[tilespmem:$0x1E880] =	vst v63  }
0xec: {  	_ =	swait.ge [sflag:s23], $0x4000  }
0xed: {  	[sflag:s23] =	ssyncset.done $0x0  }
.Ltmp3:
0xee: {  	s30 =	sadd.s32 $0x1480, s29;
	[sflag:s23] =	ssyncadd.s32 $0xFFFFC000;
	(pc) =	sbr.rel @p0 .LBB2_8-.Ltmp3, $4  }
0xef: {  	[spmem:s2] =	stream.indirect.scatter.add.f32 [tilespmem:s21], [sflag:$0x3], $0x80, s30, s19, $0xb8;
	[tilespmem:$0x1E880] =	vst v63  }
0xf0: {  	_ =	swait.ge [sflag:s17], $0x4000  }
0xf1: {  	[sflag:s17] =	ssyncset.done $0x0  }
0xf2: {  	s29 =	sadd.s32 $0x180, s29;
	[sflag:s17] =	ssyncadd.s32 $0xFFFFC000  }
0xf3: {  	[tilespmem:s21], [sflag:$0x2] =	stream.indirect.gather [hbm4b:s5+s19], $0x80, s29, s19, $0xb8;
	[tilespmem:$0x1E880] =	vst v63  }
0xf4: {  	_ =	swait.ge [sflag:s22], $0x4000  }
0xf5: {  	[sflag:s22] =	ssyncset.done $0x0  }
0xf6: {  	[sflag:s22] =	ssyncadd.s32 $0xFFFFC000  }
0xf7: {  	[spmem:s2] =	stream.indirect.scatter.add.f32 [tilespmem:s20], [sflag:$0x3], $0x80, s24, s19, $0xb8;
	[tilespmem:$0x1E880] =	vst v63  }
0xf8: {  	_ =	swait.ge [sflag:s17], $0x4000  }
0xf9: {  	[sflag:s17] =	ssyncset.done $0x0  }
0xfa: {  	[sflag:s17] =	ssyncadd.s32 $0xFFFFC000  }
0xfb: {  	_ =	swait.ge [sflag:s23], $0x4000  }
0xfc: {  	[sflag:s23] =	ssyncset.done $0x0  }
0xfd: {  	[sflag:s23] =	ssyncadd.s32 $0xFFFFC000  }
0xfe: {  	[spmem:s2] =	stream.indirect.scatter.add.f32 [tilespmem:s21], [sflag:$0x3], $0x80, s25, s19, $0xb8;
	[tilespmem:$0x1E880] =	vst v63  }
0xff: {  	_ =	swait.ge [sflag:s17], $0x4000  }
0x100: {  	s26 =	sadd.s32 $0x1, s26;
	[sflag:s17] =	ssyncset.done $0x0  }
0x101: {  	p0 =	sne.s32 s26, s15;
	[sflag:s17] =	ssyncadd.s32 $0xFFFFC000  }
.Ltmp4:
0x102: {  	[bflag:$0x0] =	sbarrier.arrive $0xFFFF;
	(pc) =	sbr.rel @p0 .LBB2_1-.Ltmp4, $4  }
0x103: {  	[hbm:s14], [sflag:s7] =	dma.local [spmem:s16], $0x2800  }
0x104: {  	_ =	swait.ge [sflag:s17], $0x2800  }
0x105: {  	[sflag:s17] =	ssyncset.done $0x0  }
0x106: {  	[sflag:s17] =	ssyncadd.s32 $0xFFFFD800  }
0x107: {  	_ =	sfence.sel $0x180000  }
0x108: {  	[bflag:$0x0] =	sbarrier.arrive $0xFFFF  }
0x109: {  	p0 =	sne.s32 s1, $0x0;
	_ =	strace $0x9000004D  }
0x10a: {  	s0 =	sadd.s32 @!p0 $0x100000, s0;
	[bflag:$0x2] =	sbarrier.arrive $0xFFFF  }
0x10b: {  	[sflag:s0] =	ssyncadd.tile.s32 @!p0 $0x1;
	_ =	shalt  }
.Lfunc_end2:
_tile_overlayer_lowered:
.L_overlay_start_2:
0x10c: {  	(tag) =	ssettag $0x2  }
0x10d: {  	s0 =	rddreg [dreg:$0x0];
	s2 =	stileid.u32  }
0x10e: {  	s1 =	rddreg [dreg:$0x1];
	p0 =	sne.s32 s2, $0x0  }
0x10f: {  	s3 =	rddreg [dreg:$0x2];
	[bflag:$0x3] =	sbarrier.arrive $0xFFFF;
	s2 =	simm.s32 @!p0 $0x1C03  }
0x110: {  	[timem:s3], [sflag:s2] =	dma.local @!p0 [hbm:s0], s1  }
0x111: {  	s0 =	simm.s32 @!p0 $0x3  }
0x112: {  	_ =	swait.ge @!p0 [sflag:s0], s1  }
0x113: {  	s1 =	ssub.s32 @!p0 $0x0, s1;
	[sflag:s0] =	ssyncset.done @!p0 $0x0  }
0x114: {  	[sflag:s0] =	ssyncadd.s32 @!p0 s1  }
0x115: {  	[bflag:$0x3] =	sbarrier.arrive $0xFFFF  }
0x116: {  	_ =	shalt  }

// kernel: kernel.8.cloned.1.call-start
scs
__scs_entry_jumppad:
0x0: {  	(pc) =	sbr.rel $0x88, $3  }
0x1: {  	(tag) =	ssettag $0x0;
	lr =	simm.s32 $0x1  }
0x2: {  	[smem:$0x3F92] =	sst lr;
	_ =	strace $0xD0000000  }
0x3: {  	_ = 	snop  }
0x4: {  	_ = 	snop  }
0x5: {  	_ = 	snop  }
0x6: {  	_ = 	snop  }
0x7: {  	_ = 	snop  }
__scs_overlays_trampoline_lowered:
0x8: {  	[smem:$0x3FA1] =	sst s0  }
0x9: {  	[smem:$0x3FA2] =	sst s1  }
0xa: {  	[smem:$0x3FA3] =	sst s2  }
0xb: {  	[smem:$0x3FA4] =	sst s3  }
0xc: {  	[smem:$0x3FA5] =	sst s4  }
0xd: {  	[smem:$0x3FA6] =	sst s5  }
0xe: {  	[smem:$0x3FA7] =	sst s6  }
0xf: {  	[smem:$0x3FA8] =	sst s7  }
0x10: {  	[smem:$0x3FA9] =	sst s8  }
0x11: {  	[smem:$0x3FAA] =	sst s9;
	s0 =	simm.s32 @!p0 $0x0  }
0x12: {  	s1 =	sld [smem:$0x3F90];
	s0 =	simm.s32 @p0 $0x1  }
0x13: {  	[smem:$0x3FAB] =	sst s0;
	s0 =	simm.s32 @!p1 $0x0  }
0x14: {  	s2 =	sld [smem:$0x3F8F];
	s0 =	simm.s32 @p1 $0x1  }
0x15: {  	[smem:$0x3FAC] =	sst s0;
	s0 =	simm.s32 @!p2 $0x0  }
0x16: {  	s3 =	sld [smem:$0x3FDB];
	s0 =	simm.s32 @p2 $0x1  }
0x17: {  	s4 =	simm.s32 $0x1BF5;
	[smem:$0x3FAE] =	sst s0  }
0x18: {  	s0 =	sld [smem:$0x3F91];
	_ =	swait.ge [sflag:s4], $0x0  }
0x19: {  	s7 =	sld [smem:$0x3F92]  }
0x1a: {  	s8 =	sadd.s32 $0xFFFFE003, lr  }
0x1b: {  	s9 =	sadd.s32 $0xFFFFFEF7, lr;
	s5 =	simm.s32 $0xFFFFFFFF;
	p2 =	slt.u32 s8, $0xFFFFF086  }
0x1c: {  	p1 =	slt.u32 s9, $0xF7A;
	s5 =	simm.s32 @!p2 $0x0  }
0x1d: {  	s5 =	simm.s32 @p1 $0x1;
	p0 =	seq.s32 s7, s2  }
0x1e: {  	s7 =	smul.u32 @!p0 $0xF7A, s2;
	p2 =	seq.s32 @!p0 s5, $0x0  }
0x1f: {  	s9 =	smul.u32 $0xF7A, s1;
	s8 =	simm.s32 @!p0 $0x1BF5;
	p2 =	por !p2, p0  }
0x20: {  	[sflag:s8] =	ssyncset.s32 @!p0 $0xFFFFF086;
	s6 =	sadd.s32 @!p0 s3, s7;
	s7 =	simm.s32 @!p0 $0x108  }
0x21: {  	s3 =	sadd.s32 s3, s9;
	s6 =	sadd.s32 @!p0 $0x88, s6;
	s7 =	simm.s32 @p2 $0x1082  }
0x22: {  	[simem:s7], [sflag:s8] =	dma.local @!p0 [hbm:s6], $0xF7A  }
0x23: {  	s9 =	sor.u32 $0xD0000000, s2;
	s6 =	simm.s32 $0x108;
	_ =	swait.ge @!p0 [sflag:s8], $0x0  }
0x24: {  	s3 =	sadd.s32 $0x88, s3;
	s6 =	simm.s32 @!p1 $0x1082;
	[sflag:s4] =	ssyncset.s32 $0xFFFFF086  }
0x25: {  	[simem:s6], [sflag:s4] =	dma.local [hbm:s3], $0xF7A  }
0x26: {  	[smem:$0x3F92] =	sst s1;
	(tag) =	ssettag s2;
	_ =	strace s9  }
0x27: {  	s1 =	sld [smem:$0x3FA2]  }
0x28: {  	s2 =	sld [smem:$0x3FA3]  }
0x29: {  	s4 =	sld [smem:$0x3FA5]  }
0x2a: {  	p0 =	seq.s32 s5, $0x0;
	s5 =	sld [smem:$0x3FA6]  }
0x2b: {  	s6 =	sld [smem:$0x3FA7]  }
0x2c: {  	s7 =	sld [smem:$0x3FA8]  }
0x2d: {  	s3 =	simm.s32 $0x108;
	s8 =	sld [smem:$0x3FA9]  }
0x2e: {  	s3 =	simm.s32 @!p0 $0x1082;
	s9 =	sld [smem:$0x3FAA]  }
0x2f: {  	lr =	sadd.s32 s0, s3;
	s0 =	sld [smem:$0x3FA1]  }
0x30: {  	s3 =	sld [smem:$0x3FA4]  }
0x31: {  	[smem:$0x3FAD] =	sst s10  }
0x32: {  	s10 =	sld [smem:$0x3FAB];
	_ =	sdelay $0x3  }
0x33: {  	p0 =	seq.s32 s10, $0x1;
	s10 =	sld [smem:$0x3FAD];
	_ =	sdelay $0x3  }
0x34: {  	[smem:$0x3FAD] =	sst s10  }
0x35: {  	s10 =	sld [smem:$0x3FAC];
	_ =	sdelay $0x3  }
0x36: {  	p1 =	seq.s32 s10, $0x1;
	s10 =	sld [smem:$0x3FAD];
	_ =	sdelay $0x3  }
0x37: {  	[smem:$0x3FAD] =	sst s10  }
0x38: {  	s10 =	sld [smem:$0x3FAE]  }
0x39: {  	_ = 	snop;
	(pc) =	sbr.ind lr, $3  }
0x3a: {  	_ = 	snop  }
0x3b: {  	_ = 	snop  }
0x3c: {  	p2 =	seq.s32 s10, $0x1;
	s10 =	sld [smem:$0x3FAD]  }
0x3d: {  	_ =	shalt  }
0x3e: {  	_ =	shalt  }
0x3f: {  	_ =	shalt  }
0x40: {  	_ =	shalt  }
0x41: {  	_ =	shalt  }
0x42: {  	_ =	shalt  }
0x43: {  	_ =	shalt  }
0x44: {  	_ =	shalt  }
0x45: {  	_ =	shalt  }
0x46: {  	_ =	shalt  }
0x47: {  	_ =	shalt  }
0x48: {  	_ =	shalt  }
0x49: {  	_ =	shalt  }
0x4a: {  	_ =	shalt  }
0x4b: {  	_ =	shalt  }
0x4c: {  	_ =	shalt  }
0x4d: {  	_ =	shalt  }
0x4e: {  	_ =	shalt  }
0x4f: {  	_ =	shalt  }
0x50: {  	_ =	shalt  }
0x51: {  	_ =	shalt  }
0x52: {  	_ =	shalt  }
0x53: {  	_ =	shalt  }
0x54: {  	_ =	shalt  }
0x55: {  	_ =	shalt  }
0x56: {  	_ =	shalt  }
0x57: {  	_ =	shalt  }
0x58: {  	_ =	shalt  }
0x59: {  	_ =	shalt  }
0x5a: {  	_ =	shalt  }
0x5b: {  	_ =	shalt  }
0x5c: {  	_ =	shalt  }
0x5d: {  	_ =	shalt  }
0x5e: {  	_ =	shalt  }
0x5f: {  	_ =	shalt  }
0x60: {  	_ =	shalt  }
0x61: {  	_ =	shalt  }
0x62: {  	_ =	shalt  }
0x63: {  	_ =	shalt  }
0x64: {  	_ =	shalt  }
0x65: {  	_ =	shalt  }
0x66: {  	_ =	shalt  }
0x67: {  	_ =	shalt  }
0x68: {  	_ =	shalt  }
0x69: {  	_ =	shalt  }
0x6a: {  	_ =	shalt  }
0x6b: {  	_ =	shalt  }
0x6c: {  	_ =	shalt  }
0x6d: {  	_ =	shalt  }
0x6e: {  	_ =	shalt  }
0x6f: {  	_ =	shalt  }
0x70: {  	_ =	shalt  }
0x71: {  	_ =	shalt  }
0x72: {  	_ =	shalt  }
0x73: {  	_ =	shalt  }
0x74: {  	_ =	shalt  }
0x75: {  	_ =	shalt  }
0x76: {  	_ =	shalt  }
0x77: {  	_ =	shalt  }
0x78: {  	_ =	shalt  }
0x79: {  	_ =	shalt  }
0x7a: {  	_ =	shalt  }
0x7b: {  	_ =	shalt  }
0x7c: {  	_ =	shalt  }
0x7d: {  	_ =	shalt  }
0x7e: {  	_ =	shalt  }
0x7f: {  	_ =	shalt  }
0x80: {  	_ =	shalt  }
0x81: {  	_ =	shalt  }
0x82: {  	_ =	shalt  }
0x83: {  	_ =	shalt  }
0x84: {  	_ =	shalt  }
0x85: {  	_ =	shalt  }
0x86: {  	_ =	shalt  }
0x87: {  	_ =	shalt  }
.Lfunc_end0:
.L_simem_size_0:
called_computation_lowered:
.L_overlay_start_0:
0x88: {  	s2 =	sld [smem:$0x3FD9]  }
0x89: {  	s3 =	sld [smem:$0x3FFE];
	_ =	sdelay $0x1  }
0x8a: {  	s1 =	srdreg.scid  }
0x8b: {  	s0 =	sand.u32 $0x1, s1  }
0x8c: {  	s16 =	sshll.u32 s0, $0xA;
	s2 =	sadd.s32 s3, s2  }
0x8d: {  	s2 =	sadd.s32 s2, s16  }
0x8e: {  	[smem:$0x3FB9] =	sst s2  }
0x8f: {  	_ = 	snop  }
0x90: {  	(tm) =	ssettm $0x1  }
0x91: {  	s17 =	sld [smem:$0x3FFB];
	_ =	sdelay $0x3  }
0x92: {  	_ =	strace s17  }
0x93: {  	s2 =	sld [smem:$0x3FFC];
	_ =	sdelay $0x3  }
0x94: {  	_ =	strace s2  }
0x95: {  	s2 =	sld [smem:$0x3FFD];
	_ =	sdelay $0x3  }
0x96: {  	_ =	strace s2  }
0x97: {  	_ =	strace $0x8FFFFFFF  }
0x98: {  	s18 =	sld [smem:$0x3FDB];
	_ =	sdelay $0x1  }
0x99: {  	s19 =	simm.s32 $_scs_section_size  }
0x9a: {  	s4 =	simm.s32 $_size__tile_overlayer_lowered;
	s5 =	simm.s32 $_tile_overlayer_lowered  }
0x9b: {  	s22 =	simm.s32 $0x1BFF;
	s21 =	sshll.u32 s5, $0x1;
	s2 =	sadd.s32 s19, s18  }
0x9c: {  	s6 =	simm.s32 $0x0;
	s20 =	sshll.u32 s4, $0x1;
	s4 =	sadd.s32 s21, s2  }
0x9d: {  	[timem:s6], [sflag:s22] =	dma.local [hbm:s4], s20  }
0x9e: {  	_ =	swait.ge [sflag:s22], s20  }
0x9f: {  	s3 =	ssub.s32 $0x0, s20;
	[sflag:s22] =	ssyncset.done $0x0  }
0xa0: {  	[sflag:s22] =	ssyncadd.s32 s3;
	_ =	sdelay $0x1  }
0xa1: {  	s23 =	simm.s32 $0x1B8B  }
0xa2: {  	_ =	swait.ge [sflag:s23], $0x1  }
0xa3: {  	[sflag:s23] =	ssyncset.done $0x0  }
0xa4: {  	s25 =	simm.s32 $0x1B8E;
	s24 =	sld [smem:$0x3FFE];
	[sflag:s23] =	ssyncadd.s32 $0xFFFFFFFF  }
0xa5: {  	s26 =	simm.s32 $execute0_lowered;
	[smem:$0x3FD2] =	sst s25  }
0xa6: {  	s4 =	sshll.u32 s26, $0x1;
	_ =	strace $0x80000046;
	[dreg:$0x1] =	wrdreg $0xFFFFFFFF  }
0xa7: {  	s28 =	simm.s32 $_size_execute0_lowered;
	s2 =	sadd.s32 s2, s4;
	[dreg:$0x0] =	wrdreg $0x0  }
0xa8: {  	s4 =	sshll.u32 s28, $0x1;
	[dreg:$0x2] =	wrdreg s2  }
0xa9: {  	[dreg:$0x3] =	wrdreg s4  }
0xaa: {  	[dreg:$0x4] =	wrdreg $0xC0  }
0xab: {  	_ =	task [dreg:s6], $0x5FFFF  }
0xac: {  	[dreg:$0x1] =	wrdreg $0xFFFFFFFF  }
0xad: {  	[dreg:$0x0] =	wrdreg $0x60  }
0xae: {  	[dreg:$0x2] =	wrdreg s24  }
0xaf: {  	[dreg:$0x3] =	wrdreg $0x9  }
0xb0: {  	_ =	task.clear_ibuf [dreg:s6], $0x4FFFF;
	_ =	strace $0x90000046  }
0xb1: {  	s29 =	simm.s32 $0x9;
	_ =	strace $0x80000048  }
0xb2: {  	_ =	swait.ge [sflag:s29], $0x1  }
0xb3: {  	[sflag:s29] =	ssyncadd.s32 $0xFFFFFFFF  }
0xb4: {  	_ =	strace $0x90000048  }
0xb5: {  	_ =	sfence  }
0xb6: {  	s30 =	sld [smem:$0x0];
	_ =	sdelay $0x2  }
0xb7: {  	s31 =	sshll.u32 s1, $0xD;
	s1 =	sshrl.u32 s1, $0x2  }
0xb8: {  	s3 =	sand.u32 $0x4000, s31;
	s1 =	sadd.s32 s1, s30  }
0xb9: {  	s0 =	sor.u32 s3, s0;
	s1 =	sshll.u32 s1, $0x11  }
0xba: {  	s0 =	sor.u32 s1, s0  }
0xbb: {  	s0 =	sadd.s32 $0x8F2B, s0  }
0xbc: {  	[sflag:s0] =	ssyncadd.remote.s32 $0x1  }
0xbd: {  	_ =	sfence.sel $0xFFFF  }
0xbe: {  	[dreg:$0x0] =	wrdreg $0xFFFFFFFF;
	(pc) =	sbr.abs _section_cstart, $3  }
0xbf: {  	[dreg:$0x1] =	wrdreg $0xFFFFFFFF  }
0xc0: {  	_ =	task.clear_ibuf [dreg:s6], $0x2FFFF;
	_ =	strace $0x9FFFFFFF  }
0xc1: {  	(tm) =	ssettm $0x7FFFFFFF  }
tec
execute0_lowered:
.L_overlay_start_1:
0x0: {  	(tag) =	ssettag $0x1  }
0x1: {  	s0 =	srdreg.scid  }
0x2: {  	s4 =	rddreg [dreg:$0x0];
	s1 =	stileid.u32;
	s14 =	simm.s32 $0x4F00  }
0x3: {  	s15 =	simm.s32 $0x5080;
	s16 =	simm.s32 $0x5200;
	s17 =	simm.s32 $0x7A00  }
0x4: {  	s18 =	simm.s32 $0xA200;
	s19 =	simm.s32 $0xA480;
	s20 =	simm.s32 $0x80  }
0x5: {  	s21 =	simm.s32 $0x400;
	s22 =	simm.s32 $0x0;
	s3 =	sand.u32 $0x1, s0  }
0x6: {  	s0 =	rddreg [dreg:$0x1];
	s8 =	sshll.u32 s1, $0x7;
	s2 =	sshll.u32 s3, $0x4  }
0x7: {  	s8 =	sand.u32 $0x380, s8;
	s3 =	ssub.s32 $0x2, s3;
	s5 =	sor.u32 s1, s2  }
0x8: {  	s2 =	simm.s32 $0x0;
	s31 =	sshrl.u32 s3, $0x1;
	s6 =	smul.u32 $0x4E2, s5  }
0x9: {  	s7 =	sshrl.u32 s5, $0x3;
	[smem:$0x7FF] =	sst s2;
	s5 =	smul.u32 $0x28, s5  }
0xa: {  	s13 =	ssub.s32 s3, s31;
	s9 =	smul.u32 $0x14000, s7;
	_ =	strace $0x80000047  }
0xb: {  	s10 =	smul.u32 $0x1400, s7;
	s7 =	sshll.u32 s7, $0xA;
	s6 =	sadd.s32 s6, s4  }
0xc: {  	s11 =	sadd.s32 s5, s4;
	s7 =	sor.u32 s8, s7;
	s9 =	sor.u32 s8, s9  }
0xd: {  	s29 =	sor.u32 s8, s10;
	s7 =	sshrl.u32 s7, $0x3;
	s3 =	sadd.s32 $0x4A00, s6  }
0xe: {  	s28 =	sshrl.u32 s9, $0x3;
	s5 =	sshrl.u32 s29, $0x3;
	s12 =	sadd.s32 s7, s4  }
0xf: {  	s9 =	sadd.s32 s28, s4;
	s30 =	sadd.s32 s5, s4;
	s4 =	sadd.s32 $0xE800, s6  }
0x10: {  	s5 =	sadd.s32 $0x18600, s11;
	s6 =	sadd.s32 $0x18C00, s11;
	s10 =	sadd.s32 $0x2DC00, s12  }
0x11: {  	s11 =	smax.u32 s13, $0x1;
	s12 =	simm.s32 $0x1;
	s13 =	simm.s32 $0x2780  }
0x12: {  	v0 =	vimm.f32 $0.0e+00;
	v1 =	vimm.f32 $1.000000000e+00;
	s7 =	sadd.s32 $0x19C00, s9;
	s8 =	sadd.s32 $0x23C00, s9;
	s9 =	sadd.s32 $0x19200, s30  }
.LBB2_1:
0x13: {  	[tilespmem:s2], [sflag:$0x1] =	stream.linear.gather [hbm4b:s3+s2], $0x2710, $0x38;
	[tilespmem:$0xA500] =	vst v63  }
0x14: {  	_ =	swait.ge [sflag:s12], $0x2710  }
0x15: {  	[sflag:s12] =	ssyncset.done $0x0  }
0x16: {  	[sflag:s12] =	ssyncadd.s32 $0xFFFFD8F0  }
0x17: {  	[tilespmem:s13], [sflag:$0x1] =	stream.linear.gather [hbm4b:s4+s2], $0x2710, $0x38;
	[tilespmem:$0xA500] =	vst v63  }
0x18: {  	_ =	swait.ge [sflag:s12], $0x2710  }
0x19: {  	[sflag:s12] =	ssyncset.done $0x0  }
0x1a: {  	[sflag:s12] =	ssyncadd.s32 $0xFFFFD8F0  }
0x1b: {  	[tilespmem:s14], [sflag:$0x1] =	stream.linear.gather [hbm4b:s5+s2], $0x140, $0x38;
	[tilespmem:$0xA500] =	vst v63  }
0x1c: {  	_ =	swait.ge [sflag:s12], $0x140  }
0x1d: {  	[sflag:s12] =	ssyncset.done $0x0  }
0x1e: {  	[sflag:s12] =	ssyncadd.s32 $0xFFFFFEC0  }
0x1f: {  	[tilespmem:s15], [sflag:$0x1] =	stream.linear.gather [hbm4b:s6+s2], $0x140, $0x38;
	[tilespmem:$0xA500] =	vst v63  }
0x20: {  	_ =	swait.ge [sflag:s12], $0x140  }
0x21: {  	[sflag:s12] =	ssyncset.done $0x0  }
0x22: {  	s23 =	simm.s32 $0x40;
	s24 =	simm.s32 $0x0;
	[sflag:s12] =	ssyncadd.s32 $0xFFFFFEC0  }
.LBB2_2:
0x23: {  	p0 =	sne.s32 s23, $0x9FC0;
	[tilespmem:s24+$0x5200] =	vst v0;
	s25 =	smov.u32 s23;
	s23 =	sadd.s32 $0x40, s23  }
.Ltmp0:
0x24: {  	[tilespmem:s24+$0x7A00] =	vst v0;
	(pc) =	sbr.rel @p0 .LBB2_2-.Ltmp0, $2  }
0x25: {  	_ =	sdelay $0x2  }
0x26: {  	s24 =	sshra.s32 s25, $0x2  }
0x27: {  	[tilespmem:s24+$0x5200] =	vst v0  }
0x28: {  	[tilespmem:s24+$0x7A00] =	vst v0  }
0x29: {  	[tilespmem:$0xA200] =	vst v0  }
0x2a: {  	[tilespmem:$0xA210] =	vst v0  }
0x2b: {  	[tilespmem:$0xA220] =	vst v0  }
0x2c: {  	[tilespmem:$0xA230] =	vst v0  }
0x2d: {  	[tilespmem:$0xA240] =	vst v0  }
0x2e: {  	[tilespmem:$0xA250] =	vst v0  }
0x2f: {  	[tilespmem:$0xA260] =	vst v0  }
0x30: {  	[tilespmem:$0xA270] =	vst v0  }
0x31: {  	[tilespmem:$0xA280] =	vst v0  }
0x32: {  	[tilespmem:$0xA290] =	vst v0  }
0x33: {  	[tilespmem:$0xA2A0] =	vst v0  }
0x34: {  	[tilespmem:$0xA2B0] =	vst v0  }
0x35: {  	[tilespmem:$0xA2C0] =	vst v0  }
0x36: {  	[tilespmem:$0xA2D0] =	vst v0  }
0x37: {  	[tilespmem:$0xA2E0] =	vst v0  }
0x38: {  	[tilespmem:$0xA2F0] =	vst v0  }
0x39: {  	[tilespmem:$0xA300] =	vst v0  }
0x3a: {  	[tilespmem:$0xA310] =	vst v0  }
0x3b: {  	[tilespmem:$0xA320] =	vst v0  }
0x3c: {  	[tilespmem:$0xA330] =	vst v0  }
0x3d: {  	[tilespmem:$0xA340] =	vst v0  }
0x3e: {  	[tilespmem:$0xA350] =	vst v0  }
0x3f: {  	[tilespmem:$0xA360] =	vst v0  }
0x40: {  	[tilespmem:$0xA370] =	vst v0  }
0x41: {  	[tilespmem:$0xA380] =	vst v0  }
0x42: {  	[tilespmem:$0xA390] =	vst v0  }
0x43: {  	[tilespmem:$0xA3A0] =	vst v0  }
0x44: {  	[tilespmem:$0xA3B0] =	vst v0  }
0x45: {  	[tilespmem:$0xA3C0] =	vst v0  }
0x46: {  	[tilespmem:$0xA3D0] =	vst v0  }
0x47: {  	[tilespmem:$0xA3E0] =	vst v0  }
0x48: {  	[tilespmem:$0xA3F0] =	vst v0  }
0x49: {  	[tilespmem:$0xA400] =	vst v0  }
0x4a: {  	[tilespmem:$0xA480] =	vst v0  }
0x4b: {  	s24 =	simm.s32 $0x0;
	s23 =	simm.s32 $0x40;
	[tilespmem:$0xA490] =	vst v0  }
.LBB2_4:
0x4c: {  	p0 =	sne.s32 s23, $0x9C00;
	v2 =	vld [tilespmem:s24+$0x0];
	_ =	sdelay $0x7  }
0x4d: {  	[tilespmem:v2+s16+$0x0] =	vst.idx.add.f32.msk $0xffff, v1  }
0x4e: {  	v2 =	vld [tilespmem:s24+$0x2780];
	_ =	sdelay $0x3  }
.Ltmp1:
0x4f: {  	(pc) =	sbr.rel @p0 .LBB2_4-.Ltmp1, $2  }
0x50: {  	_ =	sdelay $0x2  }
0x51: {  	s24 =	sshra.s32 s23, $0x2;
	s23 =	sadd.s32 $0x40, s23;
	[tilespmem:v2+s17+$0x0] =	vst.idx.add.f32.msk $0xffff, v1  }
0x52: {  	v2 =	vld [tilespmem:s24+$0x0];
	_ =	sdelay $0x7  }
0x53: {  	[tilespmem:v2+s16+$0x0] =	vst.idx.add.f32.msk $0xffff, v1  }
0x54: {  	v2 =	vld [tilespmem:s24+$0x2780];
	_ =	sdelay $0x7  }
0x55: {  	s23 =	simm.s32 $0x40;
	s24 =	simm.s32 $0x0;
	[tilespmem:v2+s17+$0x0] =	vst.idx.add.f32.msk $0xffff, v1  }
.LBB2_6:
0x56: {  	p0 =	sne.s32 s23, $0x4C0;
	v2 =	vld [tilespmem:s24+$0x4F00];
	_ =	sdelay $0x7  }
0x57: {  	[tilespmem:v2+s18+$0x0] =	vst.idx.add.f32.msk $0xffff, v1  }
0x58: {  	v2 =	vld [tilespmem:s24+$0x5080];
	_ =	sdelay $0x3  }
.Ltmp2:
0x59: {  	(pc) =	sbr.rel @p0 .LBB2_6-.Ltmp2, $2  }
0x5a: {  	_ =	sdelay $0x2  }
0x5b: {  	s24 =	sshra.s32 s23, $0x2;
	s23 =	sadd.s32 $0x40, s23;
	[tilespmem:v2+s19+$0x0] =	vst.idx.add.f32.msk $0xffff, v1  }
0x5c: {  	v2 =	vld [tilespmem:s24+$0x4F00];
	_ =	sdelay $0x7  }
0x5d: {  	[tilespmem:v2+s18+$0x0] =	vst.idx.add.f32.msk $0xffff, v1  }
0x5e: {  	v2 =	vld [tilespmem:s24+$0x5080];
	_ =	sdelay $0x7  }
0x5f: {  	[tilespmem:v2+s19+$0x0] =	vst.idx.add.f32.msk $0xffff, v1  }
0x60: {  	[hbm4b:s7+s20] =	stream.strided.scatter [tilespmem:s16], [sflag:$0x1], $0x2800, s21, s20, $0x38;
	[tilespmem:$0xA500] =	vst v63  }
0x61: {  	_ =	swait.ge [sflag:s12], $0x2800  }
0x62: {  	[sflag:s12] =	ssyncset.done $0x0  }
0x63: {  	[sflag:s12] =	ssyncadd.s32 $0xFFFFD800  }
0x64: {  	[hbm4b:s8+s20] =	stream.strided.scatter [tilespmem:s17], [sflag:$0x1], $0x2800, s21, s20, $0x38;
	[tilespmem:$0xA500] =	vst v63  }
0x65: {  	_ =	swait.ge [sflag:s12], $0x2800  }
0x66: {  	[sflag:s12] =	ssyncset.done $0x0  }
0x67: {  	[sflag:s12] =	ssyncadd.s32 $0xFFFFD800  }
0x68: {  	[hbm4b:s9+s20] =	stream.strided.scatter [tilespmem:s18], [sflag:$0x1], $0x280, s21, s20, $0x38;
	[tilespmem:$0xA500] =	vst v63  }
0x69: {  	s22 =	sadd.s32 $0x1, s22;
	_ =	swait.ge [sflag:s12], $0x280  }
0x6a: {  	p0 =	sne.s32 s22, s11;
	[sflag:s12] =	ssyncset.done $0x0  }
.Ltmp3:
0x6b: {  	[sflag:s12] =	ssyncadd.s32 $0xFFFFFD80;
	(pc) =	sbr.rel @p0 .LBB2_1-.Ltmp3, $4  }
0x6c: {  	[hbm4b:s10+s2] =	stream.linear.scatter [tilespmem:s19], [sflag:$0x1], $0x80, $0x38;
	[tilespmem:$0xA500] =	vst v63  }
0x6d: {  	_ =	swait.ge [sflag:s12], $0x80  }
0x6e: {  	[sflag:s12] =	ssyncset.done $0x0  }
0x6f: {  	[sflag:s12] =	ssyncadd.s32 $0xFFFFFF80  }
0x70: {  	_ =	sfence.sel $0x180000  }
0x71: {  	[bflag:$0x0] =	sbarrier.arrive $0xFFFF  }
0x72: {  	p0 =	sne.s32 s1, $0x0;
	_ =	strace $0x90000047  }
0x73: {  	s0 =	sadd.s32 @!p0 $0x100000, s0;
	[bflag:$0x2] =	sbarrier.arrive $0xFFFF  }
0x74: {  	[sflag:s0] =	ssyncadd.tile.s32 @!p0 $0x1;
	_ =	shalt  }
.Lfunc_end2:
_tile_overlayer_lowered:
.L_overlay_start_2:
0x75: {  	(tag) =	ssettag $0x2  }
0x76: {  	s0 =	rddreg [dreg:$0x0];
	s2 =	stileid.u32  }
0x77: {  	s1 =	rddreg [dreg:$0x1];
	p0 =	sne.s32 s2, $0x0  }
0x78: {  	s3 =	rddreg [dreg:$0x2];
	[bflag:$0x3] =	sbarrier.arrive $0xFFFF;
	s2 =	simm.s32 @!p0 $0x1C01  }
0x79: {  	[timem:s3], [sflag:s2] =	dma.local @!p0 [hbm:s0], s1  }
0x7a: {  	s0 =	simm.s32 @!p0 $0x1  }
0x7b: {  	_ =	swait.ge @!p0 [sflag:s0], s1  }
0x7c: {  	s1 =	ssub.s32 @!p0 $0x0, s1;
	[sflag:s0] =	ssyncset.done @!p0 $0x0  }
0x7d: {  	[sflag:s0] =	ssyncadd.s32 @!p0 s1  }
0x7e: {  	[bflag:$0x3] =	sbarrier.arrive $0xFFFF  }
0x7f: {  	_ =	shalt  }

</sc_bundles>
